<compile_context>
chip_gen: v7x
topology: tpu7x:2x2x1
jax: 0.10.2.dev20260603
libtpu: 0.0.44.dev20260713+nightly
codegen_flags: <defaults>
</compile_context>

<pallas_src>
import functools

import jax
import jax.numpy as jnp
from jax import lax
from jax.experimental import pallas as pl
from jax.experimental.pallas import tpu as pltpu
from jax.experimental.pallas import tpu_sc as plsc

_FIELD0_ROWS = 1_000_000
_BATCH = 16384
_D = 16

_info = plsc.get_sparse_core_info()
_NC, _NS, _L = _info.num_cores, _info.num_subcores, _info.num_lanes
_NW = _NC * _NS
_BPW = _BATCH // _NW
_CHUNK = 128
_NCHUNK = _BPW // _CHUNK
_GRP = _CHUNK // _L


def _gmf_body(x0_hbm, x1_hbm, tbl_hbm, w_hbm, b_hbm, out_hbm,
              xv0, xv1, gi0, gi1, r0a, r0b, r1a, r1b, w_v, b_v, out_v,
              sem_a, sem_b):
    wid = lax.axis_index("s") * _NC + lax.axis_index("c")
    base = wid * _BPW

    pltpu.sync_copy(x0_hbm.at[pl.ds(base, _BPW)], xv0)
    pltpu.sync_copy(x1_hbm.at[pl.ds(base, _BPW)], xv1)
    pltpu.sync_copy(w_hbm, w_v)
    pltpu.sync_copy(b_hbm, b_v)

    for c in range(_NCHUNK):
        for k in range(_GRP):
            sl = pl.ds(k * _L, _L)
            fl = pl.ds(c * _CHUNK + k * _L, _L)
            gi0[c, sl] = lax.shift_right_logical(xv0[fl], 3)
            gi1[c, sl] = lax.shift_right_logical(xv1[fl] + _FIELD0_ROWS, 3)

    rbuf0 = (r0a, r0b)
    rbuf1 = (r1a, r1b)
    sems = (sem_a, sem_b)

    def fire(c):
        s = c % 2
        return (pltpu.async_copy(tbl_hbm.at[gi0.at[c]], rbuf0[s], sems[s]),
                pltpu.async_copy(tbl_hbm.at[gi1.at[c]], rbuf1[s], sems[s]))

    w = w_v[...]
    bv = b_v[...]
    lane = lax.iota(jnp.int32, _L)
    wd = [lax.gather(w, jnp.full((_L, 1), d, jnp.int32),
                     lax.GatherDimensionNumbers(
                         offset_dims=(), collapsed_slice_dims=(0,),
                         start_index_map=(0,)),
                     (1,), mode=lax.GatherScatterMode.PROMISE_IN_BOUNDS)
          for d in range(_D)]

    inflight = fire(0)
    for c in range(_NCHUNK):
        for cp in inflight:
            cp.wait()
        if c + 1 < _NCHUNK:
            inflight = fire(c + 1)
        r0 = rbuf0[c % 2]
        r1 = rbuf1[c % 2]

        def group(g, _, c=c, r0=r0, r1=r1):
            fl = pl.ds(c * _CHUNK + g * _L, _L)
            row = g * _L + lane
            off0 = lax.shift_left(jnp.bitwise_and(xv0[fl], 7), 4)
            off1 = lax.shift_left(
                jnp.bitwise_and(xv1[fl] + _FIELD0_ROWS, 7), 4)
            acc = bv
            for d in range(_D):
                u = plsc.load_gather(r0, [row, off0 + d])
                v = plsc.load_gather(r1, [row, off1 + d])
                acc = acc + u * v * wd[d]
            out_v[fl] = jnp.maximum(acc, 0.0)
            return 0

        lax.fori_loop(0, _GRP, group, 0)

    pltpu.sync_copy(out_v, out_hbm.at[pl.ds(base, _BPW)])


@jax.jit
def _gmf(x0, x1, tbl, w, bvec):
    mesh = plsc.VectorSubcoreMesh(core_axis_name="c", subcore_axis_name="s")
    run = functools.partial(
        pl.kernel,
        mesh=mesh,
        compiler_params=pltpu.CompilerParams(needs_layout_passes=False),
        out_type=jax.ShapeDtypeStruct((_BATCH,), jnp.float32),
        scratch_types=[
            pltpu.VMEM((_BPW,), jnp.int32),
            pltpu.VMEM((_BPW,), jnp.int32),
            pltpu.VMEM((_NCHUNK, _CHUNK), jnp.int32),
            pltpu.VMEM((_NCHUNK, _CHUNK), jnp.int32),
            pltpu.VMEM((_CHUNK, 8 * _D), jnp.float32),
            pltpu.VMEM((_CHUNK, 8 * _D), jnp.float32),
            pltpu.VMEM((_CHUNK, 8 * _D), jnp.float32),
            pltpu.VMEM((_CHUNK, 8 * _D), jnp.float32),
            pltpu.VMEM((_D,), jnp.float32),
            pltpu.VMEM((_L,), jnp.float32),
            pltpu.VMEM((_BPW,), jnp.float32),
            pltpu.SemaphoreType.DMA,
            pltpu.SemaphoreType.DMA,
        ],
    )(_gmf_body)
    return run(x0, x1, tbl, w, bvec)


def kernel(x, table, W, b):
    x0 = x[:, 0].astype(jnp.int32)
    x1 = x[:, 1].astype(jnp.int32)
    tbl = table.reshape(2_000_000 * _D // 128, 128)
    w = W.reshape(_D)
    bvec = jnp.broadcast_to(b.reshape(()), (_L,)).astype(jnp.float32)
    y = _gmf(x0, x1, tbl, w, bvec)
    return y.reshape(_BATCH, 1)

# --- scband reference (transcript-rebuilt; emitter-appended) ---
"""Pipeline reference for scband-gmf-37374805410645 (READ-ONLY COPY).

The authoritative reference and input builder live on the scoring server;
editing this copy changes nothing except your own understanding.
"""

import jax, jax.numpy as jnp
import numpy as np

FIELD_DIMS = [1000000, 1000000]
EMBED_DIM = 16
BATCH = 16384


def setup_inputs(seed: int = 0) -> dict:
    key = jax.random.key(seed)
    k1, k2, k3 = jax.random.split(key, 3)
    x = jax.random.randint(k1, (BATCH, len(FIELD_DIMS)), 0, FIELD_DIMS[0])
    total_rows = int(sum(FIELD_DIMS))
    table = jax.random.normal(k2, (total_rows, EMBED_DIM), dtype=jnp.float32) * 0.01
    W = jax.random.normal(k3, (EMBED_DIM, 1), dtype=jnp.float32) * 0.1
    b = jnp.zeros((1,), dtype=jnp.float32)
    return {"x": x, "table": table, "W": W, "b": b}


def reference(x, table, W, b):
    # FeaturesEmbedding: shared table with per-field offsets
    offsets = jnp.asarray(np.array((0, *np.cumsum(FIELD_DIMS)[:-1]), dtype=np.int32))
    idx = x + offsets[None, :]
    x_embed = jnp.take(table, idx, axis=0)  # [B, 2, D]
    user_embed = x_embed[:, 0]
    item_embed = x_embed[:, 1]
    product = user_embed * item_embed  # GMF elementwise product
    # MultilayerPerceptrons(input_dim=embed_dim, output_layer='relu'): Linear(D,1) + ReLU
    y = jax.nn.relu(product @ W + b)
    return y

if __name__ == "__main__":
    import jax
    _d = setup_inputs()
    print(jax.jit(kernel)(*tuple(_d.values())))

</pallas_src>

<mosaic_0001>
#map = affine_map<(d0, d1) -> (0)>
#map1 = affine_map<(d0, d1) -> (0, 0)>
module attributes {stable_mosaic.version = 14 : i64} {
  func.func @_gmf_body(%arg0: i32, %arg1: i32, %arg2: memref<16384xi32, #tpu.memory_space<hbm>>, %arg3: memref<16384xi32, #tpu.memory_space<hbm>>, %arg4: memref<250000x128xf32, #tpu.memory_space<hbm>>, %arg5: memref<16xf32, #tpu.memory_space<hbm>>, %arg6: memref<16xf32, #tpu.memory_space<hbm>>, %arg7: memref<16384xf32, #tpu.memory_space<hbm>>, %arg8: memref<512xi32, #tpu.memory_space<vmem>>, %arg9: memref<512xi32, #tpu.memory_space<vmem>>, %arg10: memref<4x128xi32, #tpu.memory_space<vmem>>, %arg11: memref<4x128xi32, #tpu.memory_space<vmem>>, %arg12: memref<128x128xf32, #tpu.memory_space<vmem>>, %arg13: memref<128x128xf32, #tpu.memory_space<vmem>>, %arg14: memref<128x128xf32, #tpu.memory_space<vmem>>, %arg15: memref<128x128xf32, #tpu.memory_space<vmem>>, %arg16: memref<16xf32, #tpu.memory_space<vmem>>, %arg17: memref<16xf32, #tpu.memory_space<vmem>>, %arg18: memref<512xf32, #tpu.memory_space<vmem>>, %arg19: memref<!tpu.dma_semaphore, #tpu.memory_space<semaphore_mem>>, %arg20: memref<!tpu.dma_semaphore, #tpu.memory_space<semaphore_mem>>) attributes {dimension_semantics = [#tpu.dimension_semantics<core_parallel>, #tpu.dimension_semantics<subcore_parallel>], iteration_bounds = array<i64: 2, 16>, scalar_prefetch = 0 : i64, scratch_operands = 13 : i64, tpu.core_type = #tpu.core_type<sc_vector_subcore>, window_params = [{transform_indices = #map}, {transform_indices = #map}, {transform_indices = #map1}, {transform_indices = #map}, {transform_indices = #map}, {transform_indices = #map}]} {
    %mul3A = arith.constant 2 : i32
    %mul3A_0 = arith.muli %arg1, %mul3A : i32
    %add3A = arith.addi %mul3A_0, %arg0 : i32
    %mul3A_1 = arith.constant 512 : i32
    %mul3A_2 = arith.muli %add3A, %mul3A_1 : i32
    "tpu.region"() ({
      %run_scoped3A = tpu.sem_alloc : memref<!tpu.dma_semaphore, #tpu.memory_space<semaphore_mem>>
      %dma_start3A_875 = tpu.memref_slice %arg2[%mul3A_2] : memref<16384xi32, #tpu.memory_space<hbm>> -> memref<512xi32, #tpu.memory_space<hbm>>
      %dma_start3A_876 = tpu.memref_slice %arg2[%mul3A_2] : memref<16384xi32, #tpu.memory_space<hbm>> -> memref<512xi32, #tpu.memory_space<hbm>>
      tpu.enqueue_dma source(%dma_start3A_876 : memref<512xi32, #tpu.memory_space<hbm>>) target(%arg8 : memref<512xi32, #tpu.memory_space<vmem>>) target_semaphore(%run_scoped3A : memref<!tpu.dma_semaphore, #tpu.memory_space<semaphore_mem>>)
      %dma_wait3A_877 = tpu.memref_slice %arg2[%mul3A_2] : memref<16384xi32, #tpu.memory_space<hbm>> -> memref<512xi32, #tpu.memory_space<hbm>>
      %dma_wait3A_878 = tpu.memref_slice %arg2[%mul3A_2] : memref<16384xi32, #tpu.memory_space<hbm>> -> memref<512xi32, #tpu.memory_space<hbm>>
      tpu.wait_dma2 semaphore(%run_scoped3A : memref<!tpu.dma_semaphore, #tpu.memory_space<semaphore_mem>>) src(%dma_wait3A_878 : memref<512xi32, #tpu.memory_space<hbm>>) dst(%arg8 : memref<512xi32, #tpu.memory_space<vmem>>)
      tpu.yield
    }) : () -> ()
    "tpu.region"() ({
      %run_scoped3A = tpu.sem_alloc : memref<!tpu.dma_semaphore, #tpu.memory_space<semaphore_mem>>
      %dma_start3A_875 = tpu.memref_slice %arg3[%mul3A_2] : memref<16384xi32, #tpu.memory_space<hbm>> -> memref<512xi32, #tpu.memory_space<hbm>>
      %dma_start3A_876 = tpu.memref_slice %arg3[%mul3A_2] : memref<16384xi32, #tpu.memory_space<hbm>> -> memref<512xi32, #tpu.memory_space<hbm>>
      tpu.enqueue_dma source(%dma_start3A_876 : memref<512xi32, #tpu.memory_space<hbm>>) target(%arg9 : memref<512xi32, #tpu.memory_space<vmem>>) target_semaphore(%run_scoped3A : memref<!tpu.dma_semaphore, #tpu.memory_space<semaphore_mem>>)
      %dma_wait3A_877 = tpu.memref_slice %arg3[%mul3A_2] : memref<16384xi32, #tpu.memory_space<hbm>> -> memref<512xi32, #tpu.memory_space<hbm>>
      %dma_wait3A_878 = tpu.memref_slice %arg3[%mul3A_2] : memref<16384xi32, #tpu.memory_space<hbm>> -> memref<512xi32, #tpu.memory_space<hbm>>
      tpu.wait_dma2 semaphore(%run_scoped3A : memref<!tpu.dma_semaphore, #tpu.memory_space<semaphore_mem>>) src(%dma_wait3A_878 : memref<512xi32, #tpu.memory_space<hbm>>) dst(%arg9 : memref<512xi32, #tpu.memory_space<vmem>>)
      tpu.yield
    }) : () -> ()
    "tpu.region"() ({
      %run_scoped3A = tpu.sem_alloc : memref<!tpu.dma_semaphore, #tpu.memory_space<semaphore_mem>>
      tpu.enqueue_dma source(%arg5 : memref<16xf32, #tpu.memory_space<hbm>>) target(%arg16 : memref<16xf32, #tpu.memory_space<vmem>>) target_semaphore(%run_scoped3A : memref<!tpu.dma_semaphore, #tpu.memory_space<semaphore_mem>>)
      tpu.wait_dma2 semaphore(%run_scoped3A : memref<!tpu.dma_semaphore, #tpu.memory_space<semaphore_mem>>) src(%arg5 : memref<16xf32, #tpu.memory_space<hbm>>) dst(%arg16 : memref<16xf32, #tpu.memory_space<vmem>>)
      tpu.yield
    }) : () -> ()
    "tpu.region"() ({
      %run_scoped3A = tpu.sem_alloc : memref<!tpu.dma_semaphore, #tpu.memory_space<semaphore_mem>>
      tpu.enqueue_dma source(%arg6 : memref<16xf32, #tpu.memory_space<hbm>>) target(%arg17 : memref<16xf32, #tpu.memory_space<vmem>>) target_semaphore(%run_scoped3A : memref<!tpu.dma_semaphore, #tpu.memory_space<semaphore_mem>>)
      tpu.wait_dma2 semaphore(%run_scoped3A : memref<!tpu.dma_semaphore, #tpu.memory_space<semaphore_mem>>) src(%arg6 : memref<16xf32, #tpu.memory_space<hbm>>) dst(%arg17 : memref<16xf32, #tpu.memory_space<vmem>>)
      tpu.yield
    }) : () -> ()
    %get3A = arith.constant 0 : index
    %get3A_3 = tpu.vector_load %arg8[%get3A] {strides = array<i32>} : memref<512xi32, #tpu.memory_space<vmem>>, vector<16xi32>,
    %shift_right_logical3A = arith.constant 3 : i32
    %shift_right_logical3A_4 = vector.broadcast %shift_right_logical3A : i32 to vector<16xi32>
    %shift_right_logical3A_5 = arith.shrui %get3A_3, %shift_right_logical3A_4 : vector<16xi32>
    %swap3A = arith.constant 0 : i32
    %swap3A_6 = arith.index_cast %swap3A : i32 to index
    %swap3A_7 = arith.constant 0 : index
    %swap3A_8 = tpu.vector_load %arg10[%swap3A_6, %swap3A_7] {strides = array<i32>} : memref<4x128xi32, #tpu.memory_space<vmem>>, vector<16xi32>,
    tpu.vector_store %arg10[%swap3A_6, %swap3A_7], %shift_right_logical3A_5 {strides = array<i32>} : memref<4x128xi32, #tpu.memory_space<vmem>>, vector<16xi32>,
    %get3A_9 = arith.constant 0 : index
    %get3A_10 = tpu.vector_load %arg9[%get3A_9] {strides = array<i32>} : memref<512xi32, #tpu.memory_space<vmem>>, vector<16xi32>,
    %add3A_11 = arith.constant 1000000 : i32
    %add3A_12 = vector.broadcast %add3A_11 : i32 to vector<16xi32>
    %add3A_13 = arith.addi %get3A_10, %add3A_12 : vector<16xi32>
    %shift_right_logical3A_14 = arith.constant 3 : i32
    %shift_right_logical3A_15 = vector.broadcast %shift_right_logical3A_14 : i32 to vector<16xi32>
    %shift_right_logical3A_16 = arith.shrui %add3A_13, %shift_right_logical3A_15 : vector<16xi32>
    %swap3A_17 = arith.constant 0 : i32
    %swap3A_18 = arith.index_cast %swap3A_17 : i32 to index
    %swap3A_19 = arith.constant 0 : index
    %swap3A_20 = tpu.vector_load %arg11[%swap3A_18, %swap3A_19] {strides = array<i32>} : memref<4x128xi32, #tpu.memory_space<vmem>>, vector<16xi32>,
    tpu.vector_store %arg11[%swap3A_18, %swap3A_19], %shift_right_logical3A_16 {strides = array<i32>} : memref<4x128xi32, #tpu.memory_space<vmem>>, vector<16xi32>,
    %get3A_21 = arith.constant 16 : index
    %get3A_22 = tpu.vector_load %arg8[%get3A_21] {strides = array<i32>} : memref<512xi32, #tpu.memory_space<vmem>>, vector<16xi32>,
    %shift_right_logical3A_23 = arith.constant 3 : i32
    %shift_right_logical3A_24 = vector.broadcast %shift_right_logical3A_23 : i32 to vector<16xi32>
    %shift_right_logical3A_25 = arith.shrui %get3A_22, %shift_right_logical3A_24 : vector<16xi32>
    %swap3A_26 = arith.constant 0 : i32
    %swap3A_27 = arith.index_cast %swap3A_26 : i32 to index
    %swap3A_28 = arith.constant 16 : index
    %swap3A_29 = tpu.vector_load %arg10[%swap3A_27, %swap3A_28] {strides = array<i32>} : memref<4x128xi32, #tpu.memory_space<vmem>>, vector<16xi32>,
    tpu.vector_store %arg10[%swap3A_27, %swap3A_28], %shift_right_logical3A_25 {strides = array<i32>} : memref<4x128xi32, #tpu.memory_space<vmem>>, vector<16xi32>,
    %get3A_30 = arith.constant 16 : index
    %get3A_31 = tpu.vector_load %arg9[%get3A_30] {strides = array<i32>} : memref<512xi32, #tpu.memory_space<vmem>>, vector<16xi32>,
    %add3A_32 = arith.constant 1000000 : i32
    %add3A_33 = vector.broadcast %add3A_32 : i32 to vector<16xi32>
    %add3A_34 = arith.addi %get3A_31, %add3A_33 : vector<16xi32>
    %shift_right_logical3A_35 = arith.constant 3 : i32
    %shift_right_logical3A_36 = vector.broadcast %shift_right_logical3A_35 : i32 to vector<16xi32>
    %shift_right_logical3A_37 = arith.shrui %add3A_34, %shift_right_logical3A_36 : vector<16xi32>
    %swap3A_38 = arith.constant 0 : i32
    %swap3A_39 = arith.index_cast %swap3A_38 : i32 to index
    %swap3A_40 = arith.constant 16 : index
    %swap3A_41 = tpu.vector_load %arg11[%swap3A_39, %swap3A_40] {strides = array<i32>} : memref<4x128xi32, #tpu.memory_space<vmem>>, vector<16xi32>,
    tpu.vector_store %arg11[%swap3A_39, %swap3A_40], %shift_right_logical3A_37 {strides = array<i32>} : memref<4x128xi32, #tpu.memory_space<vmem>>, vector<16xi32>,
    %get3A_42 = arith.constant 32 : index
    %get3A_43 = tpu.vector_load %arg8[%get3A_42] {strides = array<i32>} : memref<512xi32, #tpu.memory_space<vmem>>, vector<16xi32>,
    %shift_right_logical3A_44 = arith.constant 3 : i32
    %shift_right_logical3A_45 = vector.broadcast %shift_right_logical3A_44 : i32 to vector<16xi32>
    %shift_right_logical3A_46 = arith.shrui %get3A_43, %shift_right_logical3A_45 : vector<16xi32>
    %swap3A_47 = arith.constant 0 : i32
    %swap3A_48 = arith.index_cast %swap3A_47 : i32 to index
    %swap3A_49 = arith.constant 32 : index
    %swap3A_50 = tpu.vector_load %arg10[%swap3A_48, %swap3A_49] {strides = array<i32>} : memref<4x128xi32, #tpu.memory_space<vmem>>, vector<16xi32>,
    tpu.vector_store %arg10[%swap3A_48, %swap3A_49], %shift_right_logical3A_46 {strides = array<i32>} : memref<4x128xi32, #tpu.memory_space<vmem>>, vector<16xi32>,
    %get3A_51 = arith.constant 32 : index
    %get3A_52 = tpu.vector_load %arg9[%get3A_51] {strides = array<i32>} : memref<512xi32, #tpu.memory_space<vmem>>, vector<16xi32>,
    %add3A_53 = arith.constant 1000000 : i32
    %add3A_54 = vector.broadcast %add3A_53 : i32 to vector<16xi32>
    %add3A_55 = arith.addi %get3A_52, %add3A_54 : vector<16xi32>
    %shift_right_logical3A_56 = arith.constant 3 : i32
    %shift_right_logical3A_57 = vector.broadcast %shift_right_logical3A_56 : i32 to vector<16xi32>
    %shift_right_logical3A_58 = arith.shrui %add3A_55, %shift_right_logical3A_57 : vector<16xi32>
    %swap3A_59 = arith.constant 0 : i32
    %swap3A_60 = arith.index_cast %swap3A_59 : i32 to index
    %swap3A_61 = arith.constant 32 : index
    %swap3A_62 = tpu.vector_load %arg11[%swap3A_60, %swap3A_61] {strides = array<i32>} : memref<4x128xi32, #tpu.memory_space<vmem>>, vector<16xi32>,
    tpu.vector_store %arg11[%swap3A_60, %swap3A_61], %shift_right_logical3A_58 {strides = array<i32>} : memref<4x128xi32, #tpu.memory_space<vmem>>, vector<16xi32>,
    %get3A_63 = arith.constant 48 : index
    %get3A_64 = tpu.vector_load %arg8[%get3A_63] {strides = array<i32>} : memref<512xi32, #tpu.memory_space<vmem>>, vector<16xi32>,
    %shift_right_logical3A_65 = arith.constant 3 : i32
    %shift_right_logical3A_66 = vector.broadcast %shift_right_logical3A_65 : i32 to vector<16xi32>
    %shift_right_logical3A_67 = arith.shrui %get3A_64, %shift_right_logical3A_66 : vector<16xi32>
    %swap3A_68 = arith.constant 0 : i32
    %swap3A_69 = arith.index_cast %swap3A_68 : i32 to index
    %swap3A_70 = arith.constant 48 : index
    %swap3A_71 = tpu.vector_load %arg10[%swap3A_69, %swap3A_70] {strides = array<i32>} : memref<4x128xi32, #tpu.memory_space<vmem>>, vector<16xi32>,
    tpu.vector_store %arg10[%swap3A_69, %swap3A_70], %shift_right_logical3A_67 {strides = array<i32>} : memref<4x128xi32, #tpu.memory_space<vmem>>, vector<16xi32>,
    %get3A_72 = arith.constant 48 : index
    %get3A_73 = tpu.vector_load %arg9[%get3A_72] {strides = array<i32>} : memref<512xi32, #tpu.memory_space<vmem>>, vector<16xi32>,
    %add3A_74 = arith.constant 1000000 : i32
    %add3A_75 = vector.broadcast %add3A_74 : i32 to vector<16xi32>
    %add3A_76 = arith.addi %get3A_73, %add3A_75 : vector<16xi32>
    %shift_right_logical3A_77 = arith.constant 3 : i32
    %shift_right_logical3A_78 = vector.broadcast %shift_right_logical3A_77 : i32 to vector<16xi32>
    %shift_right_logical3A_79 = arith.shrui %add3A_76, %shift_right_logical3A_78 : vector<16xi32>
    %swap3A_80 = arith.constant 0 : i32
    %swap3A_81 = arith.index_cast %swap3A_80 : i32 to index
    %swap3A_82 = arith.constant 48 : index
    %swap3A_83 = tpu.vector_load %arg11[%swap3A_81, %swap3A_82] {strides = array<i32>} : memref<4x128xi32, #tpu.memory_space<vmem>>, vector<16xi32>,
    tpu.vector_store %arg11[%swap3A_81, %swap3A_82], %shift_right_logical3A_79 {strides = array<i32>} : memref<4x128xi32, #tpu.memory_space<vmem>>, vector<16xi32>,
    %get3A_84 = arith.constant 64 : index
    %get3A_85 = tpu.vector_load %arg8[%get3A_84] {strides = array<i32>} : memref<512xi32, #tpu.memory_space<vmem>>, vector<16xi32>,
    %shift_right_logical3A_86 = arith.constant 3 : i32
    %shift_right_logical3A_87 = vector.broadcast %shift_right_logical3A_86 : i32 to vector<16xi32>
    %shift_right_logical3A_88 = arith.shrui %get3A_85, %shift_right_logical3A_87 : vector<16xi32>
    %swap3A_89 = arith.constant 0 : i32
    %swap3A_90 = arith.index_cast %swap3A_89 : i32 to index
    %swap3A_91 = arith.constant 64 : index
    %swap3A_92 = tpu.vector_load %arg10[%swap3A_90, %swap3A_91] {strides = array<i32>} : memref<4x128xi32, #tpu.memory_space<vmem>>, vector<16xi32>,
    tpu.vector_store %arg10[%swap3A_90, %swap3A_91], %shift_right_logical3A_88 {strides = array<i32>} : memref<4x128xi32, #tpu.memory_space<vmem>>, vector<16xi32>,
    %get3A_93 = arith.constant 64 : index
    %get3A_94 = tpu.vector_load %arg9[%get3A_93] {strides = array<i32>} : memref<512xi32, #tpu.memory_space<vmem>>, vector<16xi32>,
    %add3A_95 = arith.constant 1000000 : i32
    %add3A_96 = vector.broadcast %add3A_95 : i32 to vector<16xi32>
    %add3A_97 = arith.addi %get3A_94, %add3A_96 : vector<16xi32>
    %shift_right_logical3A_98 = arith.constant 3 : i32
    %shift_right_logical3A_99 = vector.broadcast %shift_right_logical3A_98 : i32 to vector<16xi32>
    %shift_right_logical3A_100 = arith.shrui %add3A_97, %shift_right_logical3A_99 : vector<16xi32>
    %swap3A_101 = arith.constant 0 : i32
    %swap3A_102 = arith.index_cast %swap3A_101 : i32 to index
    %swap3A_103 = arith.constant 64 : index
    %swap3A_104 = tpu.vector_load %arg11[%swap3A_102, %swap3A_103] {strides = array<i32>} : memref<4x128xi32, #tpu.memory_space<vmem>>, vector<16xi32>,
    tpu.vector_store %arg11[%swap3A_102, %swap3A_103], %shift_right_logical3A_100 {strides = array<i32>} : memref<4x128xi32, #tpu.memory_space<vmem>>, vector<16xi32>,
    %get3A_105 = arith.constant 80 : index
    %get3A_106 = tpu.vector_load %arg8[%get3A_105] {strides = array<i32>} : memref<512xi32, #tpu.memory_space<vmem>>, vector<16xi32>,
    %shift_right_logical3A_107 = arith.constant 3 : i32
    %shift_right_logical3A_108 = vector.broadcast %shift_right_logical3A_107 : i32 to vector<16xi32>
    %shift_right_logical3A_109 = arith.shrui %get3A_106, %shift_right_logical3A_108 : vector<16xi32>
    %swap3A_110 = arith.constant 0 : i32
    %swap3A_111 = arith.index_cast %swap3A_110 : i32 to index
    %swap3A_112 = arith.constant 80 : index
    %swap3A_113 = tpu.vector_load %arg10[%swap3A_111, %swap3A_112] {strides = array<i32>} : memref<4x128xi32, #tpu.memory_space<vmem>>, vector<16xi32>,
    tpu.vector_store %arg10[%swap3A_111, %swap3A_112], %shift_right_logical3A_109 {strides = array<i32>} : memref<4x128xi32, #tpu.memory_space<vmem>>, vector<16xi32>,
    %get3A_114 = arith.constant 80 : index
    %get3A_115 = tpu.vector_load %arg9[%get3A_114] {strides = array<i32>} : memref<512xi32, #tpu.memory_space<vmem>>, vector<16xi32>,
    %add3A_116 = arith.constant 1000000 : i32
    %add3A_117 = vector.broadcast %add3A_116 : i32 to vector<16xi32>
    %add3A_118 = arith.addi %get3A_115, %add3A_117 : vector<16xi32>
    %shift_right_logical3A_119 = arith.constant 3 : i32
    %shift_right_logical3A_120 = vector.broadcast %shift_right_logical3A_119 : i32 to vector<16xi32>
    %shift_right_logical3A_121 = arith.shrui %add3A_118, %shift_right_logical3A_120 : vector<16xi32>
    %swap3A_122 = arith.constant 0 : i32
    %swap3A_123 = arith.index_cast %swap3A_122 : i32 to index
    %swap3A_124 = arith.constant 80 : index
    %swap3A_125 = tpu.vector_load %arg11[%swap3A_123, %swap3A_124] {strides = array<i32>} : memref<4x128xi32, #tpu.memory_space<vmem>>, vector<16xi32>,
    tpu.vector_store %arg11[%swap3A_123, %swap3A_124], %shift_right_logical3A_121 {strides = array<i32>} : memref<4x128xi32, #tpu.memory_space<vmem>>, vector<16xi32>,
    %get3A_126 = arith.constant 96 : index
    %get3A_127 = tpu.vector_load %arg8[%get3A_126] {strides = array<i32>} : memref<512xi32, #tpu.memory_space<vmem>>, vector<16xi32>,
    %shift_right_logical3A_128 = arith.constant 3 : i32
    %shift_right_logical3A_129 = vector.broadcast %shift_right_logical3A_128 : i32 to vector<16xi32>
    %shift_right_logical3A_130 = arith.shrui %get3A_127, %shift_right_logical3A_129 : vector<16xi32>
    %swap3A_131 = arith.constant 0 : i32
    %swap3A_132 = arith.index_cast %swap3A_131 : i32 to index
    %swap3A_133 = arith.constant 96 : index
    %swap3A_134 = tpu.vector_load %arg10[%swap3A_132, %swap3A_133] {strides = array<i32>} : memref<4x128xi32, #tpu.memory_space<vmem>>, vector<16xi32>,
    tpu.vector_store %arg10[%swap3A_132, %swap3A_133], %shift_right_logical3A_130 {strides = array<i32>} : memref<4x128xi32, #tpu.memory_space<vmem>>, vector<16xi32>,
    %get3A_135 = arith.constant 96 : index
    %get3A_136 = tpu.vector_load %arg9[%get3A_135] {strides = array<i32>} : memref<512xi32, #tpu.memory_space<vmem>>, vector<16xi32>,
    %add3A_137 = arith.constant 1000000 : i32
    %add3A_138 = vector.broadcast %add3A_137 : i32 to vector<16xi32>
    %add3A_139 = arith.addi %get3A_136, %add3A_138 : vector<16xi32>
    %shift_right_logical3A_140 = arith.constant 3 : i32
    %shift_right_logical3A_141 = vector.broadcast %shift_right_logical3A_140 : i32 to vector<16xi32>
    %shift_right_logical3A_142 = arith.shrui %add3A_139, %shift_right_logical3A_141 : vector<16xi32>
    %swap3A_143 = arith.constant 0 : i32
    %swap3A_144 = arith.index_cast %swap3A_143 : i32 to index
    %swap3A_145 = arith.constant 96 : index
    %swap3A_146 = tpu.vector_load %arg11[%swap3A_144, %swap3A_145] {strides = array<i32>} : memref<4x128xi32, #tpu.memory_space<vmem>>, vector<16xi32>,
    tpu.vector_store %arg11[%swap3A_144, %swap3A_145], %shift_right_logical3A_142 {strides = array<i32>} : memref<4x128xi32, #tpu.memory_space<vmem>>, vector<16xi32>,
    %get3A_147 = arith.constant 112 : index
    %get3A_148 = tpu.vector_load %arg8[%get3A_147] {strides = array<i32>} : memref<512xi32, #tpu.memory_space<vmem>>, vector<16xi32>,
    %shift_right_logical3A_149 = arith.constant 3 : i32
    %shift_right_logical3A_150 = vector.broadcast %shift_right_logical3A_149 : i32 to vector<16xi32>
    %shift_right_logical3A_151 = arith.shrui %get3A_148, %shift_right_logical3A_150 : vector<16xi32>
    %swap3A_152 = arith.constant 0 : i32
    %swap3A_153 = arith.index_cast %swap3A_152 : i32 to index
    %swap3A_154 = arith.constant 112 : index
    %swap3A_155 = tpu.vector_load %arg10[%swap3A_153, %swap3A_154] {strides = array<i32>} : memref<4x128xi32, #tpu.memory_space<vmem>>, vector<16xi32>,
    tpu.vector_store %arg10[%swap3A_153, %swap3A_154], %shift_right_logical3A_151 {strides = array<i32>} : memref<4x128xi32, #tpu.memory_space<vmem>>, vector<16xi32>,
    %get3A_156 = arith.constant 112 : index
    %get3A_157 = tpu.vector_load %arg9[%get3A_156] {strides = array<i32>} : memref<512xi32, #tpu.memory_space<vmem>>, vector<16xi32>,
    %add3A_158 = arith.constant 1000000 : i32
    %add3A_159 = vector.broadcast %add3A_158 : i32 to vector<16xi32>
    %add3A_160 = arith.addi %get3A_157, %add3A_159 : vector<16xi32>
    %shift_right_logical3A_161 = arith.constant 3 : i32
    %shift_right_logical3A_162 = vector.broadcast %shift_right_logical3A_161 : i32 to vector<16xi32>
    %shift_right_logical3A_163 = arith.shrui %add3A_160, %shift_right_logical3A_162 : vector<16xi32>
    %swap3A_164 = arith.constant 0 : i32
    %swap3A_165 = arith.index_cast %swap3A_164 : i32 to index
    %swap3A_166 = arith.constant 112 : index
    %swap3A_167 = tpu.vector_load %arg11[%swap3A_165, %swap3A_166] {strides = array<i32>} : memref<4x128xi32, #tpu.memory_space<vmem>>, vector<16xi32>,
    tpu.vector_store %arg11[%swap3A_165, %swap3A_166], %shift_right_logical3A_163 {strides = array<i32>} : memref<4x128xi32, #tpu.memory_space<vmem>>, vector<16xi32>,
    %get3A_168 = arith.constant 128 : index
    %get3A_169 = tpu.vector_load %arg8[%get3A_168] {strides = array<i32>} : memref<512xi32, #tpu.memory_space<vmem>>, vector<16xi32>,
    %shift_right_logical3A_170 = arith.constant 3 : i32
    %shift_right_logical3A_171 = vector.broadcast %shift_right_logical3A_170 : i32 to vector<16xi32>
    %shift_right_logical3A_172 = arith.shrui %get3A_169, %shift_right_logical3A_171 : vector<16xi32>
    %swap3A_173 = arith.constant 1 : i32
    %swap3A_174 = arith.index_cast %swap3A_173 : i32 to index
    %swap3A_175 = arith.constant 0 : index
    %swap3A_176 = tpu.vector_load %arg10[%swap3A_174, %swap3A_175] {strides = array<i32>} : memref<4x128xi32, #tpu.memory_space<vmem>>, vector<16xi32>,
    tpu.vector_store %arg10[%swap3A_174, %swap3A_175], %shift_right_logical3A_172 {strides = array<i32>} : memref<4x128xi32, #tpu.memory_space<vmem>>, vector<16xi32>,
    %get3A_177 = arith.constant 128 : index
    %get3A_178 = tpu.vector_load %arg9[%get3A_177] {strides = array<i32>} : memref<512xi32, #tpu.memory_space<vmem>>, vector<16xi32>,
    %add3A_179 = arith.constant 1000000 : i32
    %add3A_180 = vector.broadcast %add3A_179 : i32 to vector<16xi32>
    %add3A_181 = arith.addi %get3A_178, %add3A_180 : vector<16xi32>
    %shift_right_logical3A_182 = arith.constant 3 : i32
    %shift_right_logical3A_183 = vector.broadcast %shift_right_logical3A_182 : i32 to vector<16xi32>
    %shift_right_logical3A_184 = arith.shrui %add3A_181, %shift_right_logical3A_183 : vector<16xi32>
    %swap3A_185 = arith.constant 1 : i32
    %swap3A_186 = arith.index_cast %swap3A_185 : i32 to index
    %swap3A_187 = arith.constant 0 : index
    %swap3A_188 = tpu.vector_load %arg11[%swap3A_186, %swap3A_187] {strides = array<i32>} : memref<4x128xi32, #tpu.memory_space<vmem>>, vector<16xi32>,
    tpu.vector_store %arg11[%swap3A_186, %swap3A_187], %shift_right_logical3A_184 {strides = array<i32>} : memref<4x128xi32, #tpu.memory_space<vmem>>, vector<16xi32>,
    %get3A_189 = arith.constant 144 : index
    %get3A_190 = tpu.vector_load %arg8[%get3A_189] {strides = array<i32>} : memref<512xi32, #tpu.memory_space<vmem>>, vector<16xi32>,
    %shift_right_logical3A_191 = arith.constant 3 : i32
    %shift_right_logical3A_192 = vector.broadcast %shift_right_logical3A_191 : i32 to vector<16xi32>
    %shift_right_logical3A_193 = arith.shrui %get3A_190, %shift_right_logical3A_192 : vector<16xi32>
    %swap3A_194 = arith.constant 1 : i32
    %swap3A_195 = arith.index_cast %swap3A_194 : i32 to index
    %swap3A_196 = arith.constant 16 : index
    %swap3A_197 = tpu.vector_load %arg10[%swap3A_195, %swap3A_196] {strides = array<i32>} : memref<4x128xi32, #tpu.memory_space<vmem>>, vector<16xi32>,
    tpu.vector_store %arg10[%swap3A_195, %swap3A_196], %shift_right_logical3A_193 {strides = array<i32>} : memref<4x128xi32, #tpu.memory_space<vmem>>, vector<16xi32>,
    %get3A_198 = arith.constant 144 : index
    %get3A_199 = tpu.vector_load %arg9[%get3A_198] {strides = array<i32>} : memref<512xi32, #tpu.memory_space<vmem>>, vector<16xi32>,
    %add3A_200 = arith.constant 1000000 : i32
    %add3A_201 = vector.broadcast %add3A_200 : i32 to vector<16xi32>
    %add3A_202 = arith.addi %get3A_199, %add3A_201 : vector<16xi32>
    %shift_right_logical3A_203 = arith.constant 3 : i32
    %shift_right_logical3A_204 = vector.broadcast %shift_right_logical3A_203 : i32 to vector<16xi32>
    %shift_right_logical3A_205 = arith.shrui %add3A_202, %shift_right_logical3A_204 : vector<16xi32>
    %swap3A_206 = arith.constant 1 : i32
    %swap3A_207 = arith.index_cast %swap3A_206 : i32 to index
    %swap3A_208 = arith.constant 16 : index
    %swap3A_209 = tpu.vector_load %arg11[%swap3A_207, %swap3A_208] {strides = array<i32>} : memref<4x128xi32, #tpu.memory_space<vmem>>, vector<16xi32>,
    tpu.vector_store %arg11[%swap3A_207, %swap3A_208], %shift_right_logical3A_205 {strides = array<i32>} : memref<4x128xi32, #tpu.memory_space<vmem>>, vector<16xi32>,
    %get3A_210 = arith.constant 160 : index
    %get3A_211 = tpu.vector_load %arg8[%get3A_210] {strides = array<i32>} : memref<512xi32, #tpu.memory_space<vmem>>, vector<16xi32>,
    %shift_right_logical3A_212 = arith.constant 3 : i32
    %shift_right_logical3A_213 = vector.broadcast %shift_right_logical3A_212 : i32 to vector<16xi32>
    %shift_right_logical3A_214 = arith.shrui %get3A_211, %shift_right_logical3A_213 : vector<16xi32>
    %swap3A_215 = arith.constant 1 : i32
    %swap3A_216 = arith.index_cast %swap3A_215 : i32 to index
    %swap3A_217 = arith.constant 32 : index
    %swap3A_218 = tpu.vector_load %arg10[%swap3A_216, %swap3A_217] {strides = array<i32>} : memref<4x128xi32, #tpu.memory_space<vmem>>, vector<16xi32>,
    tpu.vector_store %arg10[%swap3A_216, %swap3A_217], %shift_right_logical3A_214 {strides = array<i32>} : memref<4x128xi32, #tpu.memory_space<vmem>>, vector<16xi32>,
    %get3A_219 = arith.constant 160 : index
    %get3A_220 = tpu.vector_load %arg9[%get3A_219] {strides = array<i32>} : memref<512xi32, #tpu.memory_space<vmem>>, vector<16xi32>,
    %add3A_221 = arith.constant 1000000 : i32
    %add3A_222 = vector.broadcast %add3A_221 : i32 to vector<16xi32>
    %add3A_223 = arith.addi %get3A_220, %add3A_222 : vector<16xi32>
    %shift_right_logical3A_224 = arith.constant 3 : i32
    %shift_right_logical3A_225 = vector.broadcast %shift_right_logical3A_224 : i32 to vector<16xi32>
    %shift_right_logical3A_226 = arith.shrui %add3A_223, %shift_right_logical3A_225 : vector<16xi32>
    %swap3A_227 = arith.constant 1 : i32
    %swap3A_228 = arith.index_cast %swap3A_227 : i32 to index
    %swap3A_229 = arith.constant 32 : index
    %swap3A_230 = tpu.vector_load %arg11[%swap3A_228, %swap3A_229] {strides = array<i32>} : memref<4x128xi32, #tpu.memory_space<vmem>>, vector<16xi32>,
    tpu.vector_store %arg11[%swap3A_228, %swap3A_229], %shift_right_logical3A_226 {strides = array<i32>} : memref<4x128xi32, #tpu.memory_space<vmem>>, vector<16xi32>,
    %get3A_231 = arith.constant 176 : index
    %get3A_232 = tpu.vector_load %arg8[%get3A_231] {strides = array<i32>} : memref<512xi32, #tpu.memory_space<vmem>>, vector<16xi32>,
    %shift_right_logical3A_233 = arith.constant 3 : i32
    %shift_right_logical3A_234 = vector.broadcast %shift_right_logical3A_233 : i32 to vector<16xi32>
    %shift_right_logical3A_235 = arith.shrui %get3A_232, %shift_right_logical3A_234 : vector<16xi32>
    %swap3A_236 = arith.constant 1 : i32
    %swap3A_237 = arith.index_cast %swap3A_236 : i32 to index
    %swap3A_238 = arith.constant 48 : index
    %swap3A_239 = tpu.vector_load %arg10[%swap3A_237, %swap3A_238] {strides = array<i32>} : memref<4x128xi32, #tpu.memory_space<vmem>>, vector<16xi32>,
    tpu.vector_store %arg10[%swap3A_237, %swap3A_238], %shift_right_logical3A_235 {strides = array<i32>} : memref<4x128xi32, #tpu.memory_space<vmem>>, vector<16xi32>,
    %get3A_240 = arith.constant 176 : index
    %get3A_241 = tpu.vector_load %arg9[%get3A_240] {strides = array<i32>} : memref<512xi32, #tpu.memory_space<vmem>>, vector<16xi32>,
    %add3A_242 = arith.constant 1000000 : i32
    %add3A_243 = vector.broadcast %add3A_242 : i32 to vector<16xi32>
    %add3A_244 = arith.addi %get3A_241, %add3A_243 : vector<16xi32>
    %shift_right_logical3A_245 = arith.constant 3 : i32
    %shift_right_logical3A_246 = vector.broadcast %shift_right_logical3A_245 : i32 to vector<16xi32>
    %shift_right_logical3A_247 = arith.shrui %add3A_244, %shift_right_logical3A_246 : vector<16xi32>
    %swap3A_248 = arith.constant 1 : i32
    %swap3A_249 = arith.index_cast %swap3A_248 : i32 to index
    %swap3A_250 = arith.constant 48 : index
    %swap3A_251 = tpu.vector_load %arg11[%swap3A_249, %swap3A_250] {strides = array<i32>} : memref<4x128xi32, #tpu.memory_space<vmem>>, vector<16xi32>,
    tpu.vector_store %arg11[%swap3A_249, %swap3A_250], %shift_right_logical3A_247 {strides = array<i32>} : memref<4x128xi32, #tpu.memory_space<vmem>>, vector<16xi32>,
    %get3A_252 = arith.constant 192 : index
    %get3A_253 = tpu.vector_load %arg8[%get3A_252] {strides = array<i32>} : memref<512xi32, #tpu.memory_space<vmem>>, vector<16xi32>,
    %shift_right_logical3A_254 = arith.constant 3 : i32
    %shift_right_logical3A_255 = vector.broadcast %shift_right_logical3A_254 : i32 to vector<16xi32>
    %shift_right_logical3A_256 = arith.shrui %get3A_253, %shift_right_logical3A_255 : vector<16xi32>
    %swap3A_257 = arith.constant 1 : i32
    %swap3A_258 = arith.index_cast %swap3A_257 : i32 to index
    %swap3A_259 = arith.constant 64 : index
    %swap3A_260 = tpu.vector_load %arg10[%swap3A_258, %swap3A_259] {strides = array<i32>} : memref<4x128xi32, #tpu.memory_space<vmem>>, vector<16xi32>,
    tpu.vector_store %arg10[%swap3A_258, %swap3A_259], %shift_right_logical3A_256 {strides = array<i32>} : memref<4x128xi32, #tpu.memory_space<vmem>>, vector<16xi32>,
    %get3A_261 = arith.constant 192 : index
    %get3A_262 = tpu.vector_load %arg9[%get3A_261] {strides = array<i32>} : memref<512xi32, #tpu.memory_space<vmem>>, vector<16xi32>,
    %add3A_263 = arith.constant 1000000 : i32
    %add3A_264 = vector.broadcast %add3A_263 : i32 to vector<16xi32>
    %add3A_265 = arith.addi %get3A_262, %add3A_264 : vector<16xi32>
    %shift_right_logical3A_266 = arith.constant 3 : i32
    %shift_right_logical3A_267 = vector.broadcast %shift_right_logical3A_266 : i32 to vector<16xi32>
    %shift_right_logical3A_268 = arith.shrui %add3A_265, %shift_right_logical3A_267 : vector<16xi32>
    %swap3A_269 = arith.constant 1 : i32
    %swap3A_270 = arith.index_cast %swap3A_269 : i32 to index
    %swap3A_271 = arith.constant 64 : index
    %swap3A_272 = tpu.vector_load %arg11[%swap3A_270, %swap3A_271] {strides = array<i32>} : memref<4x128xi32, #tpu.memory_space<vmem>>, vector<16xi32>,
    tpu.vector_store %arg11[%swap3A_270, %swap3A_271], %shift_right_logical3A_268 {strides = array<i32>} : memref<4x128xi32, #tpu.memory_space<vmem>>, vector<16xi32>,
    %get3A_273 = arith.constant 208 : index
    %get3A_274 = tpu.vector_load %arg8[%get3A_273] {strides = array<i32>} : memref<512xi32, #tpu.memory_space<vmem>>, vector<16xi32>,
    %shift_right_logical3A_275 = arith.constant 3 : i32
    %shift_right_logical3A_276 = vector.broadcast %shift_right_logical3A_275 : i32 to vector<16xi32>
    %shift_right_logical3A_277 = arith.shrui %get3A_274, %shift_right_logical3A_276 : vector<16xi32>
    %swap3A_278 = arith.constant 1 : i32
    %swap3A_279 = arith.index_cast %swap3A_278 : i32 to index
    %swap3A_280 = arith.constant 80 : index
    %swap3A_281 = tpu.vector_load %arg10[%swap3A_279, %swap3A_280] {strides = array<i32>} : memref<4x128xi32, #tpu.memory_space<vmem>>, vector<16xi32>,
    tpu.vector_store %arg10[%swap3A_279, %swap3A_280], %shift_right_logical3A_277 {strides = array<i32>} : memref<4x128xi32, #tpu.memory_space<vmem>>, vector<16xi32>,
    %get3A_282 = arith.constant 208 : index
    %get3A_283 = tpu.vector_load %arg9[%get3A_282] {strides = array<i32>} : memref<512xi32, #tpu.memory_space<vmem>>, vector<16xi32>,
    %add3A_284 = arith.constant 1000000 : i32
    %add3A_285 = vector.broadcast %add3A_284 : i32 to vector<16xi32>
    %add3A_286 = arith.addi %get3A_283, %add3A_285 : vector<16xi32>
    %shift_right_logical3A_287 = arith.constant 3 : i32
    %shift_right_logical3A_288 = vector.broadcast %shift_right_logical3A_287 : i32 to vector<16xi32>
    %shift_right_logical3A_289 = arith.shrui %add3A_286, %shift_right_logical3A_288 : vector<16xi32>
    %swap3A_290 = arith.constant 1 : i32
    %swap3A_291 = arith.index_cast %swap3A_290 : i32 to index
    %swap3A_292 = arith.constant 80 : index
    %swap3A_293 = tpu.vector_load %arg11[%swap3A_291, %swap3A_292] {strides = array<i32>} : memref<4x128xi32, #tpu.memory_space<vmem>>, vector<16xi32>,
    tpu.vector_store %arg11[%swap3A_291, %swap3A_292], %shift_right_logical3A_289 {strides = array<i32>} : memref<4x128xi32, #tpu.memory_space<vmem>>, vector<16xi32>,
    %get3A_294 = arith.constant 224 : index
    %get3A_295 = tpu.vector_load %arg8[%get3A_294] {strides = array<i32>} : memref<512xi32, #tpu.memory_space<vmem>>, vector<16xi32>,
    %shift_right_logical3A_296 = arith.constant 3 : i32
    %shift_right_logical3A_297 = vector.broadcast %shift_right_logical3A_296 : i32 to vector<16xi32>
    %shift_right_logical3A_298 = arith.shrui %get3A_295, %shift_right_logical3A_297 : vector<16xi32>
    %swap3A_299 = arith.constant 1 : i32
    %swap3A_300 = arith.index_cast %swap3A_299 : i32 to index
    %swap3A_301 = arith.constant 96 : index
    %swap3A_302 = tpu.vector_load %arg10[%swap3A_300, %swap3A_301] {strides = array<i32>} : memref<4x128xi32, #tpu.memory_space<vmem>>, vector<16xi32>,
    tpu.vector_store %arg10[%swap3A_300, %swap3A_301], %shift_right_logical3A_298 {strides = array<i32>} : memref<4x128xi32, #tpu.memory_space<vmem>>, vector<16xi32>,
    %get3A_303 = arith.constant 224 : index
    %get3A_304 = tpu.vector_load %arg9[%get3A_303] {strides = array<i32>} : memref<512xi32, #tpu.memory_space<vmem>>, vector<16xi32>,
    %add3A_305 = arith.constant 1000000 : i32
    %add3A_306 = vector.broadcast %add3A_305 : i32 to vector<16xi32>
    %add3A_307 = arith.addi %get3A_304, %add3A_306 : vector<16xi32>
    %shift_right_logical3A_308 = arith.constant 3 : i32
    %shift_right_logical3A_309 = vector.broadcast %shift_right_logical3A_308 : i32 to vector<16xi32>
    %shift_right_logical3A_310 = arith.shrui %add3A_307, %shift_right_logical3A_309 : vector<16xi32>
    %swap3A_311 = arith.constant 1 : i32
    %swap3A_312 = arith.index_cast %swap3A_311 : i32 to index
    %swap3A_313 = arith.constant 96 : index
    %swap3A_314 = tpu.vector_load %arg11[%swap3A_312, %swap3A_313] {strides = array<i32>} : memref<4x128xi32, #tpu.memory_space<vmem>>, vector<16xi32>,
    tpu.vector_store %arg11[%swap3A_312, %swap3A_313], %shift_right_logical3A_310 {strides = array<i32>} : memref<4x128xi32, #tpu.memory_space<vmem>>, vector<16xi32>,
    %get3A_315 = arith.constant 240 : index
    %get3A_316 = tpu.vector_load %arg8[%get3A_315] {strides = array<i32>} : memref<512xi32, #tpu.memory_space<vmem>>, vector<16xi32>,
    %shift_right_logical3A_317 = arith.constant 3 : i32
    %shift_right_logical3A_318 = vector.broadcast %shift_right_logical3A_317 : i32 to vector<16xi32>
    %shift_right_logical3A_319 = arith.shrui %get3A_316, %shift_right_logical3A_318 : vector<16xi32>
    %swap3A_320 = arith.constant 1 : i32
    %swap3A_321 = arith.index_cast %swap3A_320 : i32 to index
    %swap3A_322 = arith.constant 112 : index
    %swap3A_323 = tpu.vector_load %arg10[%swap3A_321, %swap3A_322] {strides = array<i32>} : memref<4x128xi32, #tpu.memory_space<vmem>>, vector<16xi32>,
    tpu.vector_store %arg10[%swap3A_321, %swap3A_322], %shift_right_logical3A_319 {strides = array<i32>} : memref<4x128xi32, #tpu.memory_space<vmem>>, vector<16xi32>,
    %get3A_324 = arith.constant 240 : index
    %get3A_325 = tpu.vector_load %arg9[%get3A_324] {strides = array<i32>} : memref<512xi32, #tpu.memory_space<vmem>>, vector<16xi32>,
    %add3A_326 = arith.constant 1000000 : i32
    %add3A_327 = vector.broadcast %add3A_326 : i32 to vector<16xi32>
    %add3A_328 = arith.addi %get3A_325, %add3A_327 : vector<16xi32>
    %shift_right_logical3A_329 = arith.constant 3 : i32
    %shift_right_logical3A_330 = vector.broadcast %shift_right_logical3A_329 : i32 to vector<16xi32>
    %shift_right_logical3A_331 = arith.shrui %add3A_328, %shift_right_logical3A_330 : vector<16xi32>
    %swap3A_332 = arith.constant 1 : i32
    %swap3A_333 = arith.index_cast %swap3A_332 : i32 to index
    %swap3A_334 = arith.constant 112 : index
    %swap3A_335 = tpu.vector_load %arg11[%swap3A_333, %swap3A_334] {strides = array<i32>} : memref<4x128xi32, #tpu.memory_space<vmem>>, vector<16xi32>,
    tpu.vector_store %arg11[%swap3A_333, %swap3A_334], %shift_right_logical3A_331 {strides = array<i32>} : memref<4x128xi32, #tpu.memory_space<vmem>>, vector<16xi32>,
    %get3A_336 = arith.constant 256 : index
    %get3A_337 = tpu.vector_load %arg8[%get3A_336] {strides = array<i32>} : memref<512xi32, #tpu.memory_space<vmem>>, vector<16xi32>,
    %shift_right_logical3A_338 = arith.constant 3 : i32
    %shift_right_logical3A_339 = vector.broadcast %shift_right_logical3A_338 : i32 to vector<16xi32>
    %shift_right_logical3A_340 = arith.shrui %get3A_337, %shift_right_logical3A_339 : vector<16xi32>
    %swap3A_341 = arith.constant 2 : i32
    %swap3A_342 = arith.index_cast %swap3A_341 : i32 to index
    %swap3A_343 = arith.constant 0 : index
    %swap3A_344 = tpu.vector_load %arg10[%swap3A_342, %swap3A_343] {strides = array<i32>} : memref<4x128xi32, #tpu.memory_space<vmem>>, vector<16xi32>,
    tpu.vector_store %arg10[%swap3A_342, %swap3A_343], %shift_right_logical3A_340 {strides = array<i32>} : memref<4x128xi32, #tpu.memory_space<vmem>>, vector<16xi32>,
    %get3A_345 = arith.constant 256 : index
    %get3A_346 = tpu.vector_load %arg9[%get3A_345] {strides = array<i32>} : memref<512xi32, #tpu.memory_space<vmem>>, vector<16xi32>,
    %add3A_347 = arith.constant 1000000 : i32
    %add3A_348 = vector.broadcast %add3A_347 : i32 to vector<16xi32>
    %add3A_349 = arith.addi %get3A_346, %add3A_348 : vector<16xi32>
    %shift_right_logical3A_350 = arith.constant 3 : i32
    %shift_right_logical3A_351 = vector.broadcast %shift_right_logical3A_350 : i32 to vector<16xi32>
    %shift_right_logical3A_352 = arith.shrui %add3A_349, %shift_right_logical3A_351 : vector<16xi32>
    %swap3A_353 = arith.constant 2 : i32
    %swap3A_354 = arith.index_cast %swap3A_353 : i32 to index
    %swap3A_355 = arith.constant 0 : index
    %swap3A_356 = tpu.vector_load %arg11[%swap3A_354, %swap3A_355] {strides = array<i32>} : memref<4x128xi32, #tpu.memory_space<vmem>>, vector<16xi32>,
    tpu.vector_store %arg11[%swap3A_354, %swap3A_355], %shift_right_logical3A_352 {strides = array<i32>} : memref<4x128xi32, #tpu.memory_space<vmem>>, vector<16xi32>,
    %get3A_357 = arith.constant 272 : index
    %get3A_358 = tpu.vector_load %arg8[%get3A_357] {strides = array<i32>} : memref<512xi32, #tpu.memory_space<vmem>>, vector<16xi32>,
    %shift_right_logical3A_359 = arith.constant 3 : i32
    %shift_right_logical3A_360 = vector.broadcast %shift_right_logical3A_359 : i32 to vector<16xi32>
    %shift_right_logical3A_361 = arith.shrui %get3A_358, %shift_right_logical3A_360 : vector<16xi32>
    %swap3A_362 = arith.constant 2 : i32
    %swap3A_363 = arith.index_cast %swap3A_362 : i32 to index
    %swap3A_364 = arith.constant 16 : index
    %swap3A_365 = tpu.vector_load %arg10[%swap3A_363, %swap3A_364] {strides = array<i32>} : memref<4x128xi32, #tpu.memory_space<vmem>>, vector<16xi32>,
    tpu.vector_store %arg10[%swap3A_363, %swap3A_364], %shift_right_logical3A_361 {strides = array<i32>} : memref<4x128xi32, #tpu.memory_space<vmem>>, vector<16xi32>,
    %get3A_366 = arith.constant 272 : index
    %get3A_367 = tpu.vector_load %arg9[%get3A_366] {strides = array<i32>} : memref<512xi32, #tpu.memory_space<vmem>>, vector<16xi32>,
    %add3A_368 = arith.constant 1000000 : i32
    %add3A_369 = vector.broadcast %add3A_368 : i32 to vector<16xi32>
    %add3A_370 = arith.addi %get3A_367, %add3A_369 : vector<16xi32>
    %shift_right_logical3A_371 = arith.constant 3 : i32
    %shift_right_logical3A_372 = vector.broadcast %shift_right_logical3A_371 : i32 to vector<16xi32>
    %shift_right_logical3A_373 = arith.shrui %add3A_370, %shift_right_logical3A_372 : vector<16xi32>
    %swap3A_374 = arith.constant 2 : i32
    %swap3A_375 = arith.index_cast %swap3A_374 : i32 to index
    %swap3A_376 = arith.constant 16 : index
    %swap3A_377 = tpu.vector_load %arg11[%swap3A_375, %swap3A_376] {strides = array<i32>} : memref<4x128xi32, #tpu.memory_space<vmem>>, vector<16xi32>,
    tpu.vector_store %arg11[%swap3A_375, %swap3A_376], %shift_right_logical3A_373 {strides = array<i32>} : memref<4x128xi32, #tpu.memory_space<vmem>>, vector<16xi32>,
    %get3A_378 = arith.constant 288 : index
    %get3A_379 = tpu.vector_load %arg8[%get3A_378] {strides = array<i32>} : memref<512xi32, #tpu.memory_space<vmem>>, vector<16xi32>,
    %shift_right_logical3A_380 = arith.constant 3 : i32
    %shift_right_logical3A_381 = vector.broadcast %shift_right_logical3A_380 : i32 to vector<16xi32>
    %shift_right_logical3A_382 = arith.shrui %get3A_379, %shift_right_logical3A_381 : vector<16xi32>
    %swap3A_383 = arith.constant 2 : i32
    %swap3A_384 = arith.index_cast %swap3A_383 : i32 to index
    %swap3A_385 = arith.constant 32 : index
    %swap3A_386 = tpu.vector_load %arg10[%swap3A_384, %swap3A_385] {strides = array<i32>} : memref<4x128xi32, #tpu.memory_space<vmem>>, vector<16xi32>,
    tpu.vector_store %arg10[%swap3A_384, %swap3A_385], %shift_right_logical3A_382 {strides = array<i32>} : memref<4x128xi32, #tpu.memory_space<vmem>>, vector<16xi32>,
    %get3A_387 = arith.constant 288 : index
    %get3A_388 = tpu.vector_load %arg9[%get3A_387] {strides = array<i32>} : memref<512xi32, #tpu.memory_space<vmem>>, vector<16xi32>,
    %add3A_389 = arith.constant 1000000 : i32
    %add3A_390 = vector.broadcast %add3A_389 : i32 to vector<16xi32>
    %add3A_391 = arith.addi %get3A_388, %add3A_390 : vector<16xi32>
    %shift_right_logical3A_392 = arith.constant 3 : i32
    %shift_right_logical3A_393 = vector.broadcast %shift_right_logical3A_392 : i32 to vector<16xi32>
    %shift_right_logical3A_394 = arith.shrui %add3A_391, %shift_right_logical3A_393 : vector<16xi32>
    %swap3A_395 = arith.constant 2 : i32
    %swap3A_396 = arith.index_cast %swap3A_395 : i32 to index
    %swap3A_397 = arith.constant 32 : index
    %swap3A_398 = tpu.vector_load %arg11[%swap3A_396, %swap3A_397] {strides = array<i32>} : memref<4x128xi32, #tpu.memory_space<vmem>>, vector<16xi32>,
    tpu.vector_store %arg11[%swap3A_396, %swap3A_397], %shift_right_logical3A_394 {strides = array<i32>} : memref<4x128xi32, #tpu.memory_space<vmem>>, vector<16xi32>,
    %get3A_399 = arith.constant 304 : index
    %get3A_400 = tpu.vector_load %arg8[%get3A_399] {strides = array<i32>} : memref<512xi32, #tpu.memory_space<vmem>>, vector<16xi32>,
    %shift_right_logical3A_401 = arith.constant 3 : i32
    %shift_right_logical3A_402 = vector.broadcast %shift_right_logical3A_401 : i32 to vector<16xi32>
    %shift_right_logical3A_403 = arith.shrui %get3A_400, %shift_right_logical3A_402 : vector<16xi32>
    %swap3A_404 = arith.constant 2 : i32
    %swap3A_405 = arith.index_cast %swap3A_404 : i32 to index
    %swap3A_406 = arith.constant 48 : index
    %swap3A_407 = tpu.vector_load %arg10[%swap3A_405, %swap3A_406] {strides = array<i32>} : memref<4x128xi32, #tpu.memory_space<vmem>>, vector<16xi32>,
    tpu.vector_store %arg10[%swap3A_405, %swap3A_406], %shift_right_logical3A_403 {strides = array<i32>} : memref<4x128xi32, #tpu.memory_space<vmem>>, vector<16xi32>,
    %get3A_408 = arith.constant 304 : index
    %get3A_409 = tpu.vector_load %arg9[%get3A_408] {strides = array<i32>} : memref<512xi32, #tpu.memory_space<vmem>>, vector<16xi32>,
    %add3A_410 = arith.constant 1000000 : i32
    %add3A_411 = vector.broadcast %add3A_410 : i32 to vector<16xi32>
    %add3A_412 = arith.addi %get3A_409, %add3A_411 : vector<16xi32>
    %shift_right_logical3A_413 = arith.constant 3 : i32
    %shift_right_logical3A_414 = vector.broadcast %shift_right_logical3A_413 : i32 to vector<16xi32>
    %shift_right_logical3A_415 = arith.shrui %add3A_412, %shift_right_logical3A_414 : vector<16xi32>
    %swap3A_416 = arith.constant 2 : i32
    %swap3A_417 = arith.index_cast %swap3A_416 : i32 to index
    %swap3A_418 = arith.constant 48 : index
    %swap3A_419 = tpu.vector_load %arg11[%swap3A_417, %swap3A_418] {strides = array<i32>} : memref<4x128xi32, #tpu.memory_space<vmem>>, vector<16xi32>,
    tpu.vector_store %arg11[%swap3A_417, %swap3A_418], %shift_right_logical3A_415 {strides = array<i32>} : memref<4x128xi32, #tpu.memory_space<vmem>>, vector<16xi32>,
    %get3A_420 = arith.constant 320 : index
    %get3A_421 = tpu.vector_load %arg8[%get3A_420] {strides = array<i32>} : memref<512xi32, #tpu.memory_space<vmem>>, vector<16xi32>,
    %shift_right_logical3A_422 = arith.constant 3 : i32
    %shift_right_logical3A_423 = vector.broadcast %shift_right_logical3A_422 : i32 to vector<16xi32>
    %shift_right_logical3A_424 = arith.shrui %get3A_421, %shift_right_logical3A_423 : vector<16xi32>
    %swap3A_425 = arith.constant 2 : i32
    %swap3A_426 = arith.index_cast %swap3A_425 : i32 to index
    %swap3A_427 = arith.constant 64 : index
    %swap3A_428 = tpu.vector_load %arg10[%swap3A_426, %swap3A_427] {strides = array<i32>} : memref<4x128xi32, #tpu.memory_space<vmem>>, vector<16xi32>,
    tpu.vector_store %arg10[%swap3A_426, %swap3A_427], %shift_right_logical3A_424 {strides = array<i32>} : memref<4x128xi32, #tpu.memory_space<vmem>>, vector<16xi32>,
    %get3A_429 = arith.constant 320 : index
    %get3A_430 = tpu.vector_load %arg9[%get3A_429] {strides = array<i32>} : memref<512xi32, #tpu.memory_space<vmem>>, vector<16xi32>,
    %add3A_431 = arith.constant 1000000 : i32
    %add3A_432 = vector.broadcast %add3A_431 : i32 to vector<16xi32>
    %add3A_433 = arith.addi %get3A_430, %add3A_432 : vector<16xi32>
    %shift_right_logical3A_434 = arith.constant 3 : i32
    %shift_right_logical3A_435 = vector.broadcast %shift_right_logical3A_434 : i32 to vector<16xi32>
    %shift_right_logical3A_436 = arith.shrui %add3A_433, %shift_right_logical3A_435 : vector<16xi32>
    %swap3A_437 = arith.constant 2 : i32
    %swap3A_438 = arith.index_cast %swap3A_437 : i32 to index
    %swap3A_439 = arith.constant 64 : index
    %swap3A_440 = tpu.vector_load %arg11[%swap3A_438, %swap3A_439] {strides = array<i32>} : memref<4x128xi32, #tpu.memory_space<vmem>>, vector<16xi32>,
    tpu.vector_store %arg11[%swap3A_438, %swap3A_439], %shift_right_logical3A_436 {strides = array<i32>} : memref<4x128xi32, #tpu.memory_space<vmem>>, vector<16xi32>,
    %get3A_441 = arith.constant 336 : index
    %get3A_442 = tpu.vector_load %arg8[%get3A_441] {strides = array<i32>} : memref<512xi32, #tpu.memory_space<vmem>>, vector<16xi32>,
    %shift_right_logical3A_443 = arith.constant 3 : i32
    %shift_right_logical3A_444 = vector.broadcast %shift_right_logical3A_443 : i32 to vector<16xi32>
    %shift_right_logical3A_445 = arith.shrui %get3A_442, %shift_right_logical3A_444 : vector<16xi32>
    %swap3A_446 = arith.constant 2 : i32
    %swap3A_447 = arith.index_cast %swap3A_446 : i32 to index
    %swap3A_448 = arith.constant 80 : index
    %swap3A_449 = tpu.vector_load %arg10[%swap3A_447, %swap3A_448] {strides = array<i32>} : memref<4x128xi32, #tpu.memory_space<vmem>>, vector<16xi32>,
    tpu.vector_store %arg10[%swap3A_447, %swap3A_448], %shift_right_logical3A_445 {strides = array<i32>} : memref<4x128xi32, #tpu.memory_space<vmem>>, vector<16xi32>,
    %get3A_450 = arith.constant 336 : index
    %get3A_451 = tpu.vector_load %arg9[%get3A_450] {strides = array<i32>} : memref<512xi32, #tpu.memory_space<vmem>>, vector<16xi32>,
    %add3A_452 = arith.constant 1000000 : i32
    %add3A_453 = vector.broadcast %add3A_452 : i32 to vector<16xi32>
    %add3A_454 = arith.addi %get3A_451, %add3A_453 : vector<16xi32>
    %shift_right_logical3A_455 = arith.constant 3 : i32
    %shift_right_logical3A_456 = vector.broadcast %shift_right_logical3A_455 : i32 to vector<16xi32>
    %shift_right_logical3A_457 = arith.shrui %add3A_454, %shift_right_logical3A_456 : vector<16xi32>
    %swap3A_458 = arith.constant 2 : i32
    %swap3A_459 = arith.index_cast %swap3A_458 : i32 to index
    %swap3A_460 = arith.constant 80 : index
    %swap3A_461 = tpu.vector_load %arg11[%swap3A_459, %swap3A_460] {strides = array<i32>} : memref<4x128xi32, #tpu.memory_space<vmem>>, vector<16xi32>,
    tpu.vector_store %arg11[%swap3A_459, %swap3A_460], %shift_right_logical3A_457 {strides = array<i32>} : memref<4x128xi32, #tpu.memory_space<vmem>>, vector<16xi32>,
    %get3A_462 = arith.constant 352 : index
    %get3A_463 = tpu.vector_load %arg8[%get3A_462] {strides = array<i32>} : memref<512xi32, #tpu.memory_space<vmem>>, vector<16xi32>,
    %shift_right_logical3A_464 = arith.constant 3 : i32
    %shift_right_logical3A_465 = vector.broadcast %shift_right_logical3A_464 : i32 to vector<16xi32>
    %shift_right_logical3A_466 = arith.shrui %get3A_463, %shift_right_logical3A_465 : vector<16xi32>
    %swap3A_467 = arith.constant 2 : i32
    %swap3A_468 = arith.index_cast %swap3A_467 : i32 to index
    %swap3A_469 = arith.constant 96 : index
    %swap3A_470 = tpu.vector_load %arg10[%swap3A_468, %swap3A_469] {strides = array<i32>} : memref<4x128xi32, #tpu.memory_space<vmem>>, vector<16xi32>,
    tpu.vector_store %arg10[%swap3A_468, %swap3A_469], %shift_right_logical3A_466 {strides = array<i32>} : memref<4x128xi32, #tpu.memory_space<vmem>>, vector<16xi32>,
    %get3A_471 = arith.constant 352 : index
    %get3A_472 = tpu.vector_load %arg9[%get3A_471] {strides = array<i32>} : memref<512xi32, #tpu.memory_space<vmem>>, vector<16xi32>,
    %add3A_473 = arith.constant 1000000 : i32
    %add3A_474 = vector.broadcast %add3A_473 : i32 to vector<16xi32>
    %add3A_475 = arith.addi %get3A_472, %add3A_474 : vector<16xi32>
    %shift_right_logical3A_476 = arith.constant 3 : i32
    %shift_right_logical3A_477 = vector.broadcast %shift_right_logical3A_476 : i32 to vector<16xi32>
    %shift_right_logical3A_478 = arith.shrui %add3A_475, %shift_right_logical3A_477 : vector<16xi32>
    %swap3A_479 = arith.constant 2 : i32
    %swap3A_480 = arith.index_cast %swap3A_479 : i32 to index
    %swap3A_481 = arith.constant 96 : index
    %swap3A_482 = tpu.vector_load %arg11[%swap3A_480, %swap3A_481] {strides = array<i32>} : memref<4x128xi32, #tpu.memory_space<vmem>>, vector<16xi32>,
    tpu.vector_store %arg11[%swap3A_480, %swap3A_481], %shift_right_logical3A_478 {strides = array<i32>} : memref<4x128xi32, #tpu.memory_space<vmem>>, vector<16xi32>,
    %get3A_483 = arith.constant 368 : index
    %get3A_484 = tpu.vector_load %arg8[%get3A_483] {strides = array<i32>} : memref<512xi32, #tpu.memory_space<vmem>>, vector<16xi32>,
    %shift_right_logical3A_485 = arith.constant 3 : i32
    %shift_right_logical3A_486 = vector.broadcast %shift_right_logical3A_485 : i32 to vector<16xi32>
    %shift_right_logical3A_487 = arith.shrui %get3A_484, %shift_right_logical3A_486 : vector<16xi32>
    %swap3A_488 = arith.constant 2 : i32
    %swap3A_489 = arith.index_cast %swap3A_488 : i32 to index
    %swap3A_490 = arith.constant 112 : index
    %swap3A_491 = tpu.vector_load %arg10[%swap3A_489, %swap3A_490] {strides = array<i32>} : memref<4x128xi32, #tpu.memory_space<vmem>>, vector<16xi32>,
    tpu.vector_store %arg10[%swap3A_489, %swap3A_490], %shift_right_logical3A_487 {strides = array<i32>} : memref<4x128xi32, #tpu.memory_space<vmem>>, vector<16xi32>,
    %get3A_492 = arith.constant 368 : index
    %get3A_493 = tpu.vector_load %arg9[%get3A_492] {strides = array<i32>} : memref<512xi32, #tpu.memory_space<vmem>>, vector<16xi32>,
    %add3A_494 = arith.constant 1000000 : i32
    %add3A_495 = vector.broadcast %add3A_494 : i32 to vector<16xi32>
    %add3A_496 = arith.addi %get3A_493, %add3A_495 : vector<16xi32>
    %shift_right_logical3A_497 = arith.constant 3 : i32
    %shift_right_logical3A_498 = vector.broadcast %shift_right_logical3A_497 : i32 to vector<16xi32>
    %shift_right_logical3A_499 = arith.shrui %add3A_496, %shift_right_logical3A_498 : vector<16xi32>
    %swap3A_500 = arith.constant 2 : i32
    %swap3A_501 = arith.index_cast %swap3A_500 : i32 to index
    %swap3A_502 = arith.constant 112 : index
    %swap3A_503 = tpu.vector_load %arg11[%swap3A_501, %swap3A_502] {strides = array<i32>} : memref<4x128xi32, #tpu.memory_space<vmem>>, vector<16xi32>,
    tpu.vector_store %arg11[%swap3A_501, %swap3A_502], %shift_right_logical3A_499 {strides = array<i32>} : memref<4x128xi32, #tpu.memory_space<vmem>>, vector<16xi32>,
    %get3A_504 = arith.constant 384 : index
    %get3A_505 = tpu.vector_load %arg8[%get3A_504] {strides = array<i32>} : memref<512xi32, #tpu.memory_space<vmem>>, vector<16xi32>,
    %shift_right_logical3A_506 = arith.constant 3 : i32
    %shift_right_logical3A_507 = vector.broadcast %shift_right_logical3A_506 : i32 to vector<16xi32>
    %shift_right_logical3A_508 = arith.shrui %get3A_505, %shift_right_logical3A_507 : vector<16xi32>
    %swap3A_509 = arith.constant 3 : i32
    %swap3A_510 = arith.index_cast %swap3A_509 : i32 to index
    %swap3A_511 = arith.constant 0 : index
    %swap3A_512 = tpu.vector_load %arg10[%swap3A_510, %swap3A_511] {strides = array<i32>} : memref<4x128xi32, #tpu.memory_space<vmem>>, vector<16xi32>,
    tpu.vector_store %arg10[%swap3A_510, %swap3A_511], %shift_right_logical3A_508 {strides = array<i32>} : memref<4x128xi32, #tpu.memory_space<vmem>>, vector<16xi32>,
    %get3A_513 = arith.constant 384 : index
    %get3A_514 = tpu.vector_load %arg9[%get3A_513] {strides = array<i32>} : memref<512xi32, #tpu.memory_space<vmem>>, vector<16xi32>,
    %add3A_515 = arith.constant 1000000 : i32
    %add3A_516 = vector.broadcast %add3A_515 : i32 to vector<16xi32>
    %add3A_517 = arith.addi %get3A_514, %add3A_516 : vector<16xi32>
    %shift_right_logical3A_518 = arith.constant 3 : i32
    %shift_right_logical3A_519 = vector.broadcast %shift_right_logical3A_518 : i32 to vector<16xi32>
    %shift_right_logical3A_520 = arith.shrui %add3A_517, %shift_right_logical3A_519 : vector<16xi32>
    %swap3A_521 = arith.constant 3 : i32
    %swap3A_522 = arith.index_cast %swap3A_521 : i32 to index
    %swap3A_523 = arith.constant 0 : index
    %swap3A_524 = tpu.vector_load %arg11[%swap3A_522, %swap3A_523] {strides = array<i32>} : memref<4x128xi32, #tpu.memory_space<vmem>>, vector<16xi32>,
    tpu.vector_store %arg11[%swap3A_522, %swap3A_523], %shift_right_logical3A_520 {strides = array<i32>} : memref<4x128xi32, #tpu.memory_space<vmem>>, vector<16xi32>,
    %get3A_525 = arith.constant 400 : index
    %get3A_526 = tpu.vector_load %arg8[%get3A_525] {strides = array<i32>} : memref<512xi32, #tpu.memory_space<vmem>>, vector<16xi32>,
    %shift_right_logical3A_527 = arith.constant 3 : i32
    %shift_right_logical3A_528 = vector.broadcast %shift_right_logical3A_527 : i32 to vector<16xi32>
    %shift_right_logical3A_529 = arith.shrui %get3A_526, %shift_right_logical3A_528 : vector<16xi32>
    %swap3A_530 = arith.constant 3 : i32
    %swap3A_531 = arith.index_cast %swap3A_530 : i32 to index
    %swap3A_532 = arith.constant 16 : index
    %swap3A_533 = tpu.vector_load %arg10[%swap3A_531, %swap3A_532] {strides = array<i32>} : memref<4x128xi32, #tpu.memory_space<vmem>>, vector<16xi32>,
    tpu.vector_store %arg10[%swap3A_531, %swap3A_532], %shift_right_logical3A_529 {strides = array<i32>} : memref<4x128xi32, #tpu.memory_space<vmem>>, vector<16xi32>,
    %get3A_534 = arith.constant 400 : index
    %get3A_535 = tpu.vector_load %arg9[%get3A_534] {strides = array<i32>} : memref<512xi32, #tpu.memory_space<vmem>>, vector<16xi32>,
    %add3A_536 = arith.constant 1000000 : i32
    %add3A_537 = vector.broadcast %add3A_536 : i32 to vector<16xi32>
    %add3A_538 = arith.addi %get3A_535, %add3A_537 : vector<16xi32>
    %shift_right_logical3A_539 = arith.constant 3 : i32
    %shift_right_logical3A_540 = vector.broadcast %shift_right_logical3A_539 : i32 to vector<16xi32>
    %shift_right_logical3A_541 = arith.shrui %add3A_538, %shift_right_logical3A_540 : vector<16xi32>
    %swap3A_542 = arith.constant 3 : i32
    %swap3A_543 = arith.index_cast %swap3A_542 : i32 to index
    %swap3A_544 = arith.constant 16 : index
    %swap3A_545 = tpu.vector_load %arg11[%swap3A_543, %swap3A_544] {strides = array<i32>} : memref<4x128xi32, #tpu.memory_space<vmem>>, vector<16xi32>,
    tpu.vector_store %arg11[%swap3A_543, %swap3A_544], %shift_right_logical3A_541 {strides = array<i32>} : memref<4x128xi32, #tpu.memory_space<vmem>>, vector<16xi32>,
    %get3A_546 = arith.constant 416 : index
    %get3A_547 = tpu.vector_load %arg8[%get3A_546] {strides = array<i32>} : memref<512xi32, #tpu.memory_space<vmem>>, vector<16xi32>,
    %shift_right_logical3A_548 = arith.constant 3 : i32
    %shift_right_logical3A_549 = vector.broadcast %shift_right_logical3A_548 : i32 to vector<16xi32>
    %shift_right_logical3A_550 = arith.shrui %get3A_547, %shift_right_logical3A_549 : vector<16xi32>
    %swap3A_551 = arith.constant 3 : i32
    %swap3A_552 = arith.index_cast %swap3A_551 : i32 to index
    %swap3A_553 = arith.constant 32 : index
    %swap3A_554 = tpu.vector_load %arg10[%swap3A_552, %swap3A_553] {strides = array<i32>} : memref<4x128xi32, #tpu.memory_space<vmem>>, vector<16xi32>,
    tpu.vector_store %arg10[%swap3A_552, %swap3A_553], %shift_right_logical3A_550 {strides = array<i32>} : memref<4x128xi32, #tpu.memory_space<vmem>>, vector<16xi32>,
    %get3A_555 = arith.constant 416 : index
    %get3A_556 = tpu.vector_load %arg9[%get3A_555] {strides = array<i32>} : memref<512xi32, #tpu.memory_space<vmem>>, vector<16xi32>,
    %add3A_557 = arith.constant 1000000 : i32
    %add3A_558 = vector.broadcast %add3A_557 : i32 to vector<16xi32>
    %add3A_559 = arith.addi %get3A_556, %add3A_558 : vector<16xi32>
    %shift_right_logical3A_560 = arith.constant 3 : i32
    %shift_right_logical3A_561 = vector.broadcast %shift_right_logical3A_560 : i32 to vector<16xi32>
    %shift_right_logical3A_562 = arith.shrui %add3A_559, %shift_right_logical3A_561 : vector<16xi32>
    %swap3A_563 = arith.constant 3 : i32
    %swap3A_564 = arith.index_cast %swap3A_563 : i32 to index
    %swap3A_565 = arith.constant 32 : index
    %swap3A_566 = tpu.vector_load %arg11[%swap3A_564, %swap3A_565] {strides = array<i32>} : memref<4x128xi32, #tpu.memory_space<vmem>>, vector<16xi32>,
    tpu.vector_store %arg11[%swap3A_564, %swap3A_565], %shift_right_logical3A_562 {strides = array<i32>} : memref<4x128xi32, #tpu.memory_space<vmem>>, vector<16xi32>,
    %get3A_567 = arith.constant 432 : index
    %get3A_568 = tpu.vector_load %arg8[%get3A_567] {strides = array<i32>} : memref<512xi32, #tpu.memory_space<vmem>>, vector<16xi32>,
    %shift_right_logical3A_569 = arith.constant 3 : i32
    %shift_right_logical3A_570 = vector.broadcast %shift_right_logical3A_569 : i32 to vector<16xi32>
    %shift_right_logical3A_571 = arith.shrui %get3A_568, %shift_right_logical3A_570 : vector<16xi32>
    %swap3A_572 = arith.constant 3 : i32
    %swap3A_573 = arith.index_cast %swap3A_572 : i32 to index
    %swap3A_574 = arith.constant 48 : index
    %swap3A_575 = tpu.vector_load %arg10[%swap3A_573, %swap3A_574] {strides = array<i32>} : memref<4x128xi32, #tpu.memory_space<vmem>>, vector<16xi32>,
    tpu.vector_store %arg10[%swap3A_573, %swap3A_574], %shift_right_logical3A_571 {strides = array<i32>} : memref<4x128xi32, #tpu.memory_space<vmem>>, vector<16xi32>,
    %get3A_576 = arith.constant 432 : index
    %get3A_577 = tpu.vector_load %arg9[%get3A_576] {strides = array<i32>} : memref<512xi32, #tpu.memory_space<vmem>>, vector<16xi32>,
    %add3A_578 = arith.constant 1000000 : i32
    %add3A_579 = vector.broadcast %add3A_578 : i32 to vector<16xi32>
    %add3A_580 = arith.addi %get3A_577, %add3A_579 : vector<16xi32>
    %shift_right_logical3A_581 = arith.constant 3 : i32
    %shift_right_logical3A_582 = vector.broadcast %shift_right_logical3A_581 : i32 to vector<16xi32>
    %shift_right_logical3A_583 = arith.shrui %add3A_580, %shift_right_logical3A_582 : vector<16xi32>
    %swap3A_584 = arith.constant 3 : i32
    %swap3A_585 = arith.index_cast %swap3A_584 : i32 to index
    %swap3A_586 = arith.constant 48 : index
    %swap3A_587 = tpu.vector_load %arg11[%swap3A_585, %swap3A_586] {strides = array<i32>} : memref<4x128xi32, #tpu.memory_space<vmem>>, vector<16xi32>,
    tpu.vector_store %arg11[%swap3A_585, %swap3A_586], %shift_right_logical3A_583 {strides = array<i32>} : memref<4x128xi32, #tpu.memory_space<vmem>>, vector<16xi32>,
    %get3A_588 = arith.constant 448 : index
    %get3A_589 = tpu.vector_load %arg8[%get3A_588] {strides = array<i32>} : memref<512xi32, #tpu.memory_space<vmem>>, vector<16xi32>,
    %shift_right_logical3A_590 = arith.constant 3 : i32
    %shift_right_logical3A_591 = vector.broadcast %shift_right_logical3A_590 : i32 to vector<16xi32>
    %shift_right_logical3A_592 = arith.shrui %get3A_589, %shift_right_logical3A_591 : vector<16xi32>
    %swap3A_593 = arith.constant 3 : i32
    %swap3A_594 = arith.index_cast %swap3A_593 : i32 to index
    %swap3A_595 = arith.constant 64 : index
    %swap3A_596 = tpu.vector_load %arg10[%swap3A_594, %swap3A_595] {strides = array<i32>} : memref<4x128xi32, #tpu.memory_space<vmem>>, vector<16xi32>,
    tpu.vector_store %arg10[%swap3A_594, %swap3A_595], %shift_right_logical3A_592 {strides = array<i32>} : memref<4x128xi32, #tpu.memory_space<vmem>>, vector<16xi32>,
    %get3A_597 = arith.constant 448 : index
    %get3A_598 = tpu.vector_load %arg9[%get3A_597] {strides = array<i32>} : memref<512xi32, #tpu.memory_space<vmem>>, vector<16xi32>,
    %add3A_599 = arith.constant 1000000 : i32
    %add3A_600 = vector.broadcast %add3A_599 : i32 to vector<16xi32>
    %add3A_601 = arith.addi %get3A_598, %add3A_600 : vector<16xi32>
    %shift_right_logical3A_602 = arith.constant 3 : i32
    %shift_right_logical3A_603 = vector.broadcast %shift_right_logical3A_602 : i32 to vector<16xi32>
    %shift_right_logical3A_604 = arith.shrui %add3A_601, %shift_right_logical3A_603 : vector<16xi32>
    %swap3A_605 = arith.constant 3 : i32
    %swap3A_606 = arith.index_cast %swap3A_605 : i32 to index
    %swap3A_607 = arith.constant 64 : index
    %swap3A_608 = tpu.vector_load %arg11[%swap3A_606, %swap3A_607] {strides = array<i32>} : memref<4x128xi32, #tpu.memory_space<vmem>>, vector<16xi32>,
    tpu.vector_store %arg11[%swap3A_606, %swap3A_607], %shift_right_logical3A_604 {strides = array<i32>} : memref<4x128xi32, #tpu.memory_space<vmem>>, vector<16xi32>,
    %get3A_609 = arith.constant 464 : index
    %get3A_610 = tpu.vector_load %arg8[%get3A_609] {strides = array<i32>} : memref<512xi32, #tpu.memory_space<vmem>>, vector<16xi32>,
    %shift_right_logical3A_611 = arith.constant 3 : i32
    %shift_right_logical3A_612 = vector.broadcast %shift_right_logical3A_611 : i32 to vector<16xi32>
    %shift_right_logical3A_613 = arith.shrui %get3A_610, %shift_right_logical3A_612 : vector<16xi32>
    %swap3A_614 = arith.constant 3 : i32
    %swap3A_615 = arith.index_cast %swap3A_614 : i32 to index
    %swap3A_616 = arith.constant 80 : index
    %swap3A_617 = tpu.vector_load %arg10[%swap3A_615, %swap3A_616] {strides = array<i32>} : memref<4x128xi32, #tpu.memory_space<vmem>>, vector<16xi32>,
    tpu.vector_store %arg10[%swap3A_615, %swap3A_616], %shift_right_logical3A_613 {strides = array<i32>} : memref<4x128xi32, #tpu.memory_space<vmem>>, vector<16xi32>,
    %get3A_618 = arith.constant 464 : index
    %get3A_619 = tpu.vector_load %arg9[%get3A_618] {strides = array<i32>} : memref<512xi32, #tpu.memory_space<vmem>>, vector<16xi32>,
    %add3A_620 = arith.constant 1000000 : i32
    %add3A_621 = vector.broadcast %add3A_620 : i32 to vector<16xi32>
    %add3A_622 = arith.addi %get3A_619, %add3A_621 : vector<16xi32>
    %shift_right_logical3A_623 = arith.constant 3 : i32
    %shift_right_logical3A_624 = vector.broadcast %shift_right_logical3A_623 : i32 to vector<16xi32>
    %shift_right_logical3A_625 = arith.shrui %add3A_622, %shift_right_logical3A_624 : vector<16xi32>
    %swap3A_626 = arith.constant 3 : i32
    %swap3A_627 = arith.index_cast %swap3A_626 : i32 to index
    %swap3A_628 = arith.constant 80 : index
    %swap3A_629 = tpu.vector_load %arg11[%swap3A_627, %swap3A_628] {strides = array<i32>} : memref<4x128xi32, #tpu.memory_space<vmem>>, vector<16xi32>,
    tpu.vector_store %arg11[%swap3A_627, %swap3A_628], %shift_right_logical3A_625 {strides = array<i32>} : memref<4x128xi32, #tpu.memory_space<vmem>>, vector<16xi32>,
    %get3A_630 = arith.constant 480 : index
    %get3A_631 = tpu.vector_load %arg8[%get3A_630] {strides = array<i32>} : memref<512xi32, #tpu.memory_space<vmem>>, vector<16xi32>,
    %shift_right_logical3A_632 = arith.constant 3 : i32
    %shift_right_logical3A_633 = vector.broadcast %shift_right_logical3A_632 : i32 to vector<16xi32>
    %shift_right_logical3A_634 = arith.shrui %get3A_631, %shift_right_logical3A_633 : vector<16xi32>
    %swap3A_635 = arith.constant 3 : i32
    %swap3A_636 = arith.index_cast %swap3A_635 : i32 to index
    %swap3A_637 = arith.constant 96 : index
    %swap3A_638 = tpu.vector_load %arg10[%swap3A_636, %swap3A_637] {strides = array<i32>} : memref<4x128xi32, #tpu.memory_space<vmem>>, vector<16xi32>,
    tpu.vector_store %arg10[%swap3A_636, %swap3A_637], %shift_right_logical3A_634 {strides = array<i32>} : memref<4x128xi32, #tpu.memory_space<vmem>>, vector<16xi32>,
    %get3A_639 = arith.constant 480 : index
    %get3A_640 = tpu.vector_load %arg9[%get3A_639] {strides = array<i32>} : memref<512xi32, #tpu.memory_space<vmem>>, vector<16xi32>,
    %add3A_641 = arith.constant 1000000 : i32
    %add3A_642 = vector.broadcast %add3A_641 : i32 to vector<16xi32>
    %add3A_643 = arith.addi %get3A_640, %add3A_642 : vector<16xi32>
    %shift_right_logical3A_644 = arith.constant 3 : i32
    %shift_right_logical3A_645 = vector.broadcast %shift_right_logical3A_644 : i32 to vector<16xi32>
    %shift_right_logical3A_646 = arith.shrui %add3A_643, %shift_right_logical3A_645 : vector<16xi32>
    %swap3A_647 = arith.constant 3 : i32
    %swap3A_648 = arith.index_cast %swap3A_647 : i32 to index
    %swap3A_649 = arith.constant 96 : index
    %swap3A_650 = tpu.vector_load %arg11[%swap3A_648, %swap3A_649] {strides = array<i32>} : memref<4x128xi32, #tpu.memory_space<vmem>>, vector<16xi32>,
    tpu.vector_store %arg11[%swap3A_648, %swap3A_649], %shift_right_logical3A_646 {strides = array<i32>} : memref<4x128xi32, #tpu.memory_space<vmem>>, vector<16xi32>,
    %get3A_651 = arith.constant 496 : index
    %get3A_652 = tpu.vector_load %arg8[%get3A_651] {strides = array<i32>} : memref<512xi32, #tpu.memory_space<vmem>>, vector<16xi32>,
    %shift_right_logical3A_653 = arith.constant 3 : i32
    %shift_right_logical3A_654 = vector.broadcast %shift_right_logical3A_653 : i32 to vector<16xi32>
    %shift_right_logical3A_655 = arith.shrui %get3A_652, %shift_right_logical3A_654 : vector<16xi32>
    %swap3A_656 = arith.constant 3 : i32
    %swap3A_657 = arith.index_cast %swap3A_656 : i32 to index
    %swap3A_658 = arith.constant 112 : index
    %swap3A_659 = tpu.vector_load %arg10[%swap3A_657, %swap3A_658] {strides = array<i32>} : memref<4x128xi32, #tpu.memory_space<vmem>>, vector<16xi32>,
    tpu.vector_store %arg10[%swap3A_657, %swap3A_658], %shift_right_logical3A_655 {strides = array<i32>} : memref<4x128xi32, #tpu.memory_space<vmem>>, vector<16xi32>,
    %get3A_660 = arith.constant 496 : index
    %get3A_661 = tpu.vector_load %arg9[%get3A_660] {strides = array<i32>} : memref<512xi32, #tpu.memory_space<vmem>>, vector<16xi32>,
    %add3A_662 = arith.constant 1000000 : i32
    %add3A_663 = vector.broadcast %add3A_662 : i32 to vector<16xi32>
    %add3A_664 = arith.addi %get3A_661, %add3A_663 : vector<16xi32>
    %shift_right_logical3A_665 = arith.constant 3 : i32
    %shift_right_logical3A_666 = vector.broadcast %shift_right_logical3A_665 : i32 to vector<16xi32>
    %shift_right_logical3A_667 = arith.shrui %add3A_664, %shift_right_logical3A_666 : vector<16xi32>
    %swap3A_668 = arith.constant 3 : i32
    %swap3A_669 = arith.index_cast %swap3A_668 : i32 to index
    %swap3A_670 = arith.constant 112 : index
    %swap3A_671 = tpu.vector_load %arg11[%swap3A_669, %swap3A_670] {strides = array<i32>} : memref<4x128xi32, #tpu.memory_space<vmem>>, vector<16xi32>,
    tpu.vector_store %arg11[%swap3A_669, %swap3A_670], %shift_right_logical3A_667 {strides = array<i32>} : memref<4x128xi32, #tpu.memory_space<vmem>>, vector<16xi32>,
    %get3A_672 = arith.constant 0 : index
    %get3A_673 = tpu.vector_load %arg16[%get3A_672] {strides = array<i32>} : memref<16xf32, #tpu.memory_space<vmem>>, vector<16xf32>,
    %get3A_674 = arith.constant 0 : index
    %get3A_675 = tpu.vector_load %arg17[%get3A_674] {strides = array<i32>} : memref<16xf32, #tpu.memory_space<vmem>>, vector<16xf32>,
    %iota3A = tpu.iota {dimensions = array<i32: 0>} : vector<16xi32>
    %broadcast_in_dim3A = arith.constant 0 : i32
    %broadcast_in_dim3A_676 = vector.broadcast %broadcast_in_dim3A : i32 to vector<16x1xi32>
    %gather3A = vector.shape_cast %broadcast_in_dim3A_676 : vector<16x1xi32> to vector<16xi32>
    %gather3A_677 = tpu.dynamic_gather %get3A_673[%gather3A] in [0] : vector<16xf32>, vector<16xi32> -> vector<16xf32>
    %broadcast_in_dim3A_678 = arith.constant 1 : i32
    %broadcast_in_dim3A_679 = vector.broadcast %broadcast_in_dim3A_678 : i32 to vector<16x1xi32>
    %gather3A_680 = vector.shape_cast %broadcast_in_dim3A_679 : vector<16x1xi32> to vector<16xi32>
    %gather3A_681 = tpu.dynamic_gather %get3A_673[%gather3A_680] in [0] : vector<16xf32>, vector<16xi32> -> vector<16xf32>
    %broadcast_in_dim3A_682 = arith.constant 2 : i32
    %broadcast_in_dim3A_683 = vector.broadcast %broadcast_in_dim3A_682 : i32 to vector<16x1xi32>
    %gather3A_684 = vector.shape_cast %broadcast_in_dim3A_683 : vector<16x1xi32> to vector<16xi32>
    %gather3A_685 = tpu.dynamic_gather %get3A_673[%gather3A_684] in [0] : vector<16xf32>, vector<16xi32> -> vector<16xf32>
    %broadcast_in_dim3A_686 = arith.constant 3 : i32
    %broadcast_in_dim3A_687 = vector.broadcast %broadcast_in_dim3A_686 : i32 to vector<16x1xi32>
    %gather3A_688 = vector.shape_cast %broadcast_in_dim3A_687 : vector<16x1xi32> to vector<16xi32>
    %gather3A_689 = tpu.dynamic_gather %get3A_673[%gather3A_688] in [0] : vector<16xf32>, vector<16xi32> -> vector<16xf32>
    %broadcast_in_dim3A_690 = arith.constant 4 : i32
    %broadcast_in_dim3A_691 = vector.broadcast %broadcast_in_dim3A_690 : i32 to vector<16x1xi32>
    %gather3A_692 = vector.shape_cast %broadcast_in_dim3A_691 : vector<16x1xi32> to vector<16xi32>
    %gather3A_693 = tpu.dynamic_gather %get3A_673[%gather3A_692] in [0] : vector<16xf32>, vector<16xi32> -> vector<16xf32>
    %broadcast_in_dim3A_694 = arith.constant 5 : i32
    %broadcast_in_dim3A_695 = vector.broadcast %broadcast_in_dim3A_694 : i32 to vector<16x1xi32>
    %gather3A_696 = vector.shape_cast %broadcast_in_dim3A_695 : vector<16x1xi32> to vector<16xi32>
    %gather3A_697 = tpu.dynamic_gather %get3A_673[%gather3A_696] in [0] : vector<16xf32>, vector<16xi32> -> vector<16xf32>
    %broadcast_in_dim3A_698 = arith.constant 6 : i32
    %broadcast_in_dim3A_699 = vector.broadcast %broadcast_in_dim3A_698 : i32 to vector<16x1xi32>
    %gather3A_700 = vector.shape_cast %broadcast_in_dim3A_699 : vector<16x1xi32> to vector<16xi32>
    %gather3A_701 = tpu.dynamic_gather %get3A_673[%gather3A_700] in [0] : vector<16xf32>, vector<16xi32> -> vector<16xf32>
    %broadcast_in_dim3A_702 = arith.constant 7 : i32
    %broadcast_in_dim3A_703 = vector.broadcast %broadcast_in_dim3A_702 : i32 to vector<16x1xi32>
    %gather3A_704 = vector.shape_cast %broadcast_in_dim3A_703 : vector<16x1xi32> to vector<16xi32>
    %gather3A_705 = tpu.dynamic_gather %get3A_673[%gather3A_704] in [0] : vector<16xf32>, vector<16xi32> -> vector<16xf32>
    %broadcast_in_dim3A_706 = arith.constant 8 : i32
    %broadcast_in_dim3A_707 = vector.broadcast %broadcast_in_dim3A_706 : i32 to vector<16x1xi32>
    %gather3A_708 = vector.shape_cast %broadcast_in_dim3A_707 : vector<16x1xi32> to vector<16xi32>
    %gather3A_709 = tpu.dynamic_gather %get3A_673[%gather3A_708] in [0] : vector<16xf32>, vector<16xi32> -> vector<16xf32>
    %broadcast_in_dim3A_710 = arith.constant 9 : i32
    %broadcast_in_dim3A_711 = vector.broadcast %broadcast_in_dim3A_710 : i32 to vector<16x1xi32>
    %gather3A_712 = vector.shape_cast %broadcast_in_dim3A_711 : vector<16x1xi32> to vector<16xi32>
    %gather3A_713 = tpu.dynamic_gather %get3A_673[%gather3A_712] in [0] : vector<16xf32>, vector<16xi32> -> vector<16xf32>
    %broadcast_in_dim3A_714 = arith.constant 10 : i32
    %broadcast_in_dim3A_715 = vector.broadcast %broadcast_in_dim3A_714 : i32 to vector<16x1xi32>
    %gather3A_716 = vector.shape_cast %broadcast_in_dim3A_715 : vector<16x1xi32> to vector<16xi32>
    %gather3A_717 = tpu.dynamic_gather %get3A_673[%gather3A_716] in [0] : vector<16xf32>, vector<16xi32> -> vector<16xf32>
    %broadcast_in_dim3A_718 = arith.constant 11 : i32
    %broadcast_in_dim3A_719 = vector.broadcast %broadcast_in_dim3A_718 : i32 to vector<16x1xi32>
    %gather3A_720 = vector.shape_cast %broadcast_in_dim3A_719 : vector<16x1xi32> to vector<16xi32>
    %gather3A_721 = tpu.dynamic_gather %get3A_673[%gather3A_720] in [0] : vector<16xf32>, vector<16xi32> -> vector<16xf32>
    %broadcast_in_dim3A_722 = arith.constant 12 : i32
    %broadcast_in_dim3A_723 = vector.broadcast %broadcast_in_dim3A_722 : i32 to vector<16x1xi32>
    %gather3A_724 = vector.shape_cast %broadcast_in_dim3A_723 : vector<16x1xi32> to vector<16xi32>
    %gather3A_725 = tpu.dynamic_gather %get3A_673[%gather3A_724] in [0] : vector<16xf32>, vector<16xi32> -> vector<16xf32>
    %broadcast_in_dim3A_726 = arith.constant 13 : i32
    %broadcast_in_dim3A_727 = vector.broadcast %broadcast_in_dim3A_726 : i32 to vector<16x1xi32>
    %gather3A_728 = vector.shape_cast %broadcast_in_dim3A_727 : vector<16x1xi32> to vector<16xi32>
    %gather3A_729 = tpu.dynamic_gather %get3A_673[%gather3A_728] in [0] : vector<16xf32>, vector<16xi32> -> vector<16xf32>
    %broadcast_in_dim3A_730 = arith.constant 14 : i32
    %broadcast_in_dim3A_731 = vector.broadcast %broadcast_in_dim3A_730 : i32 to vector<16x1xi32>
    %gather3A_732 = vector.shape_cast %broadcast_in_dim3A_731 : vector<16x1xi32> to vector<16xi32>
    %gather3A_733 = tpu.dynamic_gather %get3A_673[%gather3A_732] in [0] : vector<16xf32>, vector<16xi32> -> vector<16xf32>
    %broadcast_in_dim3A_734 = arith.constant 15 : i32
    %broadcast_in_dim3A_735 = vector.broadcast %broadcast_in_dim3A_734 : i32 to vector<16x1xi32>
    %gather3A_736 = vector.shape_cast %broadcast_in_dim3A_735 : vector<16x1xi32> to vector<16xi32>
    %gather3A_737 = tpu.dynamic_gather %get3A_673[%gather3A_736] in [0] : vector<16xf32>, vector<16xi32> -> vector<16xf32>
    %dma_start3A = arith.constant 0 : i32
    %dma_start3A_738 = arith.constant 0 : i32
    %dma_start3A_739 = tpu.memref_slice %arg10[%dma_start3A, %dma_start3A_738] : memref<4x128xi32, #tpu.memory_space<vmem>> -> memref<1x128xi32, #tpu.memory_space<vmem>>
    %dma_start3A_740 = tpu.memref_squeeze %dma_start3A_739 : memref<1x128xi32, #tpu.memory_space<vmem>> -> memref<128xi32, #tpu.memory_space<vmem>>
    %dma_start3A_741 = arith.constant 0 : i32
    %dma_start3A_742 = arith.constant 0 : i32
    %dma_start3A_743 = tpu.memref_slice %arg4[%dma_start3A_741, %dma_start3A_742] : memref<250000x128xf32, #tpu.memory_space<hbm>> -> memref<250000x128xf32, #tpu.memory_space<hbm>>
    tpu.enqueue_indirect_dma source(%dma_start3A_743 : memref<250000x128xf32, #tpu.memory_space<hbm>>) target(%arg12 : memref<128x128xf32, #tpu.memory_space<vmem>>) offsets(%dma_start3A_740 : memref<128xi32, #tpu.memory_space<vmem>>) semaphore(%arg19 : memref<!tpu.dma_semaphore, #tpu.memory_space<semaphore_mem>>)
    %dma_start3A_744 = arith.constant 0 : i32
    %dma_start3A_745 = arith.constant 0 : i32
    %dma_start3A_746 = tpu.memref_slice %arg11[%dma_start3A_744, %dma_start3A_745] : memref<4x128xi32, #tpu.memory_space<vmem>> -> memref<1x128xi32, #tpu.memory_space<vmem>>
    %dma_start3A_747 = tpu.memref_squeeze %dma_start3A_746 : memref<1x128xi32, #tpu.memory_space<vmem>> -> memref<128xi32, #tpu.memory_space<vmem>>
    %dma_start3A_748 = arith.constant 0 : i32
    %dma_start3A_749 = arith.constant 0 : i32
    %dma_start3A_750 = tpu.memref_slice %arg4[%dma_start3A_748, %dma_start3A_749] : memref<250000x128xf32, #tpu.memory_space<hbm>> -> memref<250000x128xf32, #tpu.memory_space<hbm>>
    tpu.enqueue_indirect_dma source(%dma_start3A_750 : memref<250000x128xf32, #tpu.memory_space<hbm>>) target(%arg14 : memref<128x128xf32, #tpu.memory_space<vmem>>) offsets(%dma_start3A_747 : memref<128xi32, #tpu.memory_space<vmem>>) semaphore(%arg19 : memref<!tpu.dma_semaphore, #tpu.memory_space<semaphore_mem>>)
    %dma_wait3A = arith.constant 0 : i32
    %dma_wait3A_751 = arith.constant 0 : i32
    %dma_wait3A_752 = tpu.memref_slice %arg10[%dma_wait3A, %dma_wait3A_751] : memref<4x128xi32, #tpu.memory_space<vmem>> -> memref<1x128xi32, #tpu.memory_space<vmem>>
    %dma_wait3A_753 = tpu.memref_squeeze %dma_wait3A_752 : memref<1x128xi32, #tpu.memory_space<vmem>> -> memref<128xi32, #tpu.memory_space<vmem>>
    %dma_wait3A_754 = arith.constant 0 : i32
    %dma_wait3A_755 = arith.constant 0 : i32
    %dma_wait3A_756 = tpu.memref_slice %arg4[%dma_wait3A_754, %dma_wait3A_755] : memref<250000x128xf32, #tpu.memory_space<hbm>> -> memref<250000x128xf32, #tpu.memory_space<hbm>>
    tpu.wait_indirect_dma semaphore(%arg19 : memref<!tpu.dma_semaphore, #tpu.memory_space<semaphore_mem>>) src(%dma_wait3A_756 : memref<250000x128xf32, #tpu.memory_space<hbm>>) dst(%arg12 : memref<128x128xf32, #tpu.memory_space<vmem>>)
    %dma_wait3A_757 = arith.constant 0 : i32
    %dma_wait3A_758 = arith.constant 0 : i32
    %dma_wait3A_759 = tpu.memref_slice %arg11[%dma_wait3A_757, %dma_wait3A_758] : memref<4x128xi32, #tpu.memory_space<vmem>> -> memref<1x128xi32, #tpu.memory_space<vmem>>
    %dma_wait3A_760 = tpu.memref_squeeze %dma_wait3A_759 : memref<1x128xi32, #tpu.memory_space<vmem>> -> memref<128xi32, #tpu.memory_space<vmem>>
    %dma_wait3A_761 = arith.constant 0 : i32
    %dma_wait3A_762 = arith.constant 0 : i32
    %dma_wait3A_763 = tpu.memref_slice %arg4[%dma_wait3A_761, %dma_wait3A_762] : memref<250000x128xf32, #tpu.memory_space<hbm>> -> memref<250000x128xf32, #tpu.memory_space<hbm>>
    tpu.wait_indirect_dma semaphore(%arg19 : memref<!tpu.dma_semaphore, #tpu.memory_space<semaphore_mem>>) src(%dma_wait3A_763 : memref<250000x128xf32, #tpu.memory_space<hbm>>) dst(%arg14 : memref<128x128xf32, #tpu.memory_space<vmem>>)
    %dma_start3A_764 = arith.constant 1 : i32
    %dma_start3A_765 = arith.constant 0 : i32
    %dma_start3A_766 = tpu.memref_slice %arg10[%dma_start3A_764, %dma_start3A_765] : memref<4x128xi32, #tpu.memory_space<vmem>> -> memref<1x128xi32, #tpu.memory_space<vmem>>
    %dma_start3A_767 = tpu.memref_squeeze %dma_start3A_766 : memref<1x128xi32, #tpu.memory_space<vmem>> -> memref<128xi32, #tpu.memory_space<vmem>>
    %dma_start3A_768 = arith.constant 0 : i32
    %dma_start3A_769 = arith.constant 0 : i32
    %dma_start3A_770 = tpu.memref_slice %arg4[%dma_start3A_768, %dma_start3A_769] : memref<250000x128xf32, #tpu.memory_space<hbm>> -> memref<250000x128xf32, #tpu.memory_space<hbm>>
    tpu.enqueue_indirect_dma source(%dma_start3A_770 : memref<250000x128xf32, #tpu.memory_space<hbm>>) target(%arg13 : memref<128x128xf32, #tpu.memory_space<vmem>>) offsets(%dma_start3A_767 : memref<128xi32, #tpu.memory_space<vmem>>) semaphore(%arg20 : memref<!tpu.dma_semaphore, #tpu.memory_space<semaphore_mem>>)
    %dma_start3A_771 = arith.constant 1 : i32
    %dma_start3A_772 = arith.constant 0 : i32
    %dma_start3A_773 = tpu.memref_slice %arg11[%dma_start3A_771, %dma_start3A_772] : memref<4x128xi32, #tpu.memory_space<vmem>> -> memref<1x128xi32, #tpu.memory_space<vmem>>
    %dma_start3A_774 = tpu.memref_squeeze %dma_start3A_773 : memref<1x128xi32, #tpu.memory_space<vmem>> -> memref<128xi32, #tpu.memory_space<vmem>>
    %dma_start3A_775 = arith.constant 0 : i32
    %dma_start3A_776 = arith.constant 0 : i32
    %dma_start3A_777 = tpu.memref_slice %arg4[%dma_start3A_775, %dma_start3A_776] : memref<250000x128xf32, #tpu.memory_space<hbm>> -> memref<250000x128xf32, #tpu.memory_space<hbm>>
    tpu.enqueue_indirect_dma source(%dma_start3A_777 : memref<250000x128xf32, #tpu.memory_space<hbm>>) target(%arg15 : memref<128x128xf32, #tpu.memory_space<vmem>>) offsets(%dma_start3A_774 : memref<128xi32, #tpu.memory_space<vmem>>) semaphore(%arg20 : memref<!tpu.dma_semaphore, #tpu.memory_space<semaphore_mem>>)
    %scan3A = arith.constant 0 : i32
    %scan3A_778 = arith.constant 0 : i32
    %scan3A_779 = arith.constant 8 : i32
    %scan3A_780 = arith.addi %scan3A_778, %scan3A_779 : i32
    %scan3A_781 = arith.constant 1 : i32
    %scan3A_782 = scf.for %scan3A_875 = %scan3A_778 to %scan3A_780 step %scan3A_781 iter_args(%scan3A_876 = %scan3A) -> (i32)  : i32 {
      %mul3A_877 = arith.constant 16 : i32
      %mul3A_878 = arith.muli %scan3A_875, %mul3A_877 : i32
      %add3A_879 = arith.constant 0 : i32
      %add3A_880 = arith.addi %add3A_879, %mul3A_878 : i32
      %mul3A_881 = arith.constant 16 : i32
      %mul3A_882 = arith.muli %scan3A_875, %mul3A_881 : i32
      %add3A_883 = vector.broadcast %mul3A_882 : i32 to vector<16xi32>
      %add3A_884 = arith.addi %add3A_883, %iota3A : vector<16xi32>
      %get3A_885 = arith.index_cast %add3A_880 : i32 to index
      %get3A_886 = tpu.vector_load %arg8[%get3A_885] {strides = array<i32>} : memref<512xi32, #tpu.memory_space<vmem>>, vector<16xi32>,
      %and3A = arith.constant 7 : i32
      %and3A_887 = vector.broadcast %and3A : i32 to vector<16xi32>
      %and3A_888 = arith.andi %get3A_886, %and3A_887 : vector<16xi32>
      %shift_left3A = arith.constant 4 : i32
      %shift_left3A_889 = vector.broadcast %shift_left3A : i32 to vector<16xi32>
      %shift_left3A_890 = arith.shli %and3A_888, %shift_left3A_889 : vector<16xi32>
      %get3A_891 = arith.index_cast %add3A_880 : i32 to index
      %get3A_892 = tpu.vector_load %arg9[%get3A_891] {strides = array<i32>} : memref<512xi32, #tpu.memory_space<vmem>>, vector<16xi32>,
      %add3A_893 = arith.constant 1000000 : i32
      %add3A_894 = vector.broadcast %add3A_893 : i32 to vector<16xi32>
      %add3A_895 = arith.addi %get3A_892, %add3A_894 : vector<16xi32>
      %and3A_896 = arith.constant 7 : i32
      %and3A_897 = vector.broadcast %and3A_896 : i32 to vector<16xi32>
      %and3A_898 = arith.andi %add3A_895, %and3A_897 : vector<16xi32>
      %shift_left3A_899 = arith.constant 4 : i32
      %shift_left3A_900 = vector.broadcast %shift_left3A_899 : i32 to vector<16xi32>
      %shift_left3A_901 = arith.shli %and3A_898, %shift_left3A_900 : vector<16xi32>
      %add3A_902 = arith.constant 0 : i32
      %add3A_903 = vector.broadcast %add3A_902 : i32 to vector<16xi32>
      %add3A_904 = arith.addi %shift_left3A_890, %add3A_903 : vector<16xi32>
      %gather3A_905 = tpu.vector_load_idx %arg12[%add3A_884, %add3A_904] : memref<128x128xf32, #tpu.memory_space<vmem>>[vector<16xi32>, vector<16xi32>], vector<16xf32>,
      %add3A_906 = arith.constant 0 : i32
      %add3A_907 = vector.broadcast %add3A_906 : i32 to vector<16xi32>
      %add3A_908 = arith.addi %shift_left3A_901, %add3A_907 : vector<16xi32>
      %gather3A_909 = tpu.vector_load_idx %arg14[%add3A_884, %add3A_908] : memref<128x128xf32, #tpu.memory_space<vmem>>[vector<16xi32>, vector<16xi32>], vector<16xf32>,
      %mul3A_910 = arith.mulf %gather3A_905, %gather3A_909 : vector<16xf32>
      %mul3A_911 = arith.mulf %mul3A_910, %gather3A_677 : vector<16xf32>
      %add3A_912 = arith.addf %get3A_675, %mul3A_911 : vector<16xf32>
      %add3A_913 = arith.constant 1 : i32
      %add3A_914 = vector.broadcast %add3A_913 : i32 to vector<16xi32>
      %add3A_915 = arith.addi %shift_left3A_890, %add3A_914 : vector<16xi32>
      %gather3A_916 = tpu.vector_load_idx %arg12[%add3A_884, %add3A_915] : memref<128x128xf32, #tpu.memory_space<vmem>>[vector<16xi32>, vector<16xi32>], vector<16xf32>,
      %add3A_917 = arith.constant 1 : i32
      %add3A_918 = vector.broadcast %add3A_917 : i32 to vector<16xi32>
      %add3A_919 = arith.addi %shift_left3A_901, %add3A_918 : vector<16xi32>
      %gather3A_920 = tpu.vector_load_idx %arg14[%add3A_884, %add3A_919] : memref<128x128xf32, #tpu.memory_space<vmem>>[vector<16xi32>, vector<16xi32>], vector<16xf32>,
      %mul3A_921 = arith.mulf %gather3A_916, %gather3A_920 : vector<16xf32>
      %mul3A_922 = arith.mulf %mul3A_921, %gather3A_681 : vector<16xf32>
      %add3A_923 = arith.addf %add3A_912, %mul3A_922 : vector<16xf32>
      %add3A_924 = arith.constant 2 : i32
      %add3A_925 = vector.broadcast %add3A_924 : i32 to vector<16xi32>
      %add3A_926 = arith.addi %shift_left3A_890, %add3A_925 : vector<16xi32>
      %gather3A_927 = tpu.vector_load_idx %arg12[%add3A_884, %add3A_926] : memref<128x128xf32, #tpu.memory_space<vmem>>[vector<16xi32>, vector<16xi32>], vector<16xf32>,
      %add3A_928 = arith.constant 2 : i32
      %add3A_929 = vector.broadcast %add3A_928 : i32 to vector<16xi32>
      %add3A_930 = arith.addi %shift_left3A_901, %add3A_929 : vector<16xi32>
      %gather3A_931 = tpu.vector_load_idx %arg14[%add3A_884, %add3A_930] : memref<128x128xf32, #tpu.memory_space<vmem>>[vector<16xi32>, vector<16xi32>], vector<16xf32>,
      %mul3A_932 = arith.mulf %gather3A_927, %gather3A_931 : vector<16xf32>
      %mul3A_933 = arith.mulf %mul3A_932, %gather3A_685 : vector<16xf32>
      %add3A_934 = arith.addf %add3A_923, %mul3A_933 : vector<16xf32>
      %add3A_935 = arith.constant 3 : i32
      %add3A_936 = vector.broadcast %add3A_935 : i32 to vector<16xi32>
      %add3A_937 = arith.addi %shift_left3A_890, %add3A_936 : vector<16xi32>
      %gather3A_938 = tpu.vector_load_idx %arg12[%add3A_884, %add3A_937] : memref<128x128xf32, #tpu.memory_space<vmem>>[vector<16xi32>, vector<16xi32>], vector<16xf32>,
      %add3A_939 = arith.constant 3 : i32
      %add3A_940 = vector.broadcast %add3A_939 : i32 to vector<16xi32>
      %add3A_941 = arith.addi %shift_left3A_901, %add3A_940 : vector<16xi32>
      %gather3A_942 = tpu.vector_load_idx %arg14[%add3A_884, %add3A_941] : memref<128x128xf32, #tpu.memory_space<vmem>>[vector<16xi32>, vector<16xi32>], vector<16xf32>,
      %mul3A_943 = arith.mulf %gather3A_938, %gather3A_942 : vector<16xf32>
      %mul3A_944 = arith.mulf %mul3A_943, %gather3A_689 : vector<16xf32>
      %add3A_945 = arith.addf %add3A_934, %mul3A_944 : vector<16xf32>
      %add3A_946 = arith.constant 4 : i32
      %add3A_947 = vector.broadcast %add3A_946 : i32 to vector<16xi32>
      %add3A_948 = arith.addi %shift_left3A_890, %add3A_947 : vector<16xi32>
      %gather3A_949 = tpu.vector_load_idx %arg12[%add3A_884, %add3A_948] : memref<128x128xf32, #tpu.memory_space<vmem>>[vector<16xi32>, vector<16xi32>], vector<16xf32>,
      %add3A_950 = arith.constant 4 : i32
      %add3A_951 = vector.broadcast %add3A_950 : i32 to vector<16xi32>
      %add3A_952 = arith.addi %shift_left3A_901, %add3A_951 : vector<16xi32>
      %gather3A_953 = tpu.vector_load_idx %arg14[%add3A_884, %add3A_952] : memref<128x128xf32, #tpu.memory_space<vmem>>[vector<16xi32>, vector<16xi32>], vector<16xf32>,
      %mul3A_954 = arith.mulf %gather3A_949, %gather3A_953 : vector<16xf32>
      %mul3A_955 = arith.mulf %mul3A_954, %gather3A_693 : vector<16xf32>
      %add3A_956 = arith.addf %add3A_945, %mul3A_955 : vector<16xf32>
      %add3A_957 = arith.constant 5 : i32
      %add3A_958 = vector.broadcast %add3A_957 : i32 to vector<16xi32>
      %add3A_959 = arith.addi %shift_left3A_890, %add3A_958 : vector<16xi32>
      %gather3A_960 = tpu.vector_load_idx %arg12[%add3A_884, %add3A_959] : memref<128x128xf32, #tpu.memory_space<vmem>>[vector<16xi32>, vector<16xi32>], vector<16xf32>,
      %add3A_961 = arith.constant 5 : i32
      %add3A_962 = vector.broadcast %add3A_961 : i32 to vector<16xi32>
      %add3A_963 = arith.addi %shift_left3A_901, %add3A_962 : vector<16xi32>
      %gather3A_964 = tpu.vector_load_idx %arg14[%add3A_884, %add3A_963] : memref<128x128xf32, #tpu.memory_space<vmem>>[vector<16xi32>, vector<16xi32>], vector<16xf32>,
      %mul3A_965 = arith.mulf %gather3A_960, %gather3A_964 : vector<16xf32>
      %mul3A_966 = arith.mulf %mul3A_965, %gather3A_697 : vector<16xf32>
      %add3A_967 = arith.addf %add3A_956, %mul3A_966 : vector<16xf32>
      %add3A_968 = arith.constant 6 : i32
      %add3A_969 = vector.broadcast %add3A_968 : i32 to vector<16xi32>
      %add3A_970 = arith.addi %shift_left3A_890, %add3A_969 : vector<16xi32>
      %gather3A_971 = tpu.vector_load_idx %arg12[%add3A_884, %add3A_970] : memref<128x128xf32, #tpu.memory_space<vmem>>[vector<16xi32>, vector<16xi32>], vector<16xf32>,
      %add3A_972 = arith.constant 6 : i32
      %add3A_973 = vector.broadcast %add3A_972 : i32 to vector<16xi32>
      %add3A_974 = arith.addi %shift_left3A_901, %add3A_973 : vector<16xi32>
      %gather3A_975 = tpu.vector_load_idx %arg14[%add3A_884, %add3A_974] : memref<128x128xf32, #tpu.memory_space<vmem>>[vector<16xi32>, vector<16xi32>], vector<16xf32>,
      %mul3A_976 = arith.mulf %gather3A_971, %gather3A_975 : vector<16xf32>
      %mul3A_977 = arith.mulf %mul3A_976, %gather3A_701 : vector<16xf32>
      %add3A_978 = arith.addf %add3A_967, %mul3A_977 : vector<16xf32>
      %add3A_979 = arith.constant 7 : i32
      %add3A_980 = vector.broadcast %add3A_979 : i32 to vector<16xi32>
      %add3A_981 = arith.addi %shift_left3A_890, %add3A_980 : vector<16xi32>
      %gather3A_982 = tpu.vector_load_idx %arg12[%add3A_884, %add3A_981] : memref<128x128xf32, #tpu.memory_space<vmem>>[vector<16xi32>, vector<16xi32>], vector<16xf32>,
      %add3A_983 = arith.constant 7 : i32
      %add3A_984 = vector.broadcast %add3A_983 : i32 to vector<16xi32>
      %add3A_985 = arith.addi %shift_left3A_901, %add3A_984 : vector<16xi32>
      %gather3A_986 = tpu.vector_load_idx %arg14[%add3A_884, %add3A_985] : memref<128x128xf32, #tpu.memory_space<vmem>>[vector<16xi32>, vector<16xi32>], vector<16xf32>,
      %mul3A_987 = arith.mulf %gather3A_982, %gather3A_986 : vector<16xf32>
      %mul3A_988 = arith.mulf %mul3A_987, %gather3A_705 : vector<16xf32>
      %add3A_989 = arith.addf %add3A_978, %mul3A_988 : vector<16xf32>
      %add3A_990 = arith.constant 8 : i32
      %add3A_991 = vector.broadcast %add3A_990 : i32 to vector<16xi32>
      %add3A_992 = arith.addi %shift_left3A_890, %add3A_991 : vector<16xi32>
      %gather3A_993 = tpu.vector_load_idx %arg12[%add3A_884, %add3A_992] : memref<128x128xf32, #tpu.memory_space<vmem>>[vector<16xi32>, vector<16xi32>], vector<16xf32>,
      %add3A_994 = arith.constant 8 : i32
      %add3A_995 = vector.broadcast %add3A_994 : i32 to vector<16xi32>
      %add3A_996 = arith.addi %shift_left3A_901, %add3A_995 : vector<16xi32>
      %gather3A_997 = tpu.vector_load_idx %arg14[%add3A_884, %add3A_996] : memref<128x128xf32, #tpu.memory_space<vmem>>[vector<16xi32>, vector<16xi32>], vector<16xf32>,
      %mul3A_998 = arith.mulf %gather3A_993, %gather3A_997 : vector<16xf32>
      %mul3A_999 = arith.mulf %mul3A_998, %gather3A_709 : vector<16xf32>
      %add3A_1000 = arith.addf %add3A_989, %mul3A_999 : vector<16xf32>
      %add3A_1001 = arith.constant 9 : i32
      %add3A_1002 = vector.broadcast %add3A_1001 : i32 to vector<16xi32>
      %add3A_1003 = arith.addi %shift_left3A_890, %add3A_1002 : vector<16xi32>
      %gather3A_1004 = tpu.vector_load_idx %arg12[%add3A_884, %add3A_1003] : memref<128x128xf32, #tpu.memory_space<vmem>>[vector<16xi32>, vector<16xi32>], vector<16xf32>,
      %add3A_1005 = arith.constant 9 : i32
      %add3A_1006 = vector.broadcast %add3A_1005 : i32 to vector<16xi32>
      %add3A_1007 = arith.addi %shift_left3A_901, %add3A_1006 : vector<16xi32>
      %gather3A_1008 = tpu.vector_load_idx %arg14[%add3A_884, %add3A_1007] : memref<128x128xf32, #tpu.memory_space<vmem>>[vector<16xi32>, vector<16xi32>], vector<16xf32>,
      %mul3A_1009 = arith.mulf %gather3A_1004, %gather3A_1008 : vector<16xf32>
      %mul3A_1010 = arith.mulf %mul3A_1009, %gather3A_713 : vector<16xf32>
      %add3A_1011 = arith.addf %add3A_1000, %mul3A_1010 : vector<16xf32>
      %add3A_1012 = arith.constant 10 : i32
      %add3A_1013 = vector.broadcast %add3A_1012 : i32 to vector<16xi32>
      %add3A_1014 = arith.addi %shift_left3A_890, %add3A_1013 : vector<16xi32>
      %gather3A_1015 = tpu.vector_load_idx %arg12[%add3A_884, %add3A_1014] : memref<128x128xf32, #tpu.memory_space<vmem>>[vector<16xi32>, vector<16xi32>], vector<16xf32>,
      %add3A_1016 = arith.constant 10 : i32
      %add3A_1017 = vector.broadcast %add3A_1016 : i32 to vector<16xi32>
      %add3A_1018 = arith.addi %shift_left3A_901, %add3A_1017 : vector<16xi32>
      %gather3A_1019 = tpu.vector_load_idx %arg14[%add3A_884, %add3A_1018] : memref<128x128xf32, #tpu.memory_space<vmem>>[vector<16xi32>, vector<16xi32>], vector<16xf32>,
      %mul3A_1020 = arith.mulf %gather3A_1015, %gather3A_1019 : vector<16xf32>
      %mul3A_1021 = arith.mulf %mul3A_1020, %gather3A_717 : vector<16xf32>
      %add3A_1022 = arith.addf %add3A_1011, %mul3A_1021 : vector<16xf32>
      %add3A_1023 = arith.constant 11 : i32
      %add3A_1024 = vector.broadcast %add3A_1023 : i32 to vector<16xi32>
      %add3A_1025 = arith.addi %shift_left3A_890, %add3A_1024 : vector<16xi32>
      %gather3A_1026 = tpu.vector_load_idx %arg12[%add3A_884, %add3A_1025] : memref<128x128xf32, #tpu.memory_space<vmem>>[vector<16xi32>, vector<16xi32>], vector<16xf32>,
      %add3A_1027 = arith.constant 11 : i32
      %add3A_1028 = vector.broadcast %add3A_1027 : i32 to vector<16xi32>
      %add3A_1029 = arith.addi %shift_left3A_901, %add3A_1028 : vector<16xi32>
      %gather3A_1030 = tpu.vector_load_idx %arg14[%add3A_884, %add3A_1029] : memref<128x128xf32, #tpu.memory_space<vmem>>[vector<16xi32>, vector<16xi32>], vector<16xf32>,
      %mul3A_1031 = arith.mulf %gather3A_1026, %gather3A_1030 : vector<16xf32>
      %mul3A_1032 = arith.mulf %mul3A_1031, %gather3A_721 : vector<16xf32>
      %add3A_1033 = arith.addf %add3A_1022, %mul3A_1032 : vector<16xf32>
      %add3A_1034 = arith.constant 12 : i32
      %add3A_1035 = vector.broadcast %add3A_1034 : i32 to vector<16xi32>
      %add3A_1036 = arith.addi %shift_left3A_890, %add3A_1035 : vector<16xi32>
      %gather3A_1037 = tpu.vector_load_idx %arg12[%add3A_884, %add3A_1036] : memref<128x128xf32, #tpu.memory_space<vmem>>[vector<16xi32>, vector<16xi32>], vector<16xf32>,
      %add3A_1038 = arith.constant 12 : i32
      %add3A_1039 = vector.broadcast %add3A_1038 : i32 to vector<16xi32>
      %add3A_1040 = arith.addi %shift_left3A_901, %add3A_1039 : vector<16xi32>
      %gather3A_1041 = tpu.vector_load_idx %arg14[%add3A_884, %add3A_1040] : memref<128x128xf32, #tpu.memory_space<vmem>>[vector<16xi32>, vector<16xi32>], vector<16xf32>,
      %mul3A_1042 = arith.mulf %gather3A_1037, %gather3A_1041 : vector<16xf32>
      %mul3A_1043 = arith.mulf %mul3A_1042, %gather3A_725 : vector<16xf32>
      %add3A_1044 = arith.addf %add3A_1033, %mul3A_1043 : vector<16xf32>
      %add3A_1045 = arith.constant 13 : i32
      %add3A_1046 = vector.broadcast %add3A_1045 : i32 to vector<16xi32>
      %add3A_1047 = arith.addi %shift_left3A_890, %add3A_1046 : vector<16xi32>
      %gather3A_1048 = tpu.vector_load_idx %arg12[%add3A_884, %add3A_1047] : memref<128x128xf32, #tpu.memory_space<vmem>>[vector<16xi32>, vector<16xi32>], vector<16xf32>,
      %add3A_1049 = arith.constant 13 : i32
      %add3A_1050 = vector.broadcast %add3A_1049 : i32 to vector<16xi32>
      %add3A_1051 = arith.addi %shift_left3A_901, %add3A_1050 : vector<16xi32>
      %gather3A_1052 = tpu.vector_load_idx %arg14[%add3A_884, %add3A_1051] : memref<128x128xf32, #tpu.memory_space<vmem>>[vector<16xi32>, vector<16xi32>], vector<16xf32>,
      %mul3A_1053 = arith.mulf %gather3A_1048, %gather3A_1052 : vector<16xf32>
      %mul3A_1054 = arith.mulf %mul3A_1053, %gather3A_729 : vector<16xf32>
      %add3A_1055 = arith.addf %add3A_1044, %mul3A_1054 : vector<16xf32>
      %add3A_1056 = arith.constant 14 : i32
      %add3A_1057 = vector.broadcast %add3A_1056 : i32 to vector<16xi32>
      %add3A_1058 = arith.addi %shift_left3A_890, %add3A_1057 : vector<16xi32>
      %gather3A_1059 = tpu.vector_load_idx %arg12[%add3A_884, %add3A_1058] : memref<128x128xf32, #tpu.memory_space<vmem>>[vector<16xi32>, vector<16xi32>], vector<16xf32>,
      %add3A_1060 = arith.constant 14 : i32
      %add3A_1061 = vector.broadcast %add3A_1060 : i32 to vector<16xi32>
      %add3A_1062 = arith.addi %shift_left3A_901, %add3A_1061 : vector<16xi32>
      %gather3A_1063 = tpu.vector_load_idx %arg14[%add3A_884, %add3A_1062] : memref<128x128xf32, #tpu.memory_space<vmem>>[vector<16xi32>, vector<16xi32>], vector<16xf32>,
      %mul3A_1064 = arith.mulf %gather3A_1059, %gather3A_1063 : vector<16xf32>
      %mul3A_1065 = arith.mulf %mul3A_1064, %gather3A_733 : vector<16xf32>
      %add3A_1066 = arith.addf %add3A_1055, %mul3A_1065 : vector<16xf32>
      %add3A_1067 = arith.constant 15 : i32
      %add3A_1068 = vector.broadcast %add3A_1067 : i32 to vector<16xi32>
      %add3A_1069 = arith.addi %shift_left3A_890, %add3A_1068 : vector<16xi32>
      %gather3A_1070 = tpu.vector_load_idx %arg12[%add3A_884, %add3A_1069] : memref<128x128xf32, #tpu.memory_space<vmem>>[vector<16xi32>, vector<16xi32>], vector<16xf32>,
      %add3A_1071 = arith.constant 15 : i32
      %add3A_1072 = vector.broadcast %add3A_1071 : i32 to vector<16xi32>
      %add3A_1073 = arith.addi %shift_left3A_901, %add3A_1072 : vector<16xi32>
      %gather3A_1074 = tpu.vector_load_idx %arg14[%add3A_884, %add3A_1073] : memref<128x128xf32, #tpu.memory_space<vmem>>[vector<16xi32>, vector<16xi32>], vector<16xf32>,
      %mul3A_1075 = arith.mulf %gather3A_1070, %gather3A_1074 : vector<16xf32>
      %mul3A_1076 = arith.mulf %mul3A_1075, %gather3A_737 : vector<16xf32>
      %add3A_1077 = arith.addf %add3A_1066, %mul3A_1076 : vector<16xf32>
      %max3A = arith.constant 0.000000e+00 : f32
      %max3A_1078 = vector.broadcast %max3A : f32 to vector<16xf32>
      %max3A_1079 = arith.maximumf %add3A_1077, %max3A_1078 : vector<16xf32>
      %swap3A_1080 = arith.index_cast %add3A_880 : i32 to index
      %swap3A_1081 = tpu.vector_load %arg18[%swap3A_1080] {strides = array<i32>} : memref<512xf32, #tpu.memory_space<vmem>>, vector<16xf32>,
      tpu.vector_store %arg18[%swap3A_1080], %max3A_1079 {strides = array<i32>} : memref<512xf32, #tpu.memory_space<vmem>>, vector<16xf32>,
      %scan3A_1082 = arith.constant 0 : i32
      scf.yield %scan3A_1082 : i32
    }
    %scan3A_783 = arith.constant 8 : i32
    %dma_wait3A_784 = arith.constant 1 : i32
    %dma_wait3A_785 = arith.constant 0 : i32
    %dma_wait3A_786 = tpu.memref_slice %arg10[%dma_wait3A_784, %dma_wait3A_785] : memref<4x128xi32, #tpu.memory_space<vmem>> -> memref<1x128xi32, #tpu.memory_space<vmem>>
    %dma_wait3A_787 = tpu.memref_squeeze %dma_wait3A_786 : memref<1x128xi32, #tpu.memory_space<vmem>> -> memref<128xi32, #tpu.memory_space<vmem>>
    %dma_wait3A_788 = arith.constant 0 : i32
    %dma_wait3A_789 = arith.constant 0 : i32
    %dma_wait3A_790 = tpu.memref_slice %arg4[%dma_wait3A_788, %dma_wait3A_789] : memref<250000x128xf32, #tpu.memory_space<hbm>> -> memref<250000x128xf32, #tpu.memory_space<hbm>>
    tpu.wait_indirect_dma semaphore(%arg20 : memref<!tpu.dma_semaphore, #tpu.memory_space<semaphore_mem>>) src(%dma_wait3A_790 : memref<250000x128xf32, #tpu.memory_space<hbm>>) dst(%arg13 : memref<128x128xf32, #tpu.memory_space<vmem>>)
    %dma_wait3A_791 = arith.constant 1 : i32
    %dma_wait3A_792 = arith.constant 0 : i32
    %dma_wait3A_793 = tpu.memref_slice %arg11[%dma_wait3A_791, %dma_wait3A_792] : memref<4x128xi32, #tpu.memory_space<vmem>> -> memref<1x128xi32, #tpu.memory_space<vmem>>
    %dma_wait3A_794 = tpu.memref_squeeze %dma_wait3A_793 : memref<1x128xi32, #tpu.memory_space<vmem>> -> memref<128xi32, #tpu.memory_space<vmem>>
    %dma_wait3A_795 = arith.constant 0 : i32
    %dma_wait3A_796 = arith.constant 0 : i32
    %dma_wait3A_797 = tpu.memref_slice %arg4[%dma_wait3A_795, %dma_wait3A_796] : memref<250000x128xf32, #tpu.memory_space<hbm>> -> memref<250000x128xf32, #tpu.memory_space<hbm>>
    tpu.wait_indirect_dma semaphore(%arg20 : memref<!tpu.dma_semaphore, #tpu.memory_space<semaphore_mem>>) src(%dma_wait3A_797 : memref<250000x128xf32, #tpu.memory_space<hbm>>) dst(%arg15 : memref<128x128xf32, #tpu.memory_space<vmem>>)
    %dma_start3A_798 = arith.constant 2 : i32
    %dma_start3A_799 = arith.constant 0 : i32
    %dma_start3A_800 = tpu.memref_slice %arg10[%dma_start3A_798, %dma_start3A_799] : memref<4x128xi32, #tpu.memory_space<vmem>> -> memref<1x128xi32, #tpu.memory_space<vmem>>
    %dma_start3A_801 = tpu.memref_squeeze %dma_start3A_800 : memref<1x128xi32, #tpu.memory_space<vmem>> -> memref<128xi32, #tpu.memory_space<vmem>>
    %dma_start3A_802 = arith.constant 0 : i32
    %dma_start3A_803 = arith.constant 0 : i32
    %dma_start3A_804 = tpu.memref_slice %arg4[%dma_start3A_802, %dma_start3A_803] : memref<250000x128xf32, #tpu.memory_space<hbm>> -> memref<250000x128xf32, #tpu.memory_space<hbm>>
    tpu.enqueue_indirect_dma source(%dma_start3A_804 : memref<250000x128xf32, #tpu.memory_space<hbm>>) target(%arg12 : memref<128x128xf32, #tpu.memory_space<vmem>>) offsets(%dma_start3A_801 : memref<128xi32, #tpu.memory_space<vmem>>) semaphore(%arg19 : memref<!tpu.dma_semaphore, #tpu.memory_space<semaphore_mem>>)
    %dma_start3A_805 = arith.constant 2 : i32
    %dma_start3A_806 = arith.constant 0 : i32
    %dma_start3A_807 = tpu.memref_slice %arg11[%dma_start3A_805, %dma_start3A_806] : memref<4x128xi32, #tpu.memory_space<vmem>> -> memref<1x128xi32, #tpu.memory_space<vmem>>
    %dma_start3A_808 = tpu.memref_squeeze %dma_start3A_807 : memref<1x128xi32, #tpu.memory_space<vmem>> -> memref<128xi32, #tpu.memory_space<vmem>>
    %dma_start3A_809 = arith.constant 0 : i32
    %dma_start3A_810 = arith.constant 0 : i32
    %dma_start3A_811 = tpu.memref_slice %arg4[%dma_start3A_809, %dma_start3A_810] : memref<250000x128xf32, #tpu.memory_space<hbm>> -> memref<250000x128xf32, #tpu.memory_space<hbm>>
    tpu.enqueue_indirect_dma source(%dma_start3A_811 : memref<250000x128xf32, #tpu.memory_space<hbm>>) target(%arg14 : memref<128x128xf32, #tpu.memory_space<vmem>>) offsets(%dma_start3A_808 : memref<128xi32, #tpu.memory_space<vmem>>) semaphore(%arg19 : memref<!tpu.dma_semaphore, #tpu.memory_space<semaphore_mem>>)
    %scan3A_812 = arith.constant 0 : i32
    %scan3A_813 = arith.constant 0 : i32
    %scan3A_814 = arith.constant 8 : i32
    %scan3A_815 = arith.addi %scan3A_813, %scan3A_814 : i32
    %scan3A_816 = arith.constant 1 : i32
    %scan3A_817 = scf.for %scan3A_875 = %scan3A_813 to %scan3A_815 step %scan3A_816 iter_args(%scan3A_876 = %scan3A_812) -> (i32)  : i32 {
      %mul3A_877 = arith.constant 16 : i32
      %mul3A_878 = arith.muli %scan3A_875, %mul3A_877 : i32
      %add3A_879 = arith.constant 128 : i32
      %add3A_880 = arith.addi %add3A_879, %mul3A_878 : i32
      %mul3A_881 = arith.constant 16 : i32
      %mul3A_882 = arith.muli %scan3A_875, %mul3A_881 : i32
      %add3A_883 = vector.broadcast %mul3A_882 : i32 to vector<16xi32>
      %add3A_884 = arith.addi %add3A_883, %iota3A : vector<16xi32>
      %get3A_885 = arith.index_cast %add3A_880 : i32 to index
      %get3A_886 = tpu.vector_load %arg8[%get3A_885] {strides = array<i32>} : memref<512xi32, #tpu.memory_space<vmem>>, vector<16xi32>,
      %and3A = arith.constant 7 : i32
      %and3A_887 = vector.broadcast %and3A : i32 to vector<16xi32>
      %and3A_888 = arith.andi %get3A_886, %and3A_887 : vector<16xi32>
      %shift_left3A = arith.constant 4 : i32
      %shift_left3A_889 = vector.broadcast %shift_left3A : i32 to vector<16xi32>
      %shift_left3A_890 = arith.shli %and3A_888, %shift_left3A_889 : vector<16xi32>
      %get3A_891 = arith.index_cast %add3A_880 : i32 to index
      %get3A_892 = tpu.vector_load %arg9[%get3A_891] {strides = array<i32>} : memref<512xi32, #tpu.memory_space<vmem>>, vector<16xi32>,
      %add3A_893 = arith.constant 1000000 : i32
      %add3A_894 = vector.broadcast %add3A_893 : i32 to vector<16xi32>
      %add3A_895 = arith.addi %get3A_892, %add3A_894 : vector<16xi32>
      %and3A_896 = arith.constant 7 : i32
      %and3A_897 = vector.broadcast %and3A_896 : i32 to vector<16xi32>
      %and3A_898 = arith.andi %add3A_895, %and3A_897 : vector<16xi32>
      %shift_left3A_899 = arith.constant 4 : i32
      %shift_left3A_900 = vector.broadcast %shift_left3A_899 : i32 to vector<16xi32>
      %shift_left3A_901 = arith.shli %and3A_898, %shift_left3A_900 : vector<16xi32>
      %add3A_902 = arith.constant 0 : i32
      %add3A_903 = vector.broadcast %add3A_902 : i32 to vector<16xi32>
      %add3A_904 = arith.addi %shift_left3A_890, %add3A_903 : vector<16xi32>
      %gather3A_905 = tpu.vector_load_idx %arg13[%add3A_884, %add3A_904] : memref<128x128xf32, #tpu.memory_space<vmem>>[vector<16xi32>, vector<16xi32>], vector<16xf32>,
      %add3A_906 = arith.constant 0 : i32
      %add3A_907 = vector.broadcast %add3A_906 : i32 to vector<16xi32>
      %add3A_908 = arith.addi %shift_left3A_901, %add3A_907 : vector<16xi32>
      %gather3A_909 = tpu.vector_load_idx %arg15[%add3A_884, %add3A_908] : memref<128x128xf32, #tpu.memory_space<vmem>>[vector<16xi32>, vector<16xi32>], vector<16xf32>,
      %mul3A_910 = arith.mulf %gather3A_905, %gather3A_909 : vector<16xf32>
      %mul3A_911 = arith.mulf %mul3A_910, %gather3A_677 : vector<16xf32>
      %add3A_912 = arith.addf %get3A_675, %mul3A_911 : vector<16xf32>
      %add3A_913 = arith.constant 1 : i32
      %add3A_914 = vector.broadcast %add3A_913 : i32 to vector<16xi32>
      %add3A_915 = arith.addi %shift_left3A_890, %add3A_914 : vector<16xi32>
      %gather3A_916 = tpu.vector_load_idx %arg13[%add3A_884, %add3A_915] : memref<128x128xf32, #tpu.memory_space<vmem>>[vector<16xi32>, vector<16xi32>], vector<16xf32>,
      %add3A_917 = arith.constant 1 : i32
      %add3A_918 = vector.broadcast %add3A_917 : i32 to vector<16xi32>
      %add3A_919 = arith.addi %shift_left3A_901, %add3A_918 : vector<16xi32>
      %gather3A_920 = tpu.vector_load_idx %arg15[%add3A_884, %add3A_919] : memref<128x128xf32, #tpu.memory_space<vmem>>[vector<16xi32>, vector<16xi32>], vector<16xf32>,
      %mul3A_921 = arith.mulf %gather3A_916, %gather3A_920 : vector<16xf32>
      %mul3A_922 = arith.mulf %mul3A_921, %gather3A_681 : vector<16xf32>
      %add3A_923 = arith.addf %add3A_912, %mul3A_922 : vector<16xf32>
      %add3A_924 = arith.constant 2 : i32
      %add3A_925 = vector.broadcast %add3A_924 : i32 to vector<16xi32>
      %add3A_926 = arith.addi %shift_left3A_890, %add3A_925 : vector<16xi32>
      %gather3A_927 = tpu.vector_load_idx %arg13[%add3A_884, %add3A_926] : memref<128x128xf32, #tpu.memory_space<vmem>>[vector<16xi32>, vector<16xi32>], vector<16xf32>,
      %add3A_928 = arith.constant 2 : i32
      %add3A_929 = vector.broadcast %add3A_928 : i32 to vector<16xi32>
      %add3A_930 = arith.addi %shift_left3A_901, %add3A_929 : vector<16xi32>
      %gather3A_931 = tpu.vector_load_idx %arg15[%add3A_884, %add3A_930] : memref<128x128xf32, #tpu.memory_space<vmem>>[vector<16xi32>, vector<16xi32>], vector<16xf32>,
      %mul3A_932 = arith.mulf %gather3A_927, %gather3A_931 : vector<16xf32>
      %mul3A_933 = arith.mulf %mul3A_932, %gather3A_685 : vector<16xf32>
      %add3A_934 = arith.addf %add3A_923, %mul3A_933 : vector<16xf32>
      %add3A_935 = arith.constant 3 : i32
      %add3A_936 = vector.broadcast %add3A_935 : i32 to vector<16xi32>
      %add3A_937 = arith.addi %shift_left3A_890, %add3A_936 : vector<16xi32>
      %gather3A_938 = tpu.vector_load_idx %arg13[%add3A_884, %add3A_937] : memref<128x128xf32, #tpu.memory_space<vmem>>[vector<16xi32>, vector<16xi32>], vector<16xf32>,
      %add3A_939 = arith.constant 3 : i32
      %add3A_940 = vector.broadcast %add3A_939 : i32 to vector<16xi32>
      %add3A_941 = arith.addi %shift_left3A_901, %add3A_940 : vector<16xi32>
      %gather3A_942 = tpu.vector_load_idx %arg15[%add3A_884, %add3A_941] : memref<128x128xf32, #tpu.memory_space<vmem>>[vector<16xi32>, vector<16xi32>], vector<16xf32>,
      %mul3A_943 = arith.mulf %gather3A_938, %gather3A_942 : vector<16xf32>
      %mul3A_944 = arith.mulf %mul3A_943, %gather3A_689 : vector<16xf32>
      %add3A_945 = arith.addf %add3A_934, %mul3A_944 : vector<16xf32>
      %add3A_946 = arith.constant 4 : i32
      %add3A_947 = vector.broadcast %add3A_946 : i32 to vector<16xi32>
      %add3A_948 = arith.addi %shift_left3A_890, %add3A_947 : vector<16xi32>
      %gather3A_949 = tpu.vector_load_idx %arg13[%add3A_884, %add3A_948] : memref<128x128xf32, #tpu.memory_space<vmem>>[vector<16xi32>, vector<16xi32>], vector<16xf32>,
      %add3A_950 = arith.constant 4 : i32
      %add3A_951 = vector.broadcast %add3A_950 : i32 to vector<16xi32>
      %add3A_952 = arith.addi %shift_left3A_901, %add3A_951 : vector<16xi32>
      %gather3A_953 = tpu.vector_load_idx %arg15[%add3A_884, %add3A_952] : memref<128x128xf32, #tpu.memory_space<vmem>>[vector<16xi32>, vector<16xi32>], vector<16xf32>,
      %mul3A_954 = arith.mulf %gather3A_949, %gather3A_953 : vector<16xf32>
      %mul3A_955 = arith.mulf %mul3A_954, %gather3A_693 : vector<16xf32>
      %add3A_956 = arith.addf %add3A_945, %mul3A_955 : vector<16xf32>
      %add3A_957 = arith.constant 5 : i32
      %add3A_958 = vector.broadcast %add3A_957 : i32 to vector<16xi32>
      %add3A_959 = arith.addi %shift_left3A_890, %add3A_958 : vector<16xi32>
      %gather3A_960 = tpu.vector_load_idx %arg13[%add3A_884, %add3A_959] : memref<128x128xf32, #tpu.memory_space<vmem>>[vector<16xi32>, vector<16xi32>], vector<16xf32>,
      %add3A_961 = arith.constant 5 : i32
      %add3A_962 = vector.broadcast %add3A_961 : i32 to vector<16xi32>
      %add3A_963 = arith.addi %shift_left3A_901, %add3A_962 : vector<16xi32>
      %gather3A_964 = tpu.vector_load_idx %arg15[%add3A_884, %add3A_963] : memref<128x128xf32, #tpu.memory_space<vmem>>[vector<16xi32>, vector<16xi32>], vector<16xf32>,
      %mul3A_965 = arith.mulf %gather3A_960, %gather3A_964 : vector<16xf32>
      %mul3A_966 = arith.mulf %mul3A_965, %gather3A_697 : vector<16xf32>
      %add3A_967 = arith.addf %add3A_956, %mul3A_966 : vector<16xf32>
      %add3A_968 = arith.constant 6 : i32
      %add3A_969 = vector.broadcast %add3A_968 : i32 to vector<16xi32>
      %add3A_970 = arith.addi %shift_left3A_890, %add3A_969 : vector<16xi32>
      %gather3A_971 = tpu.vector_load_idx %arg13[%add3A_884, %add3A_970] : memref<128x128xf32, #tpu.memory_space<vmem>>[vector<16xi32>, vector<16xi32>], vector<16xf32>,
      %add3A_972 = arith.constant 6 : i32
      %add3A_973 = vector.broadcast %add3A_972 : i32 to vector<16xi32>
      %add3A_974 = arith.addi %shift_left3A_901, %add3A_973 : vector<16xi32>
      %gather3A_975 = tpu.vector_load_idx %arg15[%add3A_884, %add3A_974] : memref<128x128xf32, #tpu.memory_space<vmem>>[vector<16xi32>, vector<16xi32>], vector<16xf32>,
      %mul3A_976 = arith.mulf %gather3A_971, %gather3A_975 : vector<16xf32>
      %mul3A_977 = arith.mulf %mul3A_976, %gather3A_701 : vector<16xf32>
      %add3A_978 = arith.addf %add3A_967, %mul3A_977 : vector<16xf32>
      %add3A_979 = arith.constant 7 : i32
      %add3A_980 = vector.broadcast %add3A_979 : i32 to vector<16xi32>
      %add3A_981 = arith.addi %shift_left3A_890, %add3A_980 : vector<16xi32>
      %gather3A_982 = tpu.vector_load_idx %arg13[%add3A_884, %add3A_981] : memref<128x128xf32, #tpu.memory_space<vmem>>[vector<16xi32>, vector<16xi32>], vector<16xf32>,
      %add3A_983 = arith.constant 7 : i32
      %add3A_984 = vector.broadcast %add3A_983 : i32 to vector<16xi32>
      %add3A_985 = arith.addi %shift_left3A_901, %add3A_984 : vector<16xi32>
      %gather3A_986 = tpu.vector_load_idx %arg15[%add3A_884, %add3A_985] : memref<128x128xf32, #tpu.memory_space<vmem>>[vector<16xi32>, vector<16xi32>], vector<16xf32>,
      %mul3A_987 = arith.mulf %gather3A_982, %gather3A_986 : vector<16xf32>
      %mul3A_988 = arith.mulf %mul3A_987, %gather3A_705 : vector<16xf32>
      %add3A_989 = arith.addf %add3A_978, %mul3A_988 : vector<16xf32>
      %add3A_990 = arith.constant 8 : i32
      %add3A_991 = vector.broadcast %add3A_990 : i32 to vector<16xi32>
      %add3A_992 = arith.addi %shift_left3A_890, %add3A_991 : vector<16xi32>
      %gather3A_993 = tpu.vector_load_idx %arg13[%add3A_884, %add3A_992] : memref<128x128xf32, #tpu.memory_space<vmem>>[vector<16xi32>, vector<16xi32>], vector<16xf32>,
      %add3A_994 = arith.constant 8 : i32
      %add3A_995 = vector.broadcast %add3A_994 : i32 to vector<16xi32>
      %add3A_996 = arith.addi %shift_left3A_901, %add3A_995 : vector<16xi32>
      %gather3A_997 = tpu.vector_load_idx %arg15[%add3A_884, %add3A_996] : memref<128x128xf32, #tpu.memory_space<vmem>>[vector<16xi32>, vector<16xi32>], vector<16xf32>,
      %mul3A_998 = arith.mulf %gather3A_993, %gather3A_997 : vector<16xf32>
      %mul3A_999 = arith.mulf %mul3A_998, %gather3A_709 : vector<16xf32>
      %add3A_1000 = arith.addf %add3A_989, %mul3A_999 : vector<16xf32>
      %add3A_1001 = arith.constant 9 : i32
      %add3A_1002 = vector.broadcast %add3A_1001 : i32 to vector<16xi32>
      %add3A_1003 = arith.addi %shift_left3A_890, %add3A_1002 : vector<16xi32>
      %gather3A_1004 = tpu.vector_load_idx %arg13[%add3A_884, %add3A_1003] : memref<128x128xf32, #tpu.memory_space<vmem>>[vector<16xi32>, vector<16xi32>], vector<16xf32>,
      %add3A_1005 = arith.constant 9 : i32
      %add3A_1006 = vector.broadcast %add3A_1005 : i32 to vector<16xi32>
      %add3A_1007 = arith.addi %shift_left3A_901, %add3A_1006 : vector<16xi32>
      %gather3A_1008 = tpu.vector_load_idx %arg15[%add3A_884, %add3A_1007] : memref<128x128xf32, #tpu.memory_space<vmem>>[vector<16xi32>, vector<16xi32>], vector<16xf32>,
      %mul3A_1009 = arith.mulf %gather3A_1004, %gather3A_1008 : vector<16xf32>
      %mul3A_1010 = arith.mulf %mul3A_1009, %gather3A_713 : vector<16xf32>
      %add3A_1011 = arith.addf %add3A_1000, %mul3A_1010 : vector<16xf32>
      %add3A_1012 = arith.constant 10 : i32
      %add3A_1013 = vector.broadcast %add3A_1012 : i32 to vector<16xi32>
      %add3A_1014 = arith.addi %shift_left3A_890, %add3A_1013 : vector<16xi32>
      %gather3A_1015 = tpu.vector_load_idx %arg13[%add3A_884, %add3A_1014] : memref<128x128xf32, #tpu.memory_space<vmem>>[vector<16xi32>, vector<16xi32>], vector<16xf32>,
      %add3A_1016 = arith.constant 10 : i32
      %add3A_1017 = vector.broadcast %add3A_1016 : i32 to vector<16xi32>
      %add3A_1018 = arith.addi %shift_left3A_901, %add3A_1017 : vector<16xi32>
      %gather3A_1019 = tpu.vector_load_idx %arg15[%add3A_884, %add3A_1018] : memref<128x128xf32, #tpu.memory_space<vmem>>[vector<16xi32>, vector<16xi32>], vector<16xf32>,
      %mul3A_1020 = arith.mulf %gather3A_1015, %gather3A_1019 : vector<16xf32>
      %mul3A_1021 = arith.mulf %mul3A_1020, %gather3A_717 : vector<16xf32>
      %add3A_1022 = arith.addf %add3A_1011, %mul3A_1021 : vector<16xf32>
      %add3A_1023 = arith.constant 11 : i32
      %add3A_1024 = vector.broadcast %add3A_1023 : i32 to vector<16xi32>
      %add3A_1025 = arith.addi %shift_left3A_890, %add3A_1024 : vector<16xi32>
      %gather3A_1026 = tpu.vector_load_idx %arg13[%add3A_884, %add3A_1025] : memref<128x128xf32, #tpu.memory_space<vmem>>[vector<16xi32>, vector<16xi32>], vector<16xf32>,
      %add3A_1027 = arith.constant 11 : i32
      %add3A_1028 = vector.broadcast %add3A_1027 : i32 to vector<16xi32>
      %add3A_1029 = arith.addi %shift_left3A_901, %add3A_1028 : vector<16xi32>
      %gather3A_1030 = tpu.vector_load_idx %arg15[%add3A_884, %add3A_1029] : memref<128x128xf32, #tpu.memory_space<vmem>>[vector<16xi32>, vector<16xi32>], vector<16xf32>,
      %mul3A_1031 = arith.mulf %gather3A_1026, %gather3A_1030 : vector<16xf32>
      %mul3A_1032 = arith.mulf %mul3A_1031, %gather3A_721 : vector<16xf32>
      %add3A_1033 = arith.addf %add3A_1022, %mul3A_1032 : vector<16xf32>
      %add3A_1034 = arith.constant 12 : i32
      %add3A_1035 = vector.broadcast %add3A_1034 : i32 to vector<16xi32>
      %add3A_1036 = arith.addi %shift_left3A_890, %add3A_1035 : vector<16xi32>
      %gather3A_1037 = tpu.vector_load_idx %arg13[%add3A_884, %add3A_1036] : memref<128x128xf32, #tpu.memory_space<vmem>>[vector<16xi32>, vector<16xi32>], vector<16xf32>,
      %add3A_1038 = arith.constant 12 : i32
      %add3A_1039 = vector.broadcast %add3A_1038 : i32 to vector<16xi32>
      %add3A_1040 = arith.addi %shift_left3A_901, %add3A_1039 : vector<16xi32>
      %gather3A_1041 = tpu.vector_load_idx %arg15[%add3A_884, %add3A_1040] : memref<128x128xf32, #tpu.memory_space<vmem>>[vector<16xi32>, vector<16xi32>], vector<16xf32>,
      %mul3A_1042 = arith.mulf %gather3A_1037, %gather3A_1041 : vector<16xf32>
      %mul3A_1043 = arith.mulf %mul3A_1042, %gather3A_725 : vector<16xf32>
      %add3A_1044 = arith.addf %add3A_1033, %mul3A_1043 : vector<16xf32>
      %add3A_1045 = arith.constant 13 : i32
      %add3A_1046 = vector.broadcast %add3A_1045 : i32 to vector<16xi32>
      %add3A_1047 = arith.addi %shift_left3A_890, %add3A_1046 : vector<16xi32>
      %gather3A_1048 = tpu.vector_load_idx %arg13[%add3A_884, %add3A_1047] : memref<128x128xf32, #tpu.memory_space<vmem>>[vector<16xi32>, vector<16xi32>], vector<16xf32>,
      %add3A_1049 = arith.constant 13 : i32
      %add3A_1050 = vector.broadcast %add3A_1049 : i32 to vector<16xi32>
      %add3A_1051 = arith.addi %shift_left3A_901, %add3A_1050 : vector<16xi32>
      %gather3A_1052 = tpu.vector_load_idx %arg15[%add3A_884, %add3A_1051] : memref<128x128xf32, #tpu.memory_space<vmem>>[vector<16xi32>, vector<16xi32>], vector<16xf32>,
      %mul3A_1053 = arith.mulf %gather3A_1048, %gather3A_1052 : vector<16xf32>
      %mul3A_1054 = arith.mulf %mul3A_1053, %gather3A_729 : vector<16xf32>
      %add3A_1055 = arith.addf %add3A_1044, %mul3A_1054 : vector<16xf32>
      %add3A_1056 = arith.constant 14 : i32
      %add3A_1057 = vector.broadcast %add3A_1056 : i32 to vector<16xi32>
      %add3A_1058 = arith.addi %shift_left3A_890, %add3A_1057 : vector<16xi32>
      %gather3A_1059 = tpu.vector_load_idx %arg13[%add3A_884, %add3A_1058] : memref<128x128xf32, #tpu.memory_space<vmem>>[vector<16xi32>, vector<16xi32>], vector<16xf32>,
      %add3A_1060 = arith.constant 14 : i32
      %add3A_1061 = vector.broadcast %add3A_1060 : i32 to vector<16xi32>
      %add3A_1062 = arith.addi %shift_left3A_901, %add3A_1061 : vector<16xi32>
      %gather3A_1063 = tpu.vector_load_idx %arg15[%add3A_884, %add3A_1062] : memref<128x128xf32, #tpu.memory_space<vmem>>[vector<16xi32>, vector<16xi32>], vector<16xf32>,
      %mul3A_1064 = arith.mulf %gather3A_1059, %gather3A_1063 : vector<16xf32>
      %mul3A_1065 = arith.mulf %mul3A_1064, %gather3A_733 : vector<16xf32>
      %add3A_1066 = arith.addf %add3A_1055, %mul3A_1065 : vector<16xf32>
      %add3A_1067 = arith.constant 15 : i32
      %add3A_1068 = vector.broadcast %add3A_1067 : i32 to vector<16xi32>
      %add3A_1069 = arith.addi %shift_left3A_890, %add3A_1068 : vector<16xi32>
      %gather3A_1070 = tpu.vector_load_idx %arg13[%add3A_884, %add3A_1069] : memref<128x128xf32, #tpu.memory_space<vmem>>[vector<16xi32>, vector<16xi32>], vector<16xf32>,
      %add3A_1071 = arith.constant 15 : i32
      %add3A_1072 = vector.broadcast %add3A_1071 : i32 to vector<16xi32>
      %add3A_1073 = arith.addi %shift_left3A_901, %add3A_1072 : vector<16xi32>
      %gather3A_1074 = tpu.vector_load_idx %arg15[%add3A_884, %add3A_1073] : memref<128x128xf32, #tpu.memory_space<vmem>>[vector<16xi32>, vector<16xi32>], vector<16xf32>,
      %mul3A_1075 = arith.mulf %gather3A_1070, %gather3A_1074 : vector<16xf32>
      %mul3A_1076 = arith.mulf %mul3A_1075, %gather3A_737 : vector<16xf32>
      %add3A_1077 = arith.addf %add3A_1066, %mul3A_1076 : vector<16xf32>
      %max3A = arith.constant 0.000000e+00 : f32
      %max3A_1078 = vector.broadcast %max3A : f32 to vector<16xf32>
      %max3A_1079 = arith.maximumf %add3A_1077, %max3A_1078 : vector<16xf32>
      %swap3A_1080 = arith.index_cast %add3A_880 : i32 to index
      %swap3A_1081 = tpu.vector_load %arg18[%swap3A_1080] {strides = array<i32>} : memref<512xf32, #tpu.memory_space<vmem>>, vector<16xf32>,
      tpu.vector_store %arg18[%swap3A_1080], %max3A_1079 {strides = array<i32>} : memref<512xf32, #tpu.memory_space<vmem>>, vector<16xf32>,
      %scan3A_1082 = arith.constant 0 : i32
      scf.yield %scan3A_1082 : i32
    }
    %scan3A_818 = arith.constant 8 : i32
    %dma_wait3A_819 = arith.constant 2 : i32
    %dma_wait3A_820 = arith.constant 0 : i32
    %dma_wait3A_821 = tpu.memref_slice %arg10[%dma_wait3A_819, %dma_wait3A_820] : memref<4x128xi32, #tpu.memory_space<vmem>> -> memref<1x128xi32, #tpu.memory_space<vmem>>
    %dma_wait3A_822 = tpu.memref_squeeze %dma_wait3A_821 : memref<1x128xi32, #tpu.memory_space<vmem>> -> memref<128xi32, #tpu.memory_space<vmem>>
    %dma_wait3A_823 = arith.constant 0 : i32
    %dma_wait3A_824 = arith.constant 0 : i32
    %dma_wait3A_825 = tpu.memref_slice %arg4[%dma_wait3A_823, %dma_wait3A_824] : memref<250000x128xf32, #tpu.memory_space<hbm>> -> memref<250000x128xf32, #tpu.memory_space<hbm>>
    tpu.wait_indirect_dma semaphore(%arg19 : memref<!tpu.dma_semaphore, #tpu.memory_space<semaphore_mem>>) src(%dma_wait3A_825 : memref<250000x128xf32, #tpu.memory_space<hbm>>) dst(%arg12 : memref<128x128xf32, #tpu.memory_space<vmem>>)
    %dma_wait3A_826 = arith.constant 2 : i32
    %dma_wait3A_827 = arith.constant 0 : i32
    %dma_wait3A_828 = tpu.memref_slice %arg11[%dma_wait3A_826, %dma_wait3A_827] : memref<4x128xi32, #tpu.memory_space<vmem>> -> memref<1x128xi32, #tpu.memory_space<vmem>>
    %dma_wait3A_829 = tpu.memref_squeeze %dma_wait3A_828 : memref<1x128xi32, #tpu.memory_space<vmem>> -> memref<128xi32, #tpu.memory_space<vmem>>
    %dma_wait3A_830 = arith.constant 0 : i32
    %dma_wait3A_831 = arith.constant 0 : i32
    %dma_wait3A_832 = tpu.memref_slice %arg4[%dma_wait3A_830, %dma_wait3A_831] : memref<250000x128xf32, #tpu.memory_space<hbm>> -> memref<250000x128xf32, #tpu.memory_space<hbm>>
    tpu.wait_indirect_dma semaphore(%arg19 : memref<!tpu.dma_semaphore, #tpu.memory_space<semaphore_mem>>) src(%dma_wait3A_832 : memref<250000x128xf32, #tpu.memory_space<hbm>>) dst(%arg14 : memref<128x128xf32, #tpu.memory_space<vmem>>)
    %dma_start3A_833 = arith.constant 3 : i32
    %dma_start3A_834 = arith.constant 0 : i32
    %dma_start3A_835 = tpu.memref_slice %arg10[%dma_start3A_833, %dma_start3A_834] : memref<4x128xi32, #tpu.memory_space<vmem>> -> memref<1x128xi32, #tpu.memory_space<vmem>>
    %dma_start3A_836 = tpu.memref_squeeze %dma_start3A_835 : memref<1x128xi32, #tpu.memory_space<vmem>> -> memref<128xi32, #tpu.memory_space<vmem>>
    %dma_start3A_837 = arith.constant 0 : i32
    %dma_start3A_838 = arith.constant 0 : i32
    %dma_start3A_839 = tpu.memref_slice %arg4[%dma_start3A_837, %dma_start3A_838] : memref<250000x128xf32, #tpu.memory_space<hbm>> -> memref<250000x128xf32, #tpu.memory_space<hbm>>
    tpu.enqueue_indirect_dma source(%dma_start3A_839 : memref<250000x128xf32, #tpu.memory_space<hbm>>) target(%arg13 : memref<128x128xf32, #tpu.memory_space<vmem>>) offsets(%dma_start3A_836 : memref<128xi32, #tpu.memory_space<vmem>>) semaphore(%arg20 : memref<!tpu.dma_semaphore, #tpu.memory_space<semaphore_mem>>)
    %dma_start3A_840 = arith.constant 3 : i32
    %dma_start3A_841 = arith.constant 0 : i32
    %dma_start3A_842 = tpu.memref_slice %arg11[%dma_start3A_840, %dma_start3A_841] : memref<4x128xi32, #tpu.memory_space<vmem>> -> memref<1x128xi32, #tpu.memory_space<vmem>>
    %dma_start3A_843 = tpu.memref_squeeze %dma_start3A_842 : memref<1x128xi32, #tpu.memory_space<vmem>> -> memref<128xi32, #tpu.memory_space<vmem>>
    %dma_start3A_844 = arith.constant 0 : i32
    %dma_start3A_845 = arith.constant 0 : i32
    %dma_start3A_846 = tpu.memref_slice %arg4[%dma_start3A_844, %dma_start3A_845] : memref<250000x128xf32, #tpu.memory_space<hbm>> -> memref<250000x128xf32, #tpu.memory_space<hbm>>
    tpu.enqueue_indirect_dma source(%dma_start3A_846 : memref<250000x128xf32, #tpu.memory_space<hbm>>) target(%arg15 : memref<128x128xf32, #tpu.memory_space<vmem>>) offsets(%dma_start3A_843 : memref<128xi32, #tpu.memory_space<vmem>>) semaphore(%arg20 : memref<!tpu.dma_semaphore, #tpu.memory_space<semaphore_mem>>)
    %scan3A_847 = arith.constant 0 : i32
    %scan3A_848 = arith.constant 0 : i32
    %scan3A_849 = arith.constant 8 : i32
    %scan3A_850 = arith.addi %scan3A_848, %scan3A_849 : i32
    %scan3A_851 = arith.constant 1 : i32
    %scan3A_852 = scf.for %scan3A_875 = %scan3A_848 to %scan3A_850 step %scan3A_851 iter_args(%scan3A_876 = %scan3A_847) -> (i32)  : i32 {
      %mul3A_877 = arith.constant 16 : i32
      %mul3A_878 = arith.muli %scan3A_875, %mul3A_877 : i32
      %add3A_879 = arith.constant 256 : i32
      %add3A_880 = arith.addi %add3A_879, %mul3A_878 : i32
      %mul3A_881 = arith.constant 16 : i32
      %mul3A_882 = arith.muli %scan3A_875, %mul3A_881 : i32
      %add3A_883 = vector.broadcast %mul3A_882 : i32 to vector<16xi32>
      %add3A_884 = arith.addi %add3A_883, %iota3A : vector<16xi32>
      %get3A_885 = arith.index_cast %add3A_880 : i32 to index
      %get3A_886 = tpu.vector_load %arg8[%get3A_885] {strides = array<i32>} : memref<512xi32, #tpu.memory_space<vmem>>, vector<16xi32>,
      %and3A = arith.constant 7 : i32
      %and3A_887 = vector.broadcast %and3A : i32 to vector<16xi32>
      %and3A_888 = arith.andi %get3A_886, %and3A_887 : vector<16xi32>
      %shift_left3A = arith.constant 4 : i32
      %shift_left3A_889 = vector.broadcast %shift_left3A : i32 to vector<16xi32>
      %shift_left3A_890 = arith.shli %and3A_888, %shift_left3A_889 : vector<16xi32>
      %get3A_891 = arith.index_cast %add3A_880 : i32 to index
      %get3A_892 = tpu.vector_load %arg9[%get3A_891] {strides = array<i32>} : memref<512xi32, #tpu.memory_space<vmem>>, vector<16xi32>,
      %add3A_893 = arith.constant 1000000 : i32
      %add3A_894 = vector.broadcast %add3A_893 : i32 to vector<16xi32>
      %add3A_895 = arith.addi %get3A_892, %add3A_894 : vector<16xi32>
      %and3A_896 = arith.constant 7 : i32
      %and3A_897 = vector.broadcast %and3A_896 : i32 to vector<16xi32>
      %and3A_898 = arith.andi %add3A_895, %and3A_897 : vector<16xi32>
      %shift_left3A_899 = arith.constant 4 : i32
      %shift_left3A_900 = vector.broadcast %shift_left3A_899 : i32 to vector<16xi32>
      %shift_left3A_901 = arith.shli %and3A_898, %shift_left3A_900 : vector<16xi32>
      %add3A_902 = arith.constant 0 : i32
      %add3A_903 = vector.broadcast %add3A_902 : i32 to vector<16xi32>
      %add3A_904 = arith.addi %shift_left3A_890, %add3A_903 : vector<16xi32>
      %gather3A_905 = tpu.vector_load_idx %arg12[%add3A_884, %add3A_904] : memref<128x128xf32, #tpu.memory_space<vmem>>[vector<16xi32>, vector<16xi32>], vector<16xf32>,
      %add3A_906 = arith.constant 0 : i32
      %add3A_907 = vector.broadcast %add3A_906 : i32 to vector<16xi32>
      %add3A_908 = arith.addi %shift_left3A_901, %add3A_907 : vector<16xi32>
      %gather3A_909 = tpu.vector_load_idx %arg14[%add3A_884, %add3A_908] : memref<128x128xf32, #tpu.memory_space<vmem>>[vector<16xi32>, vector<16xi32>], vector<16xf32>,
      %mul3A_910 = arith.mulf %gather3A_905, %gather3A_909 : vector<16xf32>
      %mul3A_911 = arith.mulf %mul3A_910, %gather3A_677 : vector<16xf32>
      %add3A_912 = arith.addf %get3A_675, %mul3A_911 : vector<16xf32>
      %add3A_913 = arith.constant 1 : i32
      %add3A_914 = vector.broadcast %add3A_913 : i32 to vector<16xi32>
      %add3A_915 = arith.addi %shift_left3A_890, %add3A_914 : vector<16xi32>
      %gather3A_916 = tpu.vector_load_idx %arg12[%add3A_884, %add3A_915] : memref<128x128xf32, #tpu.memory_space<vmem>>[vector<16xi32>, vector<16xi32>], vector<16xf32>,
      %add3A_917 = arith.constant 1 : i32
      %add3A_918 = vector.broadcast %add3A_917 : i32 to vector<16xi32>
      %add3A_919 = arith.addi %shift_left3A_901, %add3A_918 : vector<16xi32>
      %gather3A_920 = tpu.vector_load_idx %arg14[%add3A_884, %add3A_919] : memref<128x128xf32, #tpu.memory_space<vmem>>[vector<16xi32>, vector<16xi32>], vector<16xf32>,
      %mul3A_921 = arith.mulf %gather3A_916, %gather3A_920 : vector<16xf32>
      %mul3A_922 = arith.mulf %mul3A_921, %gather3A_681 : vector<16xf32>
      %add3A_923 = arith.addf %add3A_912, %mul3A_922 : vector<16xf32>
      %add3A_924 = arith.constant 2 : i32
      %add3A_925 = vector.broadcast %add3A_924 : i32 to vector<16xi32>
      %add3A_926 = arith.addi %shift_left3A_890, %add3A_925 : vector<16xi32>
      %gather3A_927 = tpu.vector_load_idx %arg12[%add3A_884, %add3A_926] : memref<128x128xf32, #tpu.memory_space<vmem>>[vector<16xi32>, vector<16xi32>], vector<16xf32>,
      %add3A_928 = arith.constant 2 : i32
      %add3A_929 = vector.broadcast %add3A_928 : i32 to vector<16xi32>
      %add3A_930 = arith.addi %shift_left3A_901, %add3A_929 : vector<16xi32>
      %gather3A_931 = tpu.vector_load_idx %arg14[%add3A_884, %add3A_930] : memref<128x128xf32, #tpu.memory_space<vmem>>[vector<16xi32>, vector<16xi32>], vector<16xf32>,
      %mul3A_932 = arith.mulf %gather3A_927, %gather3A_931 : vector<16xf32>
      %mul3A_933 = arith.mulf %mul3A_932, %gather3A_685 : vector<16xf32>
      %add3A_934 = arith.addf %add3A_923, %mul3A_933 : vector<16xf32>
      %add3A_935 = arith.constant 3 : i32
      %add3A_936 = vector.broadcast %add3A_935 : i32 to vector<16xi32>
      %add3A_937 = arith.addi %shift_left3A_890, %add3A_936 : vector<16xi32>
      %gather3A_938 = tpu.vector_load_idx %arg12[%add3A_884, %add3A_937] : memref<128x128xf32, #tpu.memory_space<vmem>>[vector<16xi32>, vector<16xi32>], vector<16xf32>,
      %add3A_939 = arith.constant 3 : i32
      %add3A_940 = vector.broadcast %add3A_939 : i32 to vector<16xi32>
      %add3A_941 = arith.addi %shift_left3A_901, %add3A_940 : vector<16xi32>
      %gather3A_942 = tpu.vector_load_idx %arg14[%add3A_884, %add3A_941] : memref<128x128xf32, #tpu.memory_space<vmem>>[vector<16xi32>, vector<16xi32>], vector<16xf32>,
      %mul3A_943 = arith.mulf %gather3A_938, %gather3A_942 : vector<16xf32>
      %mul3A_944 = arith.mulf %mul3A_943, %gather3A_689 : vector<16xf32>
      %add3A_945 = arith.addf %add3A_934, %mul3A_944 : vector<16xf32>
      %add3A_946 = arith.constant 4 : i32
      %add3A_947 = vector.broadcast %add3A_946 : i32 to vector<16xi32>
      %add3A_948 = arith.addi %shift_left3A_890, %add3A_947 : vector<16xi32>
      %gather3A_949 = tpu.vector_load_idx %arg12[%add3A_884, %add3A_948] : memref<128x128xf32, #tpu.memory_space<vmem>>[vector<16xi32>, vector<16xi32>], vector<16xf32>,
      %add3A_950 = arith.constant 4 : i32
      %add3A_951 = vector.broadcast %add3A_950 : i32 to vector<16xi32>
      %add3A_952 = arith.addi %shift_left3A_901, %add3A_951 : vector<16xi32>
      %gather3A_953 = tpu.vector_load_idx %arg14[%add3A_884, %add3A_952] : memref<128x128xf32, #tpu.memory_space<vmem>>[vector<16xi32>, vector<16xi32>], vector<16xf32>,
      %mul3A_954 = arith.mulf %gather3A_949, %gather3A_953 : vector<16xf32>
      %mul3A_955 = arith.mulf %mul3A_954, %gather3A_693 : vector<16xf32>
      %add3A_956 = arith.addf %add3A_945, %mul3A_955 : vector<16xf32>
      %add3A_957 = arith.constant 5 : i32
      %add3A_958 = vector.broadcast %add3A_957 : i32 to vector<16xi32>
      %add3A_959 = arith.addi %shift_left3A_890, %add3A_958 : vector<16xi32>
      %gather3A_960 = tpu.vector_load_idx %arg12[%add3A_884, %add3A_959] : memref<128x128xf32, #tpu.memory_space<vmem>>[vector<16xi32>, vector<16xi32>], vector<16xf32>,
      %add3A_961 = arith.constant 5 : i32
      %add3A_962 = vector.broadcast %add3A_961 : i32 to vector<16xi32>
      %add3A_963 = arith.addi %shift_left3A_901, %add3A_962 : vector<16xi32>
      %gather3A_964 = tpu.vector_load_idx %arg14[%add3A_884, %add3A_963] : memref<128x128xf32, #tpu.memory_space<vmem>>[vector<16xi32>, vector<16xi32>], vector<16xf32>,
      %mul3A_965 = arith.mulf %gather3A_960, %gather3A_964 : vector<16xf32>
      %mul3A_966 = arith.mulf %mul3A_965, %gather3A_697 : vector<16xf32>
      %add3A_967 = arith.addf %add3A_956, %mul3A_966 : vector<16xf32>
      %add3A_968 = arith.constant 6 : i32
      %add3A_969 = vector.broadcast %add3A_968 : i32 to vector<16xi32>
      %add3A_970 = arith.addi %shift_left3A_890, %add3A_969 : vector<16xi32>
      %gather3A_971 = tpu.vector_load_idx %arg12[%add3A_884, %add3A_970] : memref<128x128xf32, #tpu.memory_space<vmem>>[vector<16xi32>, vector<16xi32>], vector<16xf32>,
      %add3A_972 = arith.constant 6 : i32
      %add3A_973 = vector.broadcast %add3A_972 : i32 to vector<16xi32>
      %add3A_974 = arith.addi %shift_left3A_901, %add3A_973 : vector<16xi32>
      %gather3A_975 = tpu.vector_load_idx %arg14[%add3A_884, %add3A_974] : memref<128x128xf32, #tpu.memory_space<vmem>>[vector<16xi32>, vector<16xi32>], vector<16xf32>,
      %mul3A_976 = arith.mulf %gather3A_971, %gather3A_975 : vector<16xf32>
      %mul3A_977 = arith.mulf %mul3A_976, %gather3A_701 : vector<16xf32>
      %add3A_978 = arith.addf %add3A_967, %mul3A_977 : vector<16xf32>
      %add3A_979 = arith.constant 7 : i32
      %add3A_980 = vector.broadcast %add3A_979 : i32 to vector<16xi32>
      %add3A_981 = arith.addi %shift_left3A_890, %add3A_980 : vector<16xi32>
      %gather3A_982 = tpu.vector_load_idx %arg12[%add3A_884, %add3A_981] : memref<128x128xf32, #tpu.memory_space<vmem>>[vector<16xi32>, vector<16xi32>], vector<16xf32>,
      %add3A_983 = arith.constant 7 : i32
      %add3A_984 = vector.broadcast %add3A_983 : i32 to vector<16xi32>
      %add3A_985 = arith.addi %shift_left3A_901, %add3A_984 : vector<16xi32>
      %gather3A_986 = tpu.vector_load_idx %arg14[%add3A_884, %add3A_985] : memref<128x128xf32, #tpu.memory_space<vmem>>[vector<16xi32>, vector<16xi32>], vector<16xf32>,
      %mul3A_987 = arith.mulf %gather3A_982, %gather3A_986 : vector<16xf32>
      %mul3A_988 = arith.mulf %mul3A_987, %gather3A_705 : vector<16xf32>
      %add3A_989 = arith.addf %add3A_978, %mul3A_988 : vector<16xf32>
      %add3A_990 = arith.constant 8 : i32
      %add3A_991 = vector.broadcast %add3A_990 : i32 to vector<16xi32>
      %add3A_992 = arith.addi %shift_left3A_890, %add3A_991 : vector<16xi32>
      %gather3A_993 = tpu.vector_load_idx %arg12[%add3A_884, %add3A_992] : memref<128x128xf32, #tpu.memory_space<vmem>>[vector<16xi32>, vector<16xi32>], vector<16xf32>,
      %add3A_994 = arith.constant 8 : i32
      %add3A_995 = vector.broadcast %add3A_994 : i32 to vector<16xi32>
      %add3A_996 = arith.addi %shift_left3A_901, %add3A_995 : vector<16xi32>
      %gather3A_997 = tpu.vector_load_idx %arg14[%add3A_884, %add3A_996] : memref<128x128xf32, #tpu.memory_space<vmem>>[vector<16xi32>, vector<16xi32>], vector<16xf32>,
      %mul3A_998 = arith.mulf %gather3A_993, %gather3A_997 : vector<16xf32>
      %mul3A_999 = arith.mulf %mul3A_998, %gather3A_709 : vector<16xf32>
      %add3A_1000 = arith.addf %add3A_989, %mul3A_999 : vector<16xf32>
      %add3A_1001 = arith.constant 9 : i32
      %add3A_1002 = vector.broadcast %add3A_1001 : i32 to vector<16xi32>
      %add3A_1003 = arith.addi %shift_left3A_890, %add3A_1002 : vector<16xi32>
      %gather3A_1004 = tpu.vector_load_idx %arg12[%add3A_884, %add3A_1003] : memref<128x128xf32, #tpu.memory_space<vmem>>[vector<16xi32>, vector<16xi32>], vector<16xf32>,
      %add3A_1005 = arith.constant 9 : i32
      %add3A_1006 = vector.broadcast %add3A_1005 : i32 to vector<16xi32>
      %add3A_1007 = arith.addi %shift_left3A_901, %add3A_1006 : vector<16xi32>
      %gather3A_1008 = tpu.vector_load_idx %arg14[%add3A_884, %add3A_1007] : memref<128x128xf32, #tpu.memory_space<vmem>>[vector<16xi32>, vector<16xi32>], vector<16xf32>,
      %mul3A_1009 = arith.mulf %gather3A_1004, %gather3A_1008 : vector<16xf32>
      %mul3A_1010 = arith.mulf %mul3A_1009, %gather3A_713 : vector<16xf32>
      %add3A_1011 = arith.addf %add3A_1000, %mul3A_1010 : vector<16xf32>
      %add3A_1012 = arith.constant 10 : i32
      %add3A_1013 = vector.broadcast %add3A_1012 : i32 to vector<16xi32>
      %add3A_1014 = arith.addi %shift_left3A_890, %add3A_1013 : vector<16xi32>
      %gather3A_1015 = tpu.vector_load_idx %arg12[%add3A_884, %add3A_1014] : memref<128x128xf32, #tpu.memory_space<vmem>>[vector<16xi32>, vector<16xi32>], vector<16xf32>,
      %add3A_1016 = arith.constant 10 : i32
      %add3A_1017 = vector.broadcast %add3A_1016 : i32 to vector<16xi32>
      %add3A_1018 = arith.addi %shift_left3A_901, %add3A_1017 : vector<16xi32>
      %gather3A_1019 = tpu.vector_load_idx %arg14[%add3A_884, %add3A_1018] : memref<128x128xf32, #tpu.memory_space<vmem>>[vector<16xi32>, vector<16xi32>], vector<16xf32>,
      %mul3A_1020 = arith.mulf %gather3A_1015, %gather3A_1019 : vector<16xf32>
      %mul3A_1021 = arith.mulf %mul3A_1020, %gather3A_717 : vector<16xf32>
      %add3A_1022 = arith.addf %add3A_1011, %mul3A_1021 : vector<16xf32>
      %add3A_1023 = arith.constant 11 : i32
      %add3A_1024 = vector.broadcast %add3A_1023 : i32 to vector<16xi32>
      %add3A_1025 = arith.addi %shift_left3A_890, %add3A_1024 : vector<16xi32>
      %gather3A_1026 = tpu.vector_load_idx %arg12[%add3A_884, %add3A_1025] : memref<128x128xf32, #tpu.memory_space<vmem>>[vector<16xi32>, vector<16xi32>], vector<16xf32>,
      %add3A_1027 = arith.constant 11 : i32
      %add3A_1028 = vector.broadcast %add3A_1027 : i32 to vector<16xi32>
      %add3A_1029 = arith.addi %shift_left3A_901, %add3A_1028 : vector<16xi32>
      %gather3A_1030 = tpu.vector_load_idx %arg14[%add3A_884, %add3A_1029] : memref<128x128xf32, #tpu.memory_space<vmem>>[vector<16xi32>, vector<16xi32>], vector<16xf32>,
      %mul3A_1031 = arith.mulf %gather3A_1026, %gather3A_1030 : vector<16xf32>
      %mul3A_1032 = arith.mulf %mul3A_1031, %gather3A_721 : vector<16xf32>
      %add3A_1033 = arith.addf %add3A_1022, %mul3A_1032 : vector<16xf32>
      %add3A_1034 = arith.constant 12 : i32
      %add3A_1035 = vector.broadcast %add3A_1034 : i32 to vector<16xi32>
      %add3A_1036 = arith.addi %shift_left3A_890, %add3A_1035 : vector<16xi32>
      %gather3A_1037 = tpu.vector_load_idx %arg12[%add3A_884, %add3A_1036] : memref<128x128xf32, #tpu.memory_space<vmem>>[vector<16xi32>, vector<16xi32>], vector<16xf32>,
      %add3A_1038 = arith.constant 12 : i32
      %add3A_1039 = vector.broadcast %add3A_1038 : i32 to vector<16xi32>
      %add3A_1040 = arith.addi %shift_left3A_901, %add3A_1039 : vector<16xi32>
      %gather3A_1041 = tpu.vector_load_idx %arg14[%add3A_884, %add3A_1040] : memref<128x128xf32, #tpu.memory_space<vmem>>[vector<16xi32>, vector<16xi32>], vector<16xf32>,
      %mul3A_1042 = arith.mulf %gather3A_1037, %gather3A_1041 : vector<16xf32>
      %mul3A_1043 = arith.mulf %mul3A_1042, %gather3A_725 : vector<16xf32>
      %add3A_1044 = arith.addf %add3A_1033, %mul3A_1043 : vector<16xf32>
      %add3A_1045 = arith.constant 13 : i32
      %add3A_1046 = vector.broadcast %add3A_1045 : i32 to vector<16xi32>
      %add3A_1047 = arith.addi %shift_left3A_890, %add3A_1046 : vector<16xi32>
      %gather3A_1048 = tpu.vector_load_idx %arg12[%add3A_884, %add3A_1047] : memref<128x128xf32, #tpu.memory_space<vmem>>[vector<16xi32>, vector<16xi32>], vector<16xf32>,
      %add3A_1049 = arith.constant 13 : i32
      %add3A_1050 = vector.broadcast %add3A_1049 : i32 to vector<16xi32>
      %add3A_1051 = arith.addi %shift_left3A_901, %add3A_1050 : vector<16xi32>
      %gather3A_1052 = tpu.vector_load_idx %arg14[%add3A_884, %add3A_1051] : memref<128x128xf32, #tpu.memory_space<vmem>>[vector<16xi32>, vector<16xi32>], vector<16xf32>,
      %mul3A_1053 = arith.mulf %gather3A_1048, %gather3A_1052 : vector<16xf32>
      %mul3A_1054 = arith.mulf %mul3A_1053, %gather3A_729 : vector<16xf32>
      %add3A_1055 = arith.addf %add3A_1044, %mul3A_1054 : vector<16xf32>
      %add3A_1056 = arith.constant 14 : i32
      %add3A_1057 = vector.broadcast %add3A_1056 : i32 to vector<16xi32>
      %add3A_1058 = arith.addi %shift_left3A_890, %add3A_1057 : vector<16xi32>
      %gather3A_1059 = tpu.vector_load_idx %arg12[%add3A_884, %add3A_1058] : memref<128x128xf32, #tpu.memory_space<vmem>>[vector<16xi32>, vector<16xi32>], vector<16xf32>,
      %add3A_1060 = arith.constant 14 : i32
      %add3A_1061 = vector.broadcast %add3A_1060 : i32 to vector<16xi32>
      %add3A_1062 = arith.addi %shift_left3A_901, %add3A_1061 : vector<16xi32>
      %gather3A_1063 = tpu.vector_load_idx %arg14[%add3A_884, %add3A_1062] : memref<128x128xf32, #tpu.memory_space<vmem>>[vector<16xi32>, vector<16xi32>], vector<16xf32>,
      %mul3A_1064 = arith.mulf %gather3A_1059, %gather3A_1063 : vector<16xf32>
      %mul3A_1065 = arith.mulf %mul3A_1064, %gather3A_733 : vector<16xf32>
      %add3A_1066 = arith.addf %add3A_1055, %mul3A_1065 : vector<16xf32>
      %add3A_1067 = arith.constant 15 : i32
      %add3A_1068 = vector.broadcast %add3A_1067 : i32 to vector<16xi32>
      %add3A_1069 = arith.addi %shift_left3A_890, %add3A_1068 : vector<16xi32>
      %gather3A_1070 = tpu.vector_load_idx %arg12[%add3A_884, %add3A_1069] : memref<128x128xf32, #tpu.memory_space<vmem>>[vector<16xi32>, vector<16xi32>], vector<16xf32>,
      %add3A_1071 = arith.constant 15 : i32
      %add3A_1072 = vector.broadcast %add3A_1071 : i32 to vector<16xi32>
      %add3A_1073 = arith.addi %shift_left3A_901, %add3A_1072 : vector<16xi32>
      %gather3A_1074 = tpu.vector_load_idx %arg14[%add3A_884, %add3A_1073] : memref<128x128xf32, #tpu.memory_space<vmem>>[vector<16xi32>, vector<16xi32>], vector<16xf32>,
      %mul3A_1075 = arith.mulf %gather3A_1070, %gather3A_1074 : vector<16xf32>
      %mul3A_1076 = arith.mulf %mul3A_1075, %gather3A_737 : vector<16xf32>
      %add3A_1077 = arith.addf %add3A_1066, %mul3A_1076 : vector<16xf32>
      %max3A = arith.constant 0.000000e+00 : f32
      %max3A_1078 = vector.broadcast %max3A : f32 to vector<16xf32>
      %max3A_1079 = arith.maximumf %add3A_1077, %max3A_1078 : vector<16xf32>
      %swap3A_1080 = arith.index_cast %add3A_880 : i32 to index
      %swap3A_1081 = tpu.vector_load %arg18[%swap3A_1080] {strides = array<i32>} : memref<512xf32, #tpu.memory_space<vmem>>, vector<16xf32>,
      tpu.vector_store %arg18[%swap3A_1080], %max3A_1079 {strides = array<i32>} : memref<512xf32, #tpu.memory_space<vmem>>, vector<16xf32>,
      %scan3A_1082 = arith.constant 0 : i32
      scf.yield %scan3A_1082 : i32
    }
    %scan3A_853 = arith.constant 8 : i32
    %dma_wait3A_854 = arith.constant 3 : i32
    %dma_wait3A_855 = arith.constant 0 : i32
    %dma_wait3A_856 = tpu.memref_slice %arg10[%dma_wait3A_854, %dma_wait3A_855] : memref<4x128xi32, #tpu.memory_space<vmem>> -> memref<1x128xi32, #tpu.memory_space<vmem>>
    %dma_wait3A_857 = tpu.memref_squeeze %dma_wait3A_856 : memref<1x128xi32, #tpu.memory_space<vmem>> -> memref<128xi32, #tpu.memory_space<vmem>>
    %dma_wait3A_858 = arith.constant 0 : i32
    %dma_wait3A_859 = arith.constant 0 : i32
    %dma_wait3A_860 = tpu.memref_slice %arg4[%dma_wait3A_858, %dma_wait3A_859] : memref<250000x128xf32, #tpu.memory_space<hbm>> -> memref<250000x128xf32, #tpu.memory_space<hbm>>
    tpu.wait_indirect_dma semaphore(%arg20 : memref<!tpu.dma_semaphore, #tpu.memory_space<semaphore_mem>>) src(%dma_wait3A_860 : memref<250000x128xf32, #tpu.memory_space<hbm>>) dst(%arg13 : memref<128x128xf32, #tpu.memory_space<vmem>>)
    %dma_wait3A_861 = arith.constant 3 : i32
    %dma_wait3A_862 = arith.constant 0 : i32
    %dma_wait3A_863 = tpu.memref_slice %arg11[%dma_wait3A_861, %dma_wait3A_862] : memref<4x128xi32, #tpu.memory_space<vmem>> -> memref<1x128xi32, #tpu.memory_space<vmem>>
    %dma_wait3A_864 = tpu.memref_squeeze %dma_wait3A_863 : memref<1x128xi32, #tpu.memory_space<vmem>> -> memref<128xi32, #tpu.memory_space<vmem>>
    %dma_wait3A_865 = arith.constant 0 : i32
    %dma_wait3A_866 = arith.constant 0 : i32
    %dma_wait3A_867 = tpu.memref_slice %arg4[%dma_wait3A_865, %dma_wait3A_866] : memref<250000x128xf32, #tpu.memory_space<hbm>> -> memref<250000x128xf32, #tpu.memory_space<hbm>>
    tpu.wait_indirect_dma semaphore(%arg20 : memref<!tpu.dma_semaphore, #tpu.memory_space<semaphore_mem>>) src(%dma_wait3A_867 : memref<250000x128xf32, #tpu.memory_space<hbm>>) dst(%arg15 : memref<128x128xf32, #tpu.memory_space<vmem>>)
    %scan3A_868 = arith.constant 0 : i32
    %scan3A_869 = arith.constant 0 : i32
    %scan3A_870 = arith.constant 8 : i32
    %scan3A_871 = arith.addi %scan3A_869, %scan3A_870 : i32
    %scan3A_872 = arith.constant 1 : i32
    %scan3A_873 = scf.for %scan3A_875 = %scan3A_869 to %scan3A_871 step %scan3A_872 iter_args(%scan3A_876 = %scan3A_868) -> (i32)  : i32 {
      %mul3A_877 = arith.constant 16 : i32
      %mul3A_878 = arith.muli %scan3A_875, %mul3A_877 : i32
      %add3A_879 = arith.constant 384 : i32
      %add3A_880 = arith.addi %add3A_879, %mul3A_878 : i32
      %mul3A_881 = arith.constant 16 : i32
      %mul3A_882 = arith.muli %scan3A_875, %mul3A_881 : i32
      %add3A_883 = vector.broadcast %mul3A_882 : i32 to vector<16xi32>
      %add3A_884 = arith.addi %add3A_883, %iota3A : vector<16xi32>
      %get3A_885 = arith.index_cast %add3A_880 : i32 to index
      %get3A_886 = tpu.vector_load %arg8[%get3A_885] {strides = array<i32>} : memref<512xi32, #tpu.memory_space<vmem>>, vector<16xi32>,
      %and3A = arith.constant 7 : i32
      %and3A_887 = vector.broadcast %and3A : i32 to vector<16xi32>
      %and3A_888 = arith.andi %get3A_886, %and3A_887 : vector<16xi32>
      %shift_left3A = arith.constant 4 : i32
      %shift_left3A_889 = vector.broadcast %shift_left3A : i32 to vector<16xi32>
      %shift_left3A_890 = arith.shli %and3A_888, %shift_left3A_889 : vector<16xi32>
      %get3A_891 = arith.index_cast %add3A_880 : i32 to index
      %get3A_892 = tpu.vector_load %arg9[%get3A_891] {strides = array<i32>} : memref<512xi32, #tpu.memory_space<vmem>>, vector<16xi32>,
      %add3A_893 = arith.constant 1000000 : i32
      %add3A_894 = vector.broadcast %add3A_893 : i32 to vector<16xi32>
      %add3A_895 = arith.addi %get3A_892, %add3A_894 : vector<16xi32>
      %and3A_896 = arith.constant 7 : i32
      %and3A_897 = vector.broadcast %and3A_896 : i32 to vector<16xi32>
      %and3A_898 = arith.andi %add3A_895, %and3A_897 : vector<16xi32>
      %shift_left3A_899 = arith.constant 4 : i32
      %shift_left3A_900 = vector.broadcast %shift_left3A_899 : i32 to vector<16xi32>
      %shift_left3A_901 = arith.shli %and3A_898, %shift_left3A_900 : vector<16xi32>
      %add3A_902 = arith.constant 0 : i32
      %add3A_903 = vector.broadcast %add3A_902 : i32 to vector<16xi32>
      %add3A_904 = arith.addi %shift_left3A_890, %add3A_903 : vector<16xi32>
      %gather3A_905 = tpu.vector_load_idx %arg13[%add3A_884, %add3A_904] : memref<128x128xf32, #tpu.memory_space<vmem>>[vector<16xi32>, vector<16xi32>], vector<16xf32>,
      %add3A_906 = arith.constant 0 : i32
      %add3A_907 = vector.broadcast %add3A_906 : i32 to vector<16xi32>
      %add3A_908 = arith.addi %shift_left3A_901, %add3A_907 : vector<16xi32>
      %gather3A_909 = tpu.vector_load_idx %arg15[%add3A_884, %add3A_908] : memref<128x128xf32, #tpu.memory_space<vmem>>[vector<16xi32>, vector<16xi32>], vector<16xf32>,
      %mul3A_910 = arith.mulf %gather3A_905, %gather3A_909 : vector<16xf32>
      %mul3A_911 = arith.mulf %mul3A_910, %gather3A_677 : vector<16xf32>
      %add3A_912 = arith.addf %get3A_675, %mul3A_911 : vector<16xf32>
      %add3A_913 = arith.constant 1 : i32
      %add3A_914 = vector.broadcast %add3A_913 : i32 to vector<16xi32>
      %add3A_915 = arith.addi %shift_left3A_890, %add3A_914 : vector<16xi32>
      %gather3A_916 = tpu.vector_load_idx %arg13[%add3A_884, %add3A_915] : memref<128x128xf32, #tpu.memory_space<vmem>>[vector<16xi32>, vector<16xi32>], vector<16xf32>,
      %add3A_917 = arith.constant 1 : i32
      %add3A_918 = vector.broadcast %add3A_917 : i32 to vector<16xi32>
      %add3A_919 = arith.addi %shift_left3A_901, %add3A_918 : vector<16xi32>
      %gather3A_920 = tpu.vector_load_idx %arg15[%add3A_884, %add3A_919] : memref<128x128xf32, #tpu.memory_space<vmem>>[vector<16xi32>, vector<16xi32>], vector<16xf32>,
      %mul3A_921 = arith.mulf %gather3A_916, %gather3A_920 : vector<16xf32>
      %mul3A_922 = arith.mulf %mul3A_921, %gather3A_681 : vector<16xf32>
      %add3A_923 = arith.addf %add3A_912, %mul3A_922 : vector<16xf32>
      %add3A_924 = arith.constant 2 : i32
      %add3A_925 = vector.broadcast %add3A_924 : i32 to vector<16xi32>
      %add3A_926 = arith.addi %shift_left3A_890, %add3A_925 : vector<16xi32>
      %gather3A_927 = tpu.vector_load_idx %arg13[%add3A_884, %add3A_926] : memref<128x128xf32, #tpu.memory_space<vmem>>[vector<16xi32>, vector<16xi32>], vector<16xf32>,
      %add3A_928 = arith.constant 2 : i32
      %add3A_929 = vector.broadcast %add3A_928 : i32 to vector<16xi32>
      %add3A_930 = arith.addi %shift_left3A_901, %add3A_929 : vector<16xi32>
      %gather3A_931 = tpu.vector_load_idx %arg15[%add3A_884, %add3A_930] : memref<128x128xf32, #tpu.memory_space<vmem>>[vector<16xi32>, vector<16xi32>], vector<16xf32>,
      %mul3A_932 = arith.mulf %gather3A_927, %gather3A_931 : vector<16xf32>
      %mul3A_933 = arith.mulf %mul3A_932, %gather3A_685 : vector<16xf32>
      %add3A_934 = arith.addf %add3A_923, %mul3A_933 : vector<16xf32>
      %add3A_935 = arith.constant 3 : i32
      %add3A_936 = vector.broadcast %add3A_935 : i32 to vector<16xi32>
      %add3A_937 = arith.addi %shift_left3A_890, %add3A_936 : vector<16xi32>
      %gather3A_938 = tpu.vector_load_idx %arg13[%add3A_884, %add3A_937] : memref<128x128xf32, #tpu.memory_space<vmem>>[vector<16xi32>, vector<16xi32>], vector<16xf32>,
      %add3A_939 = arith.constant 3 : i32
      %add3A_940 = vector.broadcast %add3A_939 : i32 to vector<16xi32>
      %add3A_941 = arith.addi %shift_left3A_901, %add3A_940 : vector<16xi32>
      %gather3A_942 = tpu.vector_load_idx %arg15[%add3A_884, %add3A_941] : memref<128x128xf32, #tpu.memory_space<vmem>>[vector<16xi32>, vector<16xi32>], vector<16xf32>,
      %mul3A_943 = arith.mulf %gather3A_938, %gather3A_942 : vector<16xf32>
      %mul3A_944 = arith.mulf %mul3A_943, %gather3A_689 : vector<16xf32>
      %add3A_945 = arith.addf %add3A_934, %mul3A_944 : vector<16xf32>
      %add3A_946 = arith.constant 4 : i32
      %add3A_947 = vector.broadcast %add3A_946 : i32 to vector<16xi32>
      %add3A_948 = arith.addi %shift_left3A_890, %add3A_947 : vector<16xi32>
      %gather3A_949 = tpu.vector_load_idx %arg13[%add3A_884, %add3A_948] : memref<128x128xf32, #tpu.memory_space<vmem>>[vector<16xi32>, vector<16xi32>], vector<16xf32>,
      %add3A_950 = arith.constant 4 : i32
      %add3A_951 = vector.broadcast %add3A_950 : i32 to vector<16xi32>
      %add3A_952 = arith.addi %shift_left3A_901, %add3A_951 : vector<16xi32>
      %gather3A_953 = tpu.vector_load_idx %arg15[%add3A_884, %add3A_952] : memref<128x128xf32, #tpu.memory_space<vmem>>[vector<16xi32>, vector<16xi32>], vector<16xf32>,
      %mul3A_954 = arith.mulf %gather3A_949, %gather3A_953 : vector<16xf32>
      %mul3A_955 = arith.mulf %mul3A_954, %gather3A_693 : vector<16xf32>
      %add3A_956 = arith.addf %add3A_945, %mul3A_955 : vector<16xf32>
      %add3A_957 = arith.constant 5 : i32
      %add3A_958 = vector.broadcast %add3A_957 : i32 to vector<16xi32>
      %add3A_959 = arith.addi %shift_left3A_890, %add3A_958 : vector<16xi32>
      %gather3A_960 = tpu.vector_load_idx %arg13[%add3A_884, %add3A_959] : memref<128x128xf32, #tpu.memory_space<vmem>>[vector<16xi32>, vector<16xi32>], vector<16xf32>,
      %add3A_961 = arith.constant 5 : i32
      %add3A_962 = vector.broadcast %add3A_961 : i32 to vector<16xi32>
      %add3A_963 = arith.addi %shift_left3A_901, %add3A_962 : vector<16xi32>
      %gather3A_964 = tpu.vector_load_idx %arg15[%add3A_884, %add3A_963] : memref<128x128xf32, #tpu.memory_space<vmem>>[vector<16xi32>, vector<16xi32>], vector<16xf32>,
      %mul3A_965 = arith.mulf %gather3A_960, %gather3A_964 : vector<16xf32>
      %mul3A_966 = arith.mulf %mul3A_965, %gather3A_697 : vector<16xf32>
      %add3A_967 = arith.addf %add3A_956, %mul3A_966 : vector<16xf32>
      %add3A_968 = arith.constant 6 : i32
      %add3A_969 = vector.broadcast %add3A_968 : i32 to vector<16xi32>
      %add3A_970 = arith.addi %shift_left3A_890, %add3A_969 : vector<16xi32>
      %gather3A_971 = tpu.vector_load_idx %arg13[%add3A_884, %add3A_970] : memref<128x128xf32, #tpu.memory_space<vmem>>[vector<16xi32>, vector<16xi32>], vector<16xf32>,
      %add3A_972 = arith.constant 6 : i32
      %add3A_973 = vector.broadcast %add3A_972 : i32 to vector<16xi32>
      %add3A_974 = arith.addi %shift_left3A_901, %add3A_973 : vector<16xi32>
      %gather3A_975 = tpu.vector_load_idx %arg15[%add3A_884, %add3A_974] : memref<128x128xf32, #tpu.memory_space<vmem>>[vector<16xi32>, vector<16xi32>], vector<16xf32>,
      %mul3A_976 = arith.mulf %gather3A_971, %gather3A_975 : vector<16xf32>
      %mul3A_977 = arith.mulf %mul3A_976, %gather3A_701 : vector<16xf32>
      %add3A_978 = arith.addf %add3A_967, %mul3A_977 : vector<16xf32>
      %add3A_979 = arith.constant 7 : i32
      %add3A_980 = vector.broadcast %add3A_979 : i32 to vector<16xi32>
      %add3A_981 = arith.addi %shift_left3A_890, %add3A_980 : vector<16xi32>
      %gather3A_982 = tpu.vector_load_idx %arg13[%add3A_884, %add3A_981] : memref<128x128xf32, #tpu.memory_space<vmem>>[vector<16xi32>, vector<16xi32>], vector<16xf32>,
      %add3A_983 = arith.constant 7 : i32
      %add3A_984 = vector.broadcast %add3A_983 : i32 to vector<16xi32>
      %add3A_985 = arith.addi %shift_left3A_901, %add3A_984 : vector<16xi32>
      %gather3A_986 = tpu.vector_load_idx %arg15[%add3A_884, %add3A_985] : memref<128x128xf32, #tpu.memory_space<vmem>>[vector<16xi32>, vector<16xi32>], vector<16xf32>,
      %mul3A_987 = arith.mulf %gather3A_982, %gather3A_986 : vector<16xf32>
      %mul3A_988 = arith.mulf %mul3A_987, %gather3A_705 : vector<16xf32>
      %add3A_989 = arith.addf %add3A_978, %mul3A_988 : vector<16xf32>
      %add3A_990 = arith.constant 8 : i32
      %add3A_991 = vector.broadcast %add3A_990 : i32 to vector<16xi32>
      %add3A_992 = arith.addi %shift_left3A_890, %add3A_991 : vector<16xi32>
      %gather3A_993 = tpu.vector_load_idx %arg13[%add3A_884, %add3A_992] : memref<128x128xf32, #tpu.memory_space<vmem>>[vector<16xi32>, vector<16xi32>], vector<16xf32>,
      %add3A_994 = arith.constant 8 : i32
      %add3A_995 = vector.broadcast %add3A_994 : i32 to vector<16xi32>
      %add3A_996 = arith.addi %shift_left3A_901, %add3A_995 : vector<16xi32>
      %gather3A_997 = tpu.vector_load_idx %arg15[%add3A_884, %add3A_996] : memref<128x128xf32, #tpu.memory_space<vmem>>[vector<16xi32>, vector<16xi32>], vector<16xf32>,
      %mul3A_998 = arith.mulf %gather3A_993, %gather3A_997 : vector<16xf32>
      %mul3A_999 = arith.mulf %mul3A_998, %gather3A_709 : vector<16xf32>
      %add3A_1000 = arith.addf %add3A_989, %mul3A_999 : vector<16xf32>
      %add3A_1001 = arith.constant 9 : i32
      %add3A_1002 = vector.broadcast %add3A_1001 : i32 to vector<16xi32>
      %add3A_1003 = arith.addi %shift_left3A_890, %add3A_1002 : vector<16xi32>
      %gather3A_1004 = tpu.vector_load_idx %arg13[%add3A_884, %add3A_1003] : memref<128x128xf32, #tpu.memory_space<vmem>>[vector<16xi32>, vector<16xi32>], vector<16xf32>,
      %add3A_1005 = arith.constant 9 : i32
      %add3A_1006 = vector.broadcast %add3A_1005 : i32 to vector<16xi32>
      %add3A_1007 = arith.addi %shift_left3A_901, %add3A_1006 : vector<16xi32>
      %gather3A_1008 = tpu.vector_load_idx %arg15[%add3A_884, %add3A_1007] : memref<128x128xf32, #tpu.memory_space<vmem>>[vector<16xi32>, vector<16xi32>], vector<16xf32>,
      %mul3A_1009 = arith.mulf %gather3A_1004, %gather3A_1008 : vector<16xf32>
      %mul3A_1010 = arith.mulf %mul3A_1009, %gather3A_713 : vector<16xf32>
      %add3A_1011 = arith.addf %add3A_1000, %mul3A_1010 : vector<16xf32>
      %add3A_1012 = arith.constant 10 : i32
      %add3A_1013 = vector.broadcast %add3A_1012 : i32 to vector<16xi32>
      %add3A_1014 = arith.addi %shift_left3A_890, %add3A_1013 : vector<16xi32>
      %gather3A_1015 = tpu.vector_load_idx %arg13[%add3A_884, %add3A_1014] : memref<128x128xf32, #tpu.memory_space<vmem>>[vector<16xi32>, vector<16xi32>], vector<16xf32>,
      %add3A_1016 = arith.constant 10 : i32
      %add3A_1017 = vector.broadcast %add3A_1016 : i32 to vector<16xi32>
      %add3A_1018 = arith.addi %shift_left3A_901, %add3A_1017 : vector<16xi32>
      %gather3A_1019 = tpu.vector_load_idx %arg15[%add3A_884, %add3A_1018] : memref<128x128xf32, #tpu.memory_space<vmem>>[vector<16xi32>, vector<16xi32>], vector<16xf32>,
      %mul3A_1020 = arith.mulf %gather3A_1015, %gather3A_1019 : vector<16xf32>
      %mul3A_1021 = arith.mulf %mul3A_1020, %gather3A_717 : vector<16xf32>
      %add3A_1022 = arith.addf %add3A_1011, %mul3A_1021 : vector<16xf32>
      %add3A_1023 = arith.constant 11 : i32
      %add3A_1024 = vector.broadcast %add3A_1023 : i32 to vector<16xi32>
      %add3A_1025 = arith.addi %shift_left3A_890, %add3A_1024 : vector<16xi32>
      %gather3A_1026 = tpu.vector_load_idx %arg13[%add3A_884, %add3A_1025] : memref<128x128xf32, #tpu.memory_space<vmem>>[vector<16xi32>, vector<16xi32>], vector<16xf32>,
      %add3A_1027 = arith.constant 11 : i32
      %add3A_1028 = vector.broadcast %add3A_1027 : i32 to vector<16xi32>
      %add3A_1029 = arith.addi %shift_left3A_901, %add3A_1028 : vector<16xi32>
      %gather3A_1030 = tpu.vector_load_idx %arg15[%add3A_884, %add3A_1029] : memref<128x128xf32, #tpu.memory_space<vmem>>[vector<16xi32>, vector<16xi32>], vector<16xf32>,
      %mul3A_1031 = arith.mulf %gather3A_1026, %gather3A_1030 : vector<16xf32>
      %mul3A_1032 = arith.mulf %mul3A_1031, %gather3A_721 : vector<16xf32>
      %add3A_1033 = arith.addf %add3A_1022, %mul3A_1032 : vector<16xf32>
      %add3A_1034 = arith.constant 12 : i32
      %add3A_1035 = vector.broadcast %add3A_1034 : i32 to vector<16xi32>
      %add3A_1036 = arith.addi %shift_left3A_890, %add3A_1035 : vector<16xi32>
      %gather3A_1037 = tpu.vector_load_idx %arg13[%add3A_884, %add3A_1036] : memref<128x128xf32, #tpu.memory_space<vmem>>[vector<16xi32>, vector<16xi32>], vector<16xf32>,
      %add3A_1038 = arith.constant 12 : i32
      %add3A_1039 = vector.broadcast %add3A_1038 : i32 to vector<16xi32>
      %add3A_1040 = arith.addi %shift_left3A_901, %add3A_1039 : vector<16xi32>
      %gather3A_1041 = tpu.vector_load_idx %arg15[%add3A_884, %add3A_1040] : memref<128x128xf32, #tpu.memory_space<vmem>>[vector<16xi32>, vector<16xi32>], vector<16xf32>,
      %mul3A_1042 = arith.mulf %gather3A_1037, %gather3A_1041 : vector<16xf32>
      %mul3A_1043 = arith.mulf %mul3A_1042, %gather3A_725 : vector<16xf32>
      %add3A_1044 = arith.addf %add3A_1033, %mul3A_1043 : vector<16xf32>
      %add3A_1045 = arith.constant 13 : i32
      %add3A_1046 = vector.broadcast %add3A_1045 : i32 to vector<16xi32>
      %add3A_1047 = arith.addi %shift_left3A_890, %add3A_1046 : vector<16xi32>
      %gather3A_1048 = tpu.vector_load_idx %arg13[%add3A_884, %add3A_1047] : memref<128x128xf32, #tpu.memory_space<vmem>>[vector<16xi32>, vector<16xi32>], vector<16xf32>,
      %add3A_1049 = arith.constant 13 : i32
      %add3A_1050 = vector.broadcast %add3A_1049 : i32 to vector<16xi32>
      %add3A_1051 = arith.addi %shift_left3A_901, %add3A_1050 : vector<16xi32>
      %gather3A_1052 = tpu.vector_load_idx %arg15[%add3A_884, %add3A_1051] : memref<128x128xf32, #tpu.memory_space<vmem>>[vector<16xi32>, vector<16xi32>], vector<16xf32>,
      %mul3A_1053 = arith.mulf %gather3A_1048, %gather3A_1052 : vector<16xf32>
      %mul3A_1054 = arith.mulf %mul3A_1053, %gather3A_729 : vector<16xf32>
      %add3A_1055 = arith.addf %add3A_1044, %mul3A_1054 : vector<16xf32>
      %add3A_1056 = arith.constant 14 : i32
      %add3A_1057 = vector.broadcast %add3A_1056 : i32 to vector<16xi32>
      %add3A_1058 = arith.addi %shift_left3A_890, %add3A_1057 : vector<16xi32>
      %gather3A_1059 = tpu.vector_load_idx %arg13[%add3A_884, %add3A_1058] : memref<128x128xf32, #tpu.memory_space<vmem>>[vector<16xi32>, vector<16xi32>], vector<16xf32>,
      %add3A_1060 = arith.constant 14 : i32
      %add3A_1061 = vector.broadcast %add3A_1060 : i32 to vector<16xi32>
      %add3A_1062 = arith.addi %shift_left3A_901, %add3A_1061 : vector<16xi32>
      %gather3A_1063 = tpu.vector_load_idx %arg15[%add3A_884, %add3A_1062] : memref<128x128xf32, #tpu.memory_space<vmem>>[vector<16xi32>, vector<16xi32>], vector<16xf32>,
      %mul3A_1064 = arith.mulf %gather3A_1059, %gather3A_1063 : vector<16xf32>
      %mul3A_1065 = arith.mulf %mul3A_1064, %gather3A_733 : vector<16xf32>
      %add3A_1066 = arith.addf %add3A_1055, %mul3A_1065 : vector<16xf32>
      %add3A_1067 = arith.constant 15 : i32
      %add3A_1068 = vector.broadcast %add3A_1067 : i32 to vector<16xi32>
      %add3A_1069 = arith.addi %shift_left3A_890, %add3A_1068 : vector<16xi32>
      %gather3A_1070 = tpu.vector_load_idx %arg13[%add3A_884, %add3A_1069] : memref<128x128xf32, #tpu.memory_space<vmem>>[vector<16xi32>, vector<16xi32>], vector<16xf32>,
      %add3A_1071 = arith.constant 15 : i32
      %add3A_1072 = vector.broadcast %add3A_1071 : i32 to vector<16xi32>
      %add3A_1073 = arith.addi %shift_left3A_901, %add3A_1072 : vector<16xi32>
      %gather3A_1074 = tpu.vector_load_idx %arg15[%add3A_884, %add3A_1073] : memref<128x128xf32, #tpu.memory_space<vmem>>[vector<16xi32>, vector<16xi32>], vector<16xf32>,
      %mul3A_1075 = arith.mulf %gather3A_1070, %gather3A_1074 : vector<16xf32>
      %mul3A_1076 = arith.mulf %mul3A_1075, %gather3A_737 : vector<16xf32>
      %add3A_1077 = arith.addf %add3A_1066, %mul3A_1076 : vector<16xf32>
      %max3A = arith.constant 0.000000e+00 : f32
      %max3A_1078 = vector.broadcast %max3A : f32 to vector<16xf32>
      %max3A_1079 = arith.maximumf %add3A_1077, %max3A_1078 : vector<16xf32>
      %swap3A_1080 = arith.index_cast %add3A_880 : i32 to index
      %swap3A_1081 = tpu.vector_load %arg18[%swap3A_1080] {strides = array<i32>} : memref<512xf32, #tpu.memory_space<vmem>>, vector<16xf32>,
      tpu.vector_store %arg18[%swap3A_1080], %max3A_1079 {strides = array<i32>} : memref<512xf32, #tpu.memory_space<vmem>>, vector<16xf32>,
      %scan3A_1082 = arith.constant 0 : i32
      scf.yield %scan3A_1082 : i32
    }
    %scan3A_874 = arith.constant 8 : i32
    "tpu.region"() ({
      %run_scoped3A = tpu.sem_alloc : memref<!tpu.dma_semaphore, #tpu.memory_space<semaphore_mem>>
      %dma_start3A_875 = tpu.memref_slice %arg7[%mul3A_2] : memref<16384xf32, #tpu.memory_space<hbm>> -> memref<512xf32, #tpu.memory_space<hbm>>
      %dma_start3A_876 = tpu.memref_slice %arg7[%mul3A_2] : memref<16384xf32, #tpu.memory_space<hbm>> -> memref<512xf32, #tpu.memory_space<hbm>>
      tpu.enqueue_dma source(%arg18 : memref<512xf32, #tpu.memory_space<vmem>>) target(%dma_start3A_876 : memref<512xf32, #tpu.memory_space<hbm>>) target_semaphore(%run_scoped3A : memref<!tpu.dma_semaphore, #tpu.memory_space<semaphore_mem>>)
      %dma_wait3A_877 = tpu.memref_slice %arg7[%mul3A_2] : memref<16384xf32, #tpu.memory_space<hbm>> -> memref<512xf32, #tpu.memory_space<hbm>>
      %dma_wait3A_878 = tpu.memref_slice %arg7[%mul3A_2] : memref<16384xf32, #tpu.memory_space<hbm>> -> memref<512xf32, #tpu.memory_space<hbm>>
      tpu.wait_dma2 semaphore(%run_scoped3A : memref<!tpu.dma_semaphore, #tpu.memory_space<semaphore_mem>>) src(%arg18 : memref<512xf32, #tpu.memory_space<vmem>>) dst(%dma_wait3A_878 : memref<512xf32, #tpu.memory_space<hbm>>)
      tpu.yield
    }) : () -> ()
    return
  }
}

</mosaic_0001>

<sc_bundles>
// kernel: _gmf.3.cloned.1.call-start
scs
__scs_entry_jumppad:
0x0: {  	(pc) =	sbr.rel $0x88, $3  }
0x1: {  	(tag) =	ssettag $0x0;
	lr =	simm.s32 $0x1  }
0x2: {  	[smem:$0x3F9C] =	sst lr;
	_ =	strace $0xD0000000  }
0x3: {  	_ = 	snop  }
0x4: {  	_ = 	snop  }
0x5: {  	_ = 	snop  }
0x6: {  	_ = 	snop  }
0x7: {  	_ = 	snop  }
__scs_overlays_trampoline_lowered:
0x8: {  	[smem:$0x3FAB] =	sst s0  }
0x9: {  	[smem:$0x3FAC] =	sst s1  }
0xa: {  	[smem:$0x3FAD] =	sst s2  }
0xb: {  	[smem:$0x3FAE] =	sst s3  }
0xc: {  	[smem:$0x3FAF] =	sst s4  }
0xd: {  	[smem:$0x3FB0] =	sst s5  }
0xe: {  	[smem:$0x3FB1] =	sst s6  }
0xf: {  	[smem:$0x3FB2] =	sst s7  }
0x10: {  	[smem:$0x3FB3] =	sst s8  }
0x11: {  	[smem:$0x3FB4] =	sst s9;
	s0 =	simm.s32 @!p0 $0x0  }
0x12: {  	s1 =	sld [smem:$0x3F9A];
	s0 =	simm.s32 @p0 $0x1  }
0x13: {  	[smem:$0x3FB5] =	sst s0;
	s0 =	simm.s32 @!p1 $0x0  }
0x14: {  	s2 =	sld [smem:$0x3F99];
	s0 =	simm.s32 @p1 $0x1  }
0x15: {  	[smem:$0x3FB6] =	sst s0;
	s0 =	simm.s32 @!p2 $0x0  }
0x16: {  	s3 =	sld [smem:$0x3FDB];
	s0 =	simm.s32 @p2 $0x1  }
0x17: {  	s4 =	simm.s32 $0x1BF5;
	[smem:$0x3FB8] =	sst s0  }
0x18: {  	s0 =	sld [smem:$0x3F9B];
	_ =	swait.ge [sflag:s4], $0x0  }
0x19: {  	s7 =	sld [smem:$0x3F9C]  }
0x1a: {  	s8 =	sadd.s32 $0xFFFFE003, lr  }
0x1b: {  	s9 =	sadd.s32 $0xFFFFFEF7, lr;
	s5 =	simm.s32 $0xFFFFFFFF;
	p2 =	slt.u32 s8, $0xFFFFF086  }
0x1c: {  	p1 =	slt.u32 s9, $0xF7A;
	s5 =	simm.s32 @!p2 $0x0  }
0x1d: {  	s5 =	simm.s32 @p1 $0x1;
	p0 =	seq.s32 s7, s2  }
0x1e: {  	s7 =	smul.u32 @!p0 $0xF7A, s2;
	p2 =	seq.s32 @!p0 s5, $0x0  }
0x1f: {  	s9 =	smul.u32 $0xF7A, s1;
	s8 =	simm.s32 @!p0 $0x1BF5;
	p2 =	por !p2, p0  }
0x20: {  	[sflag:s8] =	ssyncset.s32 @!p0 $0xFFFFF086;
	s6 =	sadd.s32 @!p0 s3, s7;
	s7 =	simm.s32 @!p0 $0x108  }
0x21: {  	s3 =	sadd.s32 s3, s9;
	s6 =	sadd.s32 @!p0 $0x88, s6;
	s7 =	simm.s32 @p2 $0x1082  }
0x22: {  	[simem:s7], [sflag:s8] =	dma.local @!p0 [hbm:s6], $0xF7A  }
0x23: {  	s9 =	sor.u32 $0xD0000000, s2;
	s6 =	simm.s32 $0x108;
	_ =	swait.ge @!p0 [sflag:s8], $0x0  }
0x24: {  	s3 =	sadd.s32 $0x88, s3;
	s6 =	simm.s32 @!p1 $0x1082;
	[sflag:s4] =	ssyncset.s32 $0xFFFFF086  }
0x25: {  	[simem:s6], [sflag:s4] =	dma.local [hbm:s3], $0xF7A  }
0x26: {  	[smem:$0x3F9C] =	sst s1;
	(tag) =	ssettag s2;
	_ =	strace s9  }
0x27: {  	s1 =	sld [smem:$0x3FAC]  }
0x28: {  	s2 =	sld [smem:$0x3FAD]  }
0x29: {  	s4 =	sld [smem:$0x3FAF]  }
0x2a: {  	p0 =	seq.s32 s5, $0x0;
	s5 =	sld [smem:$0x3FB0]  }
0x2b: {  	s6 =	sld [smem:$0x3FB1]  }
0x2c: {  	s7 =	sld [smem:$0x3FB2]  }
0x2d: {  	s3 =	simm.s32 $0x108;
	s8 =	sld [smem:$0x3FB3]  }
0x2e: {  	s3 =	simm.s32 @!p0 $0x1082;
	s9 =	sld [smem:$0x3FB4]  }
0x2f: {  	lr =	sadd.s32 s0, s3;
	s0 =	sld [smem:$0x3FAB]  }
0x30: {  	s3 =	sld [smem:$0x3FAE]  }
0x31: {  	[smem:$0x3FB7] =	sst s10  }
0x32: {  	s10 =	sld [smem:$0x3FB5];
	_ =	sdelay $0x3  }
0x33: {  	p0 =	seq.s32 s10, $0x1;
	s10 =	sld [smem:$0x3FB7];
	_ =	sdelay $0x3  }
0x34: {  	[smem:$0x3FB7] =	sst s10  }
0x35: {  	s10 =	sld [smem:$0x3FB6];
	_ =	sdelay $0x3  }
0x36: {  	p1 =	seq.s32 s10, $0x1;
	s10 =	sld [smem:$0x3FB7];
	_ =	sdelay $0x3  }
0x37: {  	[smem:$0x3FB7] =	sst s10  }
0x38: {  	s10 =	sld [smem:$0x3FB8]  }
0x39: {  	_ = 	snop;
	(pc) =	sbr.ind lr, $3  }
0x3a: {  	_ = 	snop  }
0x3b: {  	_ = 	snop  }
0x3c: {  	p2 =	seq.s32 s10, $0x1;
	s10 =	sld [smem:$0x3FB7]  }
0x3d: {  	_ =	shalt  }
0x3e: {  	_ =	shalt  }
0x3f: {  	_ =	shalt  }
0x40: {  	_ =	shalt  }
0x41: {  	_ =	shalt  }
0x42: {  	_ =	shalt  }
0x43: {  	_ =	shalt  }
0x44: {  	_ =	shalt  }
0x45: {  	_ =	shalt  }
0x46: {  	_ =	shalt  }
0x47: {  	_ =	shalt  }
0x48: {  	_ =	shalt  }
0x49: {  	_ =	shalt  }
0x4a: {  	_ =	shalt  }
0x4b: {  	_ =	shalt  }
0x4c: {  	_ =	shalt  }
0x4d: {  	_ =	shalt  }
0x4e: {  	_ =	shalt  }
0x4f: {  	_ =	shalt  }
0x50: {  	_ =	shalt  }
0x51: {  	_ =	shalt  }
0x52: {  	_ =	shalt  }
0x53: {  	_ =	shalt  }
0x54: {  	_ =	shalt  }
0x55: {  	_ =	shalt  }
0x56: {  	_ =	shalt  }
0x57: {  	_ =	shalt  }
0x58: {  	_ =	shalt  }
0x59: {  	_ =	shalt  }
0x5a: {  	_ =	shalt  }
0x5b: {  	_ =	shalt  }
0x5c: {  	_ =	shalt  }
0x5d: {  	_ =	shalt  }
0x5e: {  	_ =	shalt  }
0x5f: {  	_ =	shalt  }
0x60: {  	_ =	shalt  }
0x61: {  	_ =	shalt  }
0x62: {  	_ =	shalt  }
0x63: {  	_ =	shalt  }
0x64: {  	_ =	shalt  }
0x65: {  	_ =	shalt  }
0x66: {  	_ =	shalt  }
0x67: {  	_ =	shalt  }
0x68: {  	_ =	shalt  }
0x69: {  	_ =	shalt  }
0x6a: {  	_ =	shalt  }
0x6b: {  	_ =	shalt  }
0x6c: {  	_ =	shalt  }
0x6d: {  	_ =	shalt  }
0x6e: {  	_ =	shalt  }
0x6f: {  	_ =	shalt  }
0x70: {  	_ =	shalt  }
0x71: {  	_ =	shalt  }
0x72: {  	_ =	shalt  }
0x73: {  	_ =	shalt  }
0x74: {  	_ =	shalt  }
0x75: {  	_ =	shalt  }
0x76: {  	_ =	shalt  }
0x77: {  	_ =	shalt  }
0x78: {  	_ =	shalt  }
0x79: {  	_ =	shalt  }
0x7a: {  	_ =	shalt  }
0x7b: {  	_ =	shalt  }
0x7c: {  	_ =	shalt  }
0x7d: {  	_ =	shalt  }
0x7e: {  	_ =	shalt  }
0x7f: {  	_ =	shalt  }
0x80: {  	_ =	shalt  }
0x81: {  	_ =	shalt  }
0x82: {  	_ =	shalt  }
0x83: {  	_ =	shalt  }
0x84: {  	_ =	shalt  }
0x85: {  	_ =	shalt  }
0x86: {  	_ =	shalt  }
0x87: {  	_ =	shalt  }
.Lfunc_end0:
.L_simem_size_0:
called_computation_lowered:
.L_overlay_start_0:
0x88: {  	s2 =	sld [smem:$0x3FD9]  }
0x89: {  	s3 =	sld [smem:$0x3FFE];
	_ =	sdelay $0x1  }
0x8a: {  	s1 =	srdreg.scid  }
0x8b: {  	s0 =	sand.u32 $0x1, s1  }
0x8c: {  	s18 =	sshll.u32 s0, $0xA;
	s2 =	sadd.s32 s3, s2  }
0x8d: {  	s2 =	sadd.s32 s2, s18  }
0x8e: {  	[smem:$0x3FC3] =	sst s2  }
0x8f: {  	_ = 	snop  }
0x90: {  	s2 =	sld [smem:$0x3FC9]  }
0x91: {  	s19 =	sld [smem:$0x3FC8]  }
0x92: {  	s4 =	sld [smem:$0x3FC7]  }
0x93: {  	s5 =	sld [smem:$0x3FC6]  }
0x94: {  	s6 =	sld [smem:$0x3FC5]  }
0x95: {  	s7 =	sld [smem:$0x3FD0];
	(tm) =	ssettm $0x1  }
0x96: {  	s8 =	sld [smem:$0x3FFB];
	_ =	sdelay $0x3  }
0x97: {  	_ =	strace s8  }
0x98: {  	s8 =	sld [smem:$0x3FFC];
	_ =	sdelay $0x3  }
0x99: {  	_ =	strace s8  }
0x9a: {  	s8 =	sld [smem:$0x3FFD];
	_ =	sdelay $0x3  }
0x9b: {  	_ =	strace s8  }
0x9c: {  	_ =	strace $0x8FFFFFFF  }
0x9d: {  	s20 =	sld [smem:$0x3FDB];
	_ =	sdelay $0x1  }
0x9e: {  	s9 =	simm.s32 $_scs_section_size  }
0x9f: {  	s10 =	simm.s32 $_size__tile_overlayer_lowered;
	s11 =	simm.s32 $_tile_overlayer_lowered  }
0xa0: {  	s23 =	simm.s32 $0x1BFF;
	s22 =	sshll.u32 s11, $0x1;
	s8 =	sadd.s32 s9, s20  }
0xa1: {  	s12 =	simm.s32 $0x0;
	s21 =	sshll.u32 s10, $0x1;
	s10 =	sadd.s32 s22, s8  }
0xa2: {  	[timem:s12], [sflag:s23] =	dma.local [hbm:s10], s21  }
0xa3: {  	_ =	swait.ge [sflag:s23], s21  }
0xa4: {  	s9 =	ssub.s32 $0x0, s21;
	[sflag:s23] =	ssyncset.done $0x0  }
0xa5: {  	[sflag:s23] =	ssyncadd.s32 s9;
	_ =	sdelay $0x1  }
0xa6: {  	s24 =	simm.s32 $0x1B8B  }
0xa7: {  	_ =	swait.ge [sflag:s24], $0x1  }
0xa8: {  	[sflag:s24] =	ssyncset.done $0x0  }
0xa9: {  	s25 =	simm.s32 $0x1B8E;
	[sflag:s24] =	ssyncadd.s32 $0xFFFFFFFF  }
0xaa: {  	s26 =	simm.s32 $execute0_lowered;
	[smem:$0x3FD2] =	sst s25  }
0xab: {  	s9 =	sshll.u32 s26, $0x1;
	_ =	strace $0x80000046;
	[dreg:$0x1] =	wrdreg $0xFFFFFFFF  }
0xac: {  	s28 =	simm.s32 $_size_execute0_lowered;
	s8 =	sadd.s32 s8, s9;
	[dreg:$0x0] =	wrdreg $0x0  }
0xad: {  	s9 =	sshll.u32 s28, $0x1;
	[dreg:$0x2] =	wrdreg s8  }
0xae: {  	[dreg:$0x3] =	wrdreg s9  }
0xaf: {  	[dreg:$0x4] =	wrdreg $0xC0  }
0xb0: {  	_ =	task [dreg:s12], $0x5FFFF  }
0xb1: {  	[dreg:$0x1] =	wrdreg $0xFFFFFFFF  }
0xb2: {  	[dreg:$0x0] =	wrdreg $0x60  }
0xb3: {  	[dreg:$0x2] =	wrdreg s2  }
0xb4: {  	[dreg:$0x3] =	wrdreg s19  }
0xb5: {  	[dreg:$0x4] =	wrdreg s4  }
0xb6: {  	[dreg:$0x5] =	wrdreg s5  }
0xb7: {  	[dreg:$0x6] =	wrdreg s6  }
0xb8: {  	[dreg:$0x7] =	wrdreg s7  }
0xb9: {  	[dreg:$0x8] =	wrdreg $0x9  }
0xba: {  	_ =	task.clear_ibuf [dreg:s12], $0x9FFFF;
	_ =	strace $0x90000046  }
0xbb: {  	s29 =	simm.s32 $0x9;
	_ =	strace $0x80000048  }
0xbc: {  	_ =	swait.ge [sflag:s29], $0x1  }
0xbd: {  	[sflag:s29] =	ssyncadd.s32 $0xFFFFFFFF  }
0xbe: {  	_ =	strace $0x90000048  }
0xbf: {  	_ =	sfence  }
0xc0: {  	s30 =	sld [smem:$0x0];
	_ =	sdelay $0x2  }
0xc1: {  	s31 =	sshll.u32 s1, $0xD;
	s1 =	sshrl.u32 s1, $0x2  }
0xc2: {  	s3 =	sand.u32 $0x4000, s31;
	s1 =	sadd.s32 s1, s30  }
0xc3: {  	s0 =	sor.u32 s3, s0;
	s1 =	sshll.u32 s1, $0x11  }
0xc4: {  	s0 =	sor.u32 s1, s0  }
0xc5: {  	s0 =	sadd.s32 $0x8F2B, s0  }
0xc6: {  	[sflag:s0] =	ssyncadd.remote.s32 $0x1  }
0xc7: {  	_ =	sfence.sel $0xFFFF  }
0xc8: {  	[dreg:$0x0] =	wrdreg $0xFFFFFFFF;
	(pc) =	sbr.abs _section_cstart, $3  }
0xc9: {  	[dreg:$0x1] =	wrdreg $0xFFFFFFFF  }
0xca: {  	_ =	task.clear_ibuf [dreg:s12], $0x2FFFF;
	_ =	strace $0x9FFFFFFF  }
0xcb: {  	(tm) =	ssettm $0x7FFFFFFF  }
tec
execute0_lowered:
.L_overlay_start_1:
0x0: {  	(tag) =	ssettag $0x1  }
0x1: {  	s0 =	rddreg [dreg:$0x0]  }
0x2: {  	s2 =	rddreg [dreg:$0x1]  }
0x3: {  	s1 =	rddreg [dreg:$0x2]  }
0x4: {  	s3 =	rddreg [dreg:$0x5]  }
0x5: {  	s4 =	srdreg.scid;
	s5 =	simm.s32 $0x0;
	s8 =	stileid.u32  }
0x6: {  	s10 =	simm.s32 $0x3;
	s11 =	simm.s32 $0x10800;
	s12 =	simm.s32 $0x10880  }
0x7: {  	s13 =	simm.s32 $0x80;
	s14 =	simm.s32 $0x400;
	s15 =	simm.s32 $0x800  }
0x8: {  	s16 =	simm.s32 $0x600;
	s17 =	simm.s32 $0x8800;
	s18 =	simm.s32 $0x1  }
0x9: {  	s19 =	simm.s32 $0x480;
	s20 =	simm.s32 $0x4800;
	s21 =	simm.s32 $0x680  }
0xa: {  	s22 =	simm.s32 $0xC800;
	s23 =	simm.s32 $0x2;
	s24 =	simm.s32 $0x500  }
0xb: {  	v0 =	vimm.s32 $0x3;
	v1 =	vimm.s32 $0x0;
	v2 =	vimm.s32 $0x1;
	s25 =	simm.s32 $0x700;
	s26 =	simm.s32 $0x580;
	s28 =	simm.s32 $0x780  }
0xc: {  	v3 =	vimm.s32 $0x2;
	v4 =	vimm.s32 $0x4;
	v5 =	vimm.s32 $0x5;
	s29 =	simm.s32 $0x10900;
	s30 =	simm.s32 $0x0;
	s4 =	sand.u32 $0x1, s4  }
0xd: {  	v6 =	vimm.s32 $0x6;
	v7 =	vimm.s32 $0x7;
	v8 =	vimm.s32 $0x8;
	s8 =	sshll.u32 s8, $0x7;
	s6 =	ssub.s32 $0x2, s4;
	s4 =	sshll.u32 s4, $0x6  }
0xe: {  	v9 =	vimm.s32 $0x9;
	v10 =	vimm.s32 $0xA;
	v11 =	vimm.s32 $0xB;
	[smem:$0x7FF] =	sst s5;
	s7 =	sshrl.u32 s6, $0x1;
	s4 =	sor.u32 s4, s8  }
0xf: {  	v12 =	vimm.s32 $0xC;
	v13 =	vimm.s32 $0xD;
	v16 =	vlaneseq.u32;
	_ =	strace $0x80000047;
	s9 =	ssub.s32 s6, s7;
	s6 =	sadd.s32 s0, s4  }
0x10: {  	v14 =	vimm.s32 $0xE;
	v15 =	vimm.s32 $0xF;
	v16 =	vmul.u32 $0x80, v16;
	s7 =	sadd.s32 s2, s4;
	s8 =	sadd.s32 s3, s4;
	s9 =	smax.u32 s9, $0x1  }
.LBB2_1:
0x11: {  	[tilespmem:s5], [sflag:$0x3] =	stream.linear.gather [hbm4b:s6+s5], $0x200, $0x38;
	[tilespmem:$0x10B00] =	vst v63  }
0x12: {  	_ =	swait.ge [sflag:s10], $0x200  }
0x13: {  	[sflag:s10] =	ssyncset.done $0x0  }
0x14: {  	s31 =	simm.s32 $0x200;
	[sflag:s10] =	ssyncadd.s32 $0xFFFFFE00  }
0x15: {  	[tilespmem:s31], [sflag:$0x3] =	stream.linear.gather [hbm4b:s7+s5], $0x200, $0x38;
	[tilespmem:$0x10B00] =	vst v63  }
0x16: {  	_ =	swait.ge [sflag:s10], $0x200  }
0x17: {  	[sflag:s10] =	ssyncset.done $0x0  }
0x18: {  	[sflag:s10] =	ssyncadd.s32 $0xFFFFFE00  }
0x19: {  	s0 =	rddreg [dreg:$0x3]  }
0x1a: {  	[tilespmem:s11], [sflag:$0x3] =	stream.linear.gather [hbm4b:s0+s5], $0x80, $0x38;
	[tilespmem:$0x10B00] =	vst v63  }
0x1b: {  	_ =	swait.ge [sflag:s10], $0x80  }
0x1c: {  	[sflag:s10] =	ssyncset.done $0x0  }
0x1d: {  	[sflag:s10] =	ssyncadd.s32 $0xFFFFFF80  }
0x1e: {  	s4 =	rddreg [dreg:$0x4]  }
0x1f: {  	[tilespmem:s12], [sflag:$0x3] =	stream.linear.gather [hbm4b:s4+s5], $0x80, $0x38;
	[tilespmem:$0x10B00] =	vst v63  }
0x20: {  	_ =	swait.ge [sflag:s10], $0x80  }
0x21: {  	[sflag:s10] =	ssyncset.done $0x0  }
0x22: {  	[sflag:s10] =	ssyncadd.s32 $0xFFFFFF80  }
0x23: {  	v17 =	vld [tilespmem:$0x0]  }
0x24: {  	v18 =	vld [tilespmem:$0x200]  }
0x25: {  	v19 =	vld [tilespmem:$0x10]  }
0x26: {  	v20 =	vld [tilespmem:$0x210]  }
0x27: {  	v21 =	vld [tilespmem:$0x20]  }
0x28: {  	v22 =	vld [tilespmem:$0x220]  }
0x29: {  	v23 =	vld [tilespmem:$0x30];
	v17 =	vshrl.u32 v17, $0x3;
	v18 =	vadd.s32 $0xF4240, v18  }
0x2a: {  	[tilespmem:$0x400] =	vst v17;
	v17 =	vshrl.u32 v18, $0x3;
	v18 =	vld [tilespmem:$0x230]  }
0x2b: {  	[tilespmem:$0x600] =	vst v17;
	v17 =	vshrl.u32 v19, $0x3;
	v19 =	vadd.s32 $0xF4240, v20;
	v20 =	vld [tilespmem:$0x40]  }
0x2c: {  	[tilespmem:$0x410] =	vst v17;
	v17 =	vshrl.u32 v19, $0x3;
	v19 =	vld [tilespmem:$0x240]  }
0x2d: {  	[tilespmem:$0x610] =	vst v17;
	v17 =	vshrl.u32 v21, $0x3;
	v21 =	vadd.s32 $0xF4240, v22;
	v22 =	vld [tilespmem:$0x50]  }
0x2e: {  	[tilespmem:$0x420] =	vst v17;
	v17 =	vshrl.u32 v21, $0x3;
	v21 =	vld [tilespmem:$0x250]  }
0x2f: {  	[tilespmem:$0x620] =	vst v17;
	v17 =	vshrl.u32 v23, $0x3;
	v18 =	vadd.s32 $0xF4240, v18;
	v23 =	vld [tilespmem:$0x60]  }
0x30: {  	[tilespmem:$0x430] =	vst v17;
	v17 =	vshrl.u32 v18, $0x3;
	v18 =	vld [tilespmem:$0x260]  }
0x31: {  	[tilespmem:$0x630] =	vst v17;
	v17 =	vshrl.u32 v20, $0x3;
	v19 =	vadd.s32 $0xF4240, v19;
	v20 =	vld [tilespmem:$0x70]  }
0x32: {  	[tilespmem:$0x440] =	vst v17;
	v17 =	vshrl.u32 v19, $0x3;
	v19 =	vld [tilespmem:$0x270]  }
0x33: {  	[tilespmem:$0x640] =	vst v17;
	v17 =	vshrl.u32 v22, $0x3;
	v21 =	vadd.s32 $0xF4240, v21;
	v22 =	vld [tilespmem:$0x80]  }
0x34: {  	[tilespmem:$0x450] =	vst v17;
	v17 =	vshrl.u32 v21, $0x3;
	v21 =	vld [tilespmem:$0x280]  }
0x35: {  	[tilespmem:$0x650] =	vst v17;
	v17 =	vshrl.u32 v23, $0x3;
	v18 =	vadd.s32 $0xF4240, v18;
	v23 =	vld [tilespmem:$0x90]  }
0x36: {  	[tilespmem:$0x460] =	vst v17;
	v17 =	vshrl.u32 v18, $0x3;
	v18 =	vld [tilespmem:$0x290]  }
0x37: {  	[tilespmem:$0x660] =	vst v17;
	v17 =	vshrl.u32 v20, $0x3;
	v19 =	vadd.s32 $0xF4240, v19;
	v20 =	vld [tilespmem:$0xA0]  }
0x38: {  	[tilespmem:$0x470] =	vst v17;
	v17 =	vshrl.u32 v19, $0x3;
	v19 =	vld [tilespmem:$0x2A0]  }
0x39: {  	[tilespmem:$0x670] =	vst v17;
	v17 =	vshrl.u32 v22, $0x3;
	v21 =	vadd.s32 $0xF4240, v21;
	v22 =	vld [tilespmem:$0xB0]  }
0x3a: {  	[tilespmem:$0x480] =	vst v17;
	v17 =	vshrl.u32 v21, $0x3;
	v21 =	vld [tilespmem:$0x2B0]  }
0x3b: {  	[tilespmem:$0x680] =	vst v17;
	v17 =	vshrl.u32 v23, $0x3;
	v18 =	vadd.s32 $0xF4240, v18;
	v23 =	vld [tilespmem:$0xC0]  }
0x3c: {  	[tilespmem:$0x490] =	vst v17;
	v17 =	vshrl.u32 v18, $0x3;
	v18 =	vld [tilespmem:$0x2C0]  }
0x3d: {  	[tilespmem:$0x690] =	vst v17;
	v17 =	vshrl.u32 v20, $0x3;
	v19 =	vadd.s32 $0xF4240, v19;
	v20 =	vld [tilespmem:$0xD0]  }
0x3e: {  	[tilespmem:$0x4A0] =	vst v17;
	v17 =	vshrl.u32 v19, $0x3;
	v19 =	vld [tilespmem:$0x2D0]  }
0x3f: {  	[tilespmem:$0x6A0] =	vst v17;
	v17 =	vshrl.u32 v22, $0x3;
	v21 =	vadd.s32 $0xF4240, v21;
	v22 =	vld [tilespmem:$0xE0]  }
0x40: {  	[tilespmem:$0x4B0] =	vst v17;
	v17 =	vshrl.u32 v21, $0x3;
	v21 =	vld [tilespmem:$0x2E0]  }
0x41: {  	[tilespmem:$0x6B0] =	vst v17;
	v17 =	vshrl.u32 v23, $0x3;
	v18 =	vadd.s32 $0xF4240, v18;
	v23 =	vld [tilespmem:$0xF0]  }
0x42: {  	[tilespmem:$0x4C0] =	vst v17;
	v17 =	vshrl.u32 v18, $0x3;
	v18 =	vld [tilespmem:$0x2F0]  }
0x43: {  	[tilespmem:$0x6C0] =	vst v17;
	v17 =	vshrl.u32 v20, $0x3;
	v19 =	vadd.s32 $0xF4240, v19;
	v20 =	vld [tilespmem:$0x100]  }
0x44: {  	[tilespmem:$0x4D0] =	vst v17;
	v17 =	vshrl.u32 v19, $0x3;
	v19 =	vld [tilespmem:$0x300]  }
0x45: {  	[tilespmem:$0x6D0] =	vst v17;
	v17 =	vshrl.u32 v22, $0x3;
	v21 =	vadd.s32 $0xF4240, v21;
	v22 =	vld [tilespmem:$0x110]  }
0x46: {  	[tilespmem:$0x4E0] =	vst v17;
	v17 =	vshrl.u32 v21, $0x3;
	v21 =	vld [tilespmem:$0x310]  }
0x47: {  	[tilespmem:$0x6E0] =	vst v17;
	v17 =	vshrl.u32 v23, $0x3;
	v18 =	vadd.s32 $0xF4240, v18;
	v23 =	vld [tilespmem:$0x120]  }
0x48: {  	[tilespmem:$0x4F0] =	vst v17;
	v17 =	vshrl.u32 v18, $0x3;
	v18 =	vld [tilespmem:$0x320]  }
0x49: {  	[tilespmem:$0x6F0] =	vst v17;
	v17 =	vshrl.u32 v20, $0x3;
	v19 =	vadd.s32 $0xF4240, v19;
	v20 =	vld [tilespmem:$0x130]  }
0x4a: {  	[tilespmem:$0x500] =	vst v17;
	v17 =	vshrl.u32 v19, $0x3;
	v19 =	vld [tilespmem:$0x330]  }
0x4b: {  	[tilespmem:$0x700] =	vst v17;
	v17 =	vshrl.u32 v22, $0x3;
	v21 =	vadd.s32 $0xF4240, v21;
	v22 =	vld [tilespmem:$0x140]  }
0x4c: {  	[tilespmem:$0x510] =	vst v17;
	v17 =	vshrl.u32 v21, $0x3;
	v21 =	vld [tilespmem:$0x340]  }
0x4d: {  	[tilespmem:$0x710] =	vst v17;
	v17 =	vshrl.u32 v23, $0x3;
	v18 =	vadd.s32 $0xF4240, v18;
	v23 =	vld [tilespmem:$0x150]  }
0x4e: {  	[tilespmem:$0x520] =	vst v17;
	v17 =	vshrl.u32 v18, $0x3;
	v18 =	vld [tilespmem:$0x350]  }
0x4f: {  	[tilespmem:$0x720] =	vst v17;
	v17 =	vshrl.u32 v20, $0x3;
	v19 =	vadd.s32 $0xF4240, v19;
	v20 =	vld [tilespmem:$0x160]  }
0x50: {  	[tilespmem:$0x530] =	vst v17;
	v17 =	vshrl.u32 v19, $0x3;
	v19 =	vld [tilespmem:$0x360]  }
0x51: {  	[tilespmem:$0x730] =	vst v17;
	v17 =	vshrl.u32 v22, $0x3;
	v21 =	vadd.s32 $0xF4240, v21;
	v22 =	vld [tilespmem:$0x170]  }
0x52: {  	[tilespmem:$0x540] =	vst v17;
	v17 =	vshrl.u32 v21, $0x3;
	v21 =	vld [tilespmem:$0x370]  }
0x53: {  	[tilespmem:$0x740] =	vst v17;
	v17 =	vshrl.u32 v23, $0x3;
	v18 =	vadd.s32 $0xF4240, v18;
	v23 =	vld [tilespmem:$0x180]  }
0x54: {  	[tilespmem:$0x550] =	vst v17;
	v17 =	vshrl.u32 v18, $0x3;
	v18 =	vld [tilespmem:$0x380]  }
0x55: {  	[tilespmem:$0x750] =	vst v17;
	v17 =	vshrl.u32 v20, $0x3;
	v19 =	vadd.s32 $0xF4240, v19;
	v20 =	vld [tilespmem:$0x190]  }
0x56: {  	[tilespmem:$0x560] =	vst v17;
	v17 =	vshrl.u32 v19, $0x3;
	v19 =	vld [tilespmem:$0x390]  }
0x57: {  	[tilespmem:$0x760] =	vst v17;
	v17 =	vshrl.u32 v22, $0x3;
	v21 =	vadd.s32 $0xF4240, v21;
	v22 =	vld [tilespmem:$0x1A0]  }
0x58: {  	[tilespmem:$0x570] =	vst v17;
	v17 =	vshrl.u32 v21, $0x3;
	v21 =	vld [tilespmem:$0x3A0]  }
0x59: {  	[tilespmem:$0x770] =	vst v17;
	v17 =	vshrl.u32 v23, $0x3;
	v18 =	vadd.s32 $0xF4240, v18;
	v23 =	vld [tilespmem:$0x1B0]  }
0x5a: {  	[tilespmem:$0x580] =	vst v17;
	v17 =	vshrl.u32 v18, $0x3;
	v18 =	vld [tilespmem:$0x3B0]  }
0x5b: {  	[tilespmem:$0x780] =	vst v17;
	v17 =	vshrl.u32 v20, $0x3;
	v19 =	vadd.s32 $0xF4240, v19;
	v20 =	vld [tilespmem:$0x1C0]  }
0x5c: {  	[tilespmem:$0x590] =	vst v17;
	v17 =	vshrl.u32 v19, $0x3;
	v19 =	vld [tilespmem:$0x3C0]  }
0x5d: {  	[tilespmem:$0x790] =	vst v17;
	v17 =	vshrl.u32 v22, $0x3;
	v21 =	vadd.s32 $0xF4240, v21;
	v22 =	vld [tilespmem:$0x1D0]  }
0x5e: {  	[tilespmem:$0x5A0] =	vst v17;
	v17 =	vshrl.u32 v21, $0x3;
	v21 =	vld [tilespmem:$0x3D0]  }
0x5f: {  	[tilespmem:$0x7A0] =	vst v17;
	v17 =	vshrl.u32 v23, $0x3;
	v18 =	vadd.s32 $0xF4240, v18;
	v23 =	vld [tilespmem:$0x1E0]  }
0x60: {  	[tilespmem:$0x5B0] =	vst v17;
	v17 =	vshrl.u32 v18, $0x3;
	v18 =	vld [tilespmem:$0x3E0]  }
0x61: {  	[tilespmem:$0x7B0] =	vst v17;
	v17 =	vshrl.u32 v20, $0x3;
	v19 =	vadd.s32 $0xF4240, v19;
	v20 =	vld [tilespmem:$0x1F0]  }
0x62: {  	[tilespmem:$0x5C0] =	vst v17;
	v17 =	vshrl.u32 v19, $0x3;
	v19 =	vld [tilespmem:$0x3F0]  }
0x63: {  	[tilespmem:$0x7C0] =	vst v17;
	v17 =	vshrl.u32 v22, $0x3;
	v21 =	vadd.s32 $0xF4240, v21  }
0x64: {  	[tilespmem:$0x5D0] =	vst v17;
	v17 =	vshrl.u32 v21, $0x3  }
0x65: {  	[tilespmem:$0x7D0] =	vst v17;
	v17 =	vshrl.u32 v23, $0x3;
	v18 =	vadd.s32 $0xF4240, v18  }
0x66: {  	[tilespmem:$0x5E0] =	vst v17;
	v17 =	vshrl.u32 v18, $0x3  }
0x67: {  	[tilespmem:$0x7E0] =	vst v17;
	v17 =	vshrl.u32 v20, $0x3;
	v18 =	vadd.s32 $0xF4240, v19  }
0x68: {  	[tilespmem:$0x5F0] =	vst v17;
	v17 =	vshrl.u32 v18, $0x3  }
0x69: {  	v33 =	vld [tilespmem:$0x10800];
	[tilespmem:$0x7F0] =	vst v17  }
0x6a: {  	v17 =	vld [tilespmem:$0x10880];
	[tilespmem:s15], [sflag:$0x1] =	stream.indirect.gather [hbm4b:s1+s13], $0x80, s14, s13, $0xb8  }
0x6b: {  	_ = 	snop  }
0x6c: {  	[tilespmem:s17], [sflag:$0x1] =	stream.indirect.gather [hbm4b:s1+s13], $0x80, s16, s13, $0xb8;
	[tilespmem:$0x10B00] =	vst v63  }
0x6d: {  	_ =	swait.ge [sflag:s18], $0x4000  }
0x6e: {  	[sflag:s18] =	ssyncset.done $0x0  }
0x6f: {  	[sflag:s18] =	ssyncadd.s32 $0xFFFFC000  }
0x70: {  	_ =	swait.ge [sflag:s18], $0x4000  }
0x71: {  	[sflag:s18] =	ssyncset.done $0x0  }
0x72: {  	[sflag:s18] =	ssyncadd.s32 $0xFFFFC000  }
0x73: {  	[tilespmem:s20], [sflag:$0x2] =	stream.indirect.gather [hbm4b:s1+s13], $0x80, s19, s13, $0xb8;
	[tilespmem:$0x10B00] =	vst v63  }
0x74: {  	_ = 	snop  }
0x75: {  	[tilespmem:s22], [sflag:$0x2] =	stream.indirect.gather [hbm4b:s1+s13], $0x80, s21, s13, $0xb8;
	[tilespmem:$0x10B00] =	vst v63  }
0x76: {  	v18 =	vld [tilespmem:s5+$0x0]  }
0x77: {  	v19 =	vld [tilespmem:s31+$0x0];
	_ =	sdelay $0x2  }
0x78: {  	v20 =	vmov s5  }
0x79: {  	v20 =	vshll.u32 v20, $0x7;
	v18 =	vshll.u32 v18, $0x4  }
0x7a: {  	v20 =	vor.u32 v16, v20;
	v19 =	vshll.u32 v19, $0x4;
	v18 =	vand.u32 $0x70, v18  }
0x7b: {  	v19 =	vand.u32 $0x70, v19;
	v29 =	vor.u32 v20, v18  }
0x7c: {  	v30 =	vor.u32 v20, v19  }
0x7d: {  	v18 =	vor.u32 $0x1, v29  }
0x7e: {  	v19 =	vor.u32 $0x1, v30  }
0x7f: {  	v20 =	vor.u32 $0x2, v29  }
0x80: {  	v22 =	vor.u32 $0x2, v30;
	v21 =	vld.idx.msk [tilespmem:v29+s15+$0x0], $0xffff  }
0x81: {  	v24 =	vor.u32 $0x3, v29;
	v23 =	vld.idx.msk [tilespmem:v30+s17+$0x0], $0xffff  }
0x82: {  	v27 =	vor.u32 $0x4, v29;
	v25 =	vld.idx.msk [tilespmem:v18+s15+$0x0], $0xffff  }
0x83: {  	v26 =	vor.u32 $0x3, v30;
	v19 =	vld.idx.msk [tilespmem:v19+s17+$0x0], $0xffff  }
0x84: {  	v28 =	vor.u32 $0x4, v30;
	v20 =	vld.idx.msk [tilespmem:v20+s15+$0x0], $0xffff  }
0x85: {  	v32 =	vor.u32 $0x5, v29;
	v31 =	vld.idx.msk [tilespmem:v22+s17+$0x0], $0xffff  }
0x86: {  	v34 =	vor.u32 $0x5, v30;
	v24 =	vld.idx.msk [tilespmem:v24+s15+$0x0], $0xffff  }
0x87: {  	v35 =	vor.u32 $0x6, v30;
	v22 =	vperm.xlane v33, v1;
	v27 =	vld.idx.msk [tilespmem:v27+s15+$0x0], $0xffff;
	v21 =	vmul.f32 v23, v21  }
0x88: {  	v36 =	vor.u32 $0x7, v29;
	v18 =	vperm.xlane v33, v2;
	v23 =	vld.idx.msk [tilespmem:v26+s17+$0x0], $0xffff  }
0x89: {  	v28 =	vld.idx.msk [tilespmem:v28+s17+$0x0], $0xffff;
	v26 =	vor.u32 $0x6, v29;
	v25 =	vmul.f32 v19, v25;
	v21 =	vmul.f32 v21, v22  }
0x8a: {  	v37 =	vor.u32 $0x7, v30;
	v38 =	vor.u32 $0x8, v29;
	v32 =	vld.idx.msk [tilespmem:v32+s15+$0x0], $0xffff;
	v19 =	vperm.xlane v33, v3  }
0x8b: {  	v34 =	vld.idx.msk [tilespmem:v34+s17+$0x0], $0xffff;
	v31 =	vmul.f32 v31, v20;
	v25 =	vmul.f32 v25, v18;
	v21 =	vadd.f32 v21, v17  }
0x8c: {  	v39 =	vor.u32 $0x8, v30;
	v40 =	vor.u32 $0x9, v29;
	v35 =	vld.idx.msk [tilespmem:v35+s17+$0x0], $0xffff;
	v20 =	vperm.xlane v33, v0  }
0x8d: {  	v36 =	vld.idx.msk [tilespmem:v36+s15+$0x0], $0xffff;
	v31 =	vmul.f32 v31, v19;
	v23 =	vmul.f32 v23, v24;
	v25 =	vadd.f32 v25, v21  }
0x8e: {  	v41 =	vor.u32 $0x9, v30;
	v62 =	vor.u32 $0xA, v30;
	v27 =	vmul.f32 v28, v27;
	v26 =	vld.idx.msk [tilespmem:v26+s15+$0x0], $0xffff  }
0x8f: {  	v38 =	vld.idx.msk [tilespmem:v38+s15+$0x0], $0xffff;
	v21 =	vperm.xlane v33, v4;
	v24 =	vadd.f32 v31, v25;
	v25 =	vmul.f32 v23, v20  }
0x90: {  	v42 =	vor.u32 $0xB, v30;
	v28 =	vor.u32 $0xA, v29;
	v32 =	vmul.f32 v34, v32;
	v31 =	vld.idx.msk [tilespmem:v37+s17+$0x0], $0xffff  }
0x91: {  	v39 =	vld.idx.msk [tilespmem:v39+s17+$0x0], $0xffff;
	v23 =	vperm.xlane v33, v5;
	v27 =	vmul.f32 v27, v21;
	v25 =	vadd.f32 v25, v24  }
0x92: {  	v63 =	vor.u32 $0xB, v29;
	v43 =	vor.u32 $0xC, v30;
	v40 =	vld.idx.msk [tilespmem:v40+s15+$0x0], $0xffff;
	v24 =	vperm.xlane v33, v6  }
0x93: {  	v41 =	vld.idx.msk [tilespmem:v41+s17+$0x0], $0xffff;
	v32 =	vmul.f32 v32, v23;
	v26 =	vmul.f32 v35, v26;
	v27 =	vadd.f32 v27, v25  }
0x94: {  	v48 =	vor.u32 $0xC, v29;
	v51 =	vor.u32 $0xD, v30;
	v50 =	vld.idx.msk [tilespmem:v62+s17+$0x0], $0xffff;
	v25 =	vperm.xlane v33, v7  }
0x95: {  	v44 =	vld.idx.msk [tilespmem:v28+s15+$0x0], $0xffff;
	v28 =	vmul.f32 v26, v24;
	v31 =	vmul.f32 v31, v36;
	v27 =	vadd.f32 v32, v27  }
0x96: {  	v49 =	vor.u32 $0xD, v29;
	v52 =	vor.u32 $0xE, v29;
	v42 =	vld.idx.msk [tilespmem:v42+s17+$0x0], $0xffff;
	v38 =	vmul.f32 v39, v38  }
0x97: {  	v34 =	vld.idx.msk [tilespmem:v63+s15+$0x0], $0xffff;
	v26 =	vperm.xlane v33, v8;
	v31 =	vmul.f32 v31, v25;
	v28 =	vadd.f32 v28, v27  }
0x98: {  	v45 =	vor.u32 $0xE, v30;
	v53 =	vor.u32 $0xF, v29;
	v43 =	vld.idx.msk [tilespmem:v43+s17+$0x0], $0xffff;
	v40 =	vmul.f32 v41, v40  }
0x99: {  	v37 =	vld.idx.msk [tilespmem:v51+s17+$0x0], $0xffff;
	v38 =	vmul.f32 v38, v26;
	v27 =	vperm.xlane v33, v9;
	v31 =	vadd.f32 v31, v28  }
0x9a: {  	v46 =	vor.u32 $0xF, v30;
	v35 =	vld.idx.msk [tilespmem:v48+s15+$0x0], $0xffff;
	v36 =	vmul.f32 v50, v44  }
0x9b: {  	v32 =	vld.idx.msk [tilespmem:v49+s15+$0x0], $0xffff;
	v28 =	vperm.xlane v33, v10;
	v30 =	vadd.f32 v38, v31;
	v31 =	vmul.f32 v40, v27  }
0x9c: {  	v54 =	vld.idx.msk [tilespmem:v52+s15+$0x0], $0xffff;
	v29 =	vperm.xlane v33, v11;
	v34 =	vmul.f32 v42, v34  }
0x9d: {  	v55 =	vld.idx.msk [tilespmem:v45+s17+$0x0], $0xffff;
	v36 =	vmul.f32 v36, v28;
	v31 =	vadd.f32 v31, v30  }
0x9e: {  	v56 =	vld.idx.msk [tilespmem:v53+s15+$0x0], $0xffff;
	v34 =	vmul.f32 v34, v29  }
0x9f: {  	v57 =	vld.idx.msk [tilespmem:v46+s17+$0x0], $0xffff;
	v35 =	vmul.f32 v43, v35;
	v30 =	vperm.xlane v33, v12;
	v36 =	vadd.f32 v36, v31  }
0xa0: {  	v58 =	vmul.f32 v37, v32  }
0xa1: {  	v31 =	vperm.xlane v33, v13;
	v35 =	vmul.f32 v35, v30;
	v34 =	vadd.f32 v34, v36  }
0xa2: {  	v60 =	vmul.f32 v55, v54  }
0xa3: {  	v32 =	vperm.xlane v33, v14;
	v59 =	vmul.f32 v58, v31;
	v34 =	vadd.f32 v35, v34  }
0xa4: {  	v62 =	vmul.f32 v57, v56  }
0xa5: {  	v61 =	vmul.f32 v60, v32;
	v33 =	vperm.xlane v33, v15;
	v34 =	vadd.f32 v59, v34;
	_ =	sdelay $0x1  }
0xa6: {  	v63 =	vmul.f32 v62, v33;
	v34 =	vadd.f32 v61, v34;
	_ =	sdelay $0x1  }
0xa7: {  	v34 =	vadd.f32 v63, v34;
	_ =	sdelay $0x1  }
0xa8: {  	v34 =	vmax.f32 v34, $0.0e+00  }
0xa9: {  	s0 =	simm.s32 $0x10;
	[tilespmem:s29+$0x0] =	vst v34  }
0xaa: {  	s4 =	simm.s32 $0x210;
	v34 =	vld [tilespmem:s0+$0x0]  }
0xab: {  	s2 =	simm.s32 $0x20;
	s3 =	simm.s32 $0x10;
	s31 =	simm.s32 $0x10900;
	v35 =	vld [tilespmem:s4+$0x0]  }
.LBB2_2:
0xac: {  	p0 =	sne.s32 s2, $0x70;
	_ =	sdelay $0x1  }
0xad: {  	v36 =	vmov s0;
	s0 =	smov.u32 s2  }
0xae: {  	v36 =	vshll.u32 v36, $0x7;
	v34 =	vshll.u32 v34, $0x4  }
0xaf: {  	v36 =	vor.u32 v16, v36;
	v34 =	vand.u32 $0x70, v34;
	v35 =	vshll.u32 v35, $0x4  }
0xb0: {  	v35 =	vand.u32 $0x70, v35;
	v34 =	vor.u32 v36, v34  }
0xb1: {  	v35 =	vor.u32 v36, v35  }
0xb2: {  	v36 =	vor.u32 $0x1, v34  }
0xb3: {  	v37 =	vor.u32 $0x1, v35  }
0xb4: {  	v38 =	vor.u32 $0x2, v34  }
0xb5: {  	v40 =	vor.u32 $0x2, v35;
	v39 =	vld.idx.msk [tilespmem:v34+s15+$0x0], $0xffff  }
0xb6: {  	v42 =	vor.u32 $0x3, v34;
	v41 =	vld.idx.msk [tilespmem:v35+s17+$0x0], $0xffff  }
0xb7: {  	v43 =	vor.u32 $0x3, v35;
	v36 =	vld.idx.msk [tilespmem:v36+s15+$0x0], $0xffff  }
0xb8: {  	v44 =	vor.u32 $0x4, v34;
	v37 =	vld.idx.msk [tilespmem:v37+s17+$0x0], $0xffff  }
0xb9: {  	v45 =	vor.u32 $0x4, v35;
	v38 =	vld.idx.msk [tilespmem:v38+s15+$0x0], $0xffff  }
0xba: {  	v46 =	vor.u32 $0x5, v34;
	v40 =	vld.idx.msk [tilespmem:v40+s17+$0x0], $0xffff  }
0xbb: {  	v47 =	vor.u32 $0x5, v35;
	v42 =	vld.idx.msk [tilespmem:v42+s15+$0x0], $0xffff  }
0xbc: {  	v39 =	vmul.f32 v41, v39;
	v41 =	vld.idx.msk [tilespmem:v43+s17+$0x0], $0xffff;
	v43 =	vor.u32 $0x6, v34  }
0xbd: {  	v48 =	vor.u32 $0x6, v35;
	v44 =	vld.idx.msk [tilespmem:v44+s15+$0x0], $0xffff  }
0xbe: {  	v39 =	vmul.f32 v39, v22;
	v36 =	vmul.f32 v37, v36;
	v37 =	vld.idx.msk [tilespmem:v45+s17+$0x0], $0xffff;
	v45 =	vor.u32 $0x7, v34  }
0xbf: {  	v50 =	vor.u32 $0x8, v34;
	v49 =	vor.u32 $0x7, v35;
	v46 =	vld.idx.msk [tilespmem:v46+s15+$0x0], $0xffff  }
0xc0: {  	v39 =	vadd.f32 v39, v17;
	v36 =	vmul.f32 v36, v18;
	v38 =	vmul.f32 v40, v38;
	v40 =	vld.idx.msk [tilespmem:v47+s17+$0x0], $0xffff  }
0xc1: {  	v51 =	vor.u32 $0x9, v34;
	v47 =	vor.u32 $0x8, v35;
	v43 =	vld.idx.msk [tilespmem:v43+s15+$0x0], $0xffff  }
0xc2: {  	v36 =	vadd.f32 v36, v39;
	v38 =	vmul.f32 v38, v19;
	v39 =	vmul.f32 v41, v42;
	v41 =	vld.idx.msk [tilespmem:v48+s17+$0x0], $0xffff  }
0xc3: {  	v48 =	vor.u32 $0xA, v34;
	v42 =	vld.idx.msk [tilespmem:v45+s15+$0x0], $0xffff;
	v45 =	vor.u32 $0x9, v35  }
0xc4: {  	v36 =	vadd.f32 v38, v36;
	v38 =	vmul.f32 v39, v20;
	v37 =	vmul.f32 v37, v44;
	v39 =	vld.idx.msk [tilespmem:v49+s17+$0x0], $0xffff  }
0xc5: {  	v49 =	vor.u32 $0xA, v35;
	v44 =	vld.idx.msk [tilespmem:v50+s15+$0x0], $0xffff;
	v50 =	vor.u32 $0xB, v34  }
0xc6: {  	v36 =	vadd.f32 v38, v36;
	v37 =	vmul.f32 v37, v21;
	v38 =	vmul.f32 v40, v46;
	v40 =	vld.idx.msk [tilespmem:v47+s17+$0x0], $0xffff  }
0xc7: {  	v47 =	vor.u32 $0xB, v35;
	v46 =	vld.idx.msk [tilespmem:v51+s15+$0x0], $0xffff;
	v51 =	vor.u32 $0xC, v34  }
0xc8: {  	v36 =	vadd.f32 v37, v36;
	v37 =	vmul.f32 v38, v23;
	v38 =	vmul.f32 v41, v43;
	v41 =	vld.idx.msk [tilespmem:v45+s17+$0x0], $0xffff  }
0xc9: {  	v45 =	vor.u32 $0xC, v35;
	v43 =	vld.idx.msk [tilespmem:v48+s15+$0x0], $0xffff;
	v48 =	vor.u32 $0xD, v34  }
0xca: {  	v36 =	vadd.f32 v37, v36;
	v37 =	vmul.f32 v38, v24;
	v38 =	vmul.f32 v39, v42;
	v39 =	vld.idx.msk [tilespmem:v49+s17+$0x0], $0xffff  }
0xcb: {  	v49 =	vor.u32 $0xD, v35;
	v42 =	vld.idx.msk [tilespmem:v50+s15+$0x0], $0xffff;
	v50 =	vor.u32 $0xE, v34  }
0xcc: {  	v36 =	vadd.f32 v37, v36;
	v37 =	vmul.f32 v38, v25;
	v38 =	vmul.f32 v40, v44;
	v40 =	vld.idx.msk [tilespmem:v47+s17+$0x0], $0xffff  }
0xcd: {  	v34 =	vor.u32 $0xF, v34;
	v47 =	vor.u32 $0xE, v35;
	v44 =	vld.idx.msk [tilespmem:v51+s15+$0x0], $0xffff  }
0xce: {  	v36 =	vadd.f32 v37, v36;
	v37 =	vmul.f32 v38, v26;
	v38 =	vmul.f32 v41, v46;
	v41 =	vld.idx.msk [tilespmem:v45+s17+$0x0], $0xffff  }
0xcf: {  	v35 =	vor.u32 $0xF, v35;
	v45 =	vld.idx.msk [tilespmem:v48+s15+$0x0], $0xffff  }
0xd0: {  	v36 =	vadd.f32 v37, v36;
	v37 =	vmul.f32 v38, v27;
	v38 =	vmul.f32 v39, v43;
	v39 =	vld.idx.msk [tilespmem:v49+s17+$0x0], $0xffff  }
0xd1: {  	v43 =	vld.idx.msk [tilespmem:v50+s15+$0x0], $0xffff  }
0xd2: {  	v36 =	vadd.f32 v37, v36;
	v37 =	vmul.f32 v38, v28;
	v38 =	vmul.f32 v40, v42;
	v40 =	vld.idx.msk [tilespmem:v47+s17+$0x0], $0xffff  }
0xd3: {  	v34 =	vld.idx.msk [tilespmem:v34+s15+$0x0], $0xffff  }
0xd4: {  	v36 =	vadd.f32 v37, v36;
	v37 =	vmul.f32 v38, v29;
	v38 =	vmul.f32 v41, v44;
	v35 =	vld.idx.msk [tilespmem:v35+s17+$0x0], $0xffff;
	_ =	sdelay $0x1  }
0xd5: {  	v36 =	vadd.f32 v37, v36;
	v37 =	vmul.f32 v38, v30;
	v38 =	vmul.f32 v39, v45;
	_ =	sdelay $0x1  }
0xd6: {  	v36 =	vadd.f32 v37, v36;
	v37 =	vmul.f32 v38, v31;
	v38 =	vmul.f32 v40, v43;
	_ =	sdelay $0x1  }
0xd7: {  	v36 =	vadd.f32 v37, v36;
	v37 =	vmul.f32 v38, v32;
	v34 =	vmul.f32 v35, v34;
	_ =	sdelay $0x1  }
0xd8: {  	v35 =	vadd.f32 v37, v36;
	v34 =	vmul.f32 v34, v33;
	_ =	sdelay $0x1  }
0xd9: {  	v34 =	vadd.f32 v34, v35  }
.Ltmp0:
0xda: {  	(pc) =	sbr.rel @p0 .LBB2_2-.Ltmp0, $4  }
0xdb: {  	s31 =	sadd.s32 $0x10, s31;
	v34 =	vmax.f32 v34, $0.0e+00  }
0xdc: {  	s3 =	sadd.s32 $0x10, s3;
	[tilespmem:s31+$0x0] =	vst v34  }
0xdd: {  	s4 =	sadd.s32 $0x10, s4;
	v34 =	vld [tilespmem:s3+$0x0]  }
0xde: {  	s2 =	sadd.s32 $0x10, s2;
	v35 =	vld [tilespmem:s4+$0x0]  }
0xdf: {  	_ =	sdelay $0x1  }
0xe0: {  	v36 =	vmov s0  }
0xe1: {  	v36 =	vshll.u32 v36, $0x7;
	v34 =	vshll.u32 v34, $0x4  }
0xe2: {  	v36 =	vor.u32 v16, v36;
	v34 =	vand.u32 $0x70, v34;
	v35 =	vshll.u32 v35, $0x4  }
0xe3: {  	v35 =	vand.u32 $0x70, v35;
	v34 =	vor.u32 v36, v34  }
0xe4: {  	v35 =	vor.u32 v36, v35  }
0xe5: {  	v57 =	vor.u32 $0x1, v34  }
0xe6: {  	v38 =	vor.u32 $0x2, v34  }
0xe7: {  	v37 =	vor.u32 $0x1, v35  }
0xe8: {  	v42 =	vor.u32 $0x3, v34;
	v39 =	vld.idx.msk [tilespmem:v34+s15+$0x0], $0xffff  }
0xe9: {  	v40 =	vor.u32 $0x2, v35;
	v41 =	vld.idx.msk [tilespmem:v35+s17+$0x0], $0xffff  }
0xea: {  	v44 =	vor.u32 $0x4, v34;
	v36 =	vld.idx.msk [tilespmem:v57+s15+$0x0], $0xffff  }
0xeb: {  	v43 =	vor.u32 $0x3, v35;
	v38 =	vld.idx.msk [tilespmem:v38+s15+$0x0], $0xffff  }
0xec: {  	v46 =	vor.u32 $0x5, v34;
	v37 =	vld.idx.msk [tilespmem:v37+s17+$0x0], $0xffff  }
0xed: {  	v45 =	vor.u32 $0x4, v35;
	v42 =	vld.idx.msk [tilespmem:v42+s15+$0x0], $0xffff  }
0xee: {  	v47 =	vor.u32 $0x5, v35;
	v40 =	vld.idx.msk [tilespmem:v40+s17+$0x0], $0xffff  }
0xef: {  	v59 =	vor.u32 $0x6, v34;
	v44 =	vld.idx.msk [tilespmem:v44+s15+$0x0], $0xffff;
	v39 =	vmul.f32 v41, v39  }
0xf0: {  	v48 =	vor.u32 $0x6, v35;
	v58 =	vld.idx.msk [tilespmem:v43+s17+$0x0], $0xffff  }
0xf1: {  	v61 =	vor.u32 $0x7, v34;
	v46 =	vld.idx.msk [tilespmem:v46+s15+$0x0], $0xffff;
	v36 =	vmul.f32 v37, v36;
	v39 =	vmul.f32 v39, v22  }
0xf2: {  	v49 =	vor.u32 $0x7, v35;
	v50 =	vor.u32 $0x8, v35;
	v60 =	vld.idx.msk [tilespmem:v45+s17+$0x0], $0xffff  }
0xf3: {  	v47 =	vld.idx.msk [tilespmem:v47+s17+$0x0], $0xffff;
	v38 =	vmul.f32 v40, v38;
	v36 =	vmul.f32 v36, v18;
	v39 =	vadd.f32 v39, v17  }
0xf4: {  	v62 =	vor.u32 $0x8, v34;
	v52 =	vor.u32 $0x9, v34;
	v43 =	vld.idx.msk [tilespmem:v59+s15+$0x0], $0xffff  }
0xf5: {  	v53 =	vld.idx.msk [tilespmem:v48+s17+$0x0], $0xffff;
	v63 =	vmul.f32 v58, v42;
	v38 =	vmul.f32 v38, v19;
	v36 =	vadd.f32 v36, v39  }
0xf6: {  	v56 =	vor.u32 $0xA, v34;
	v54 =	vor.u32 $0x9, v35;
	v45 =	vld.idx.msk [tilespmem:v61+s15+$0x0], $0xffff  }
0xf7: {  	v57 =	vld.idx.msk [tilespmem:v49+s17+$0x0], $0xffff;
	v37 =	vmul.f32 v60, v44;
	v55 =	vmul.f32 v63, v20;
	v36 =	vadd.f32 v38, v36  }
0xf8: {  	v61 =	vld.idx.msk [tilespmem:v50+s17+$0x0], $0xffff;
	v58 =	vor.u32 $0xA, v35;
	v60 =	vor.u32 $0xB, v34  }
0xf9: {  	v40 =	vld.idx.msk [tilespmem:v62+s15+$0x0], $0xffff;
	v59 =	vmul.f32 v47, v46;
	v37 =	vmul.f32 v37, v21;
	v36 =	vadd.f32 v55, v36  }
0xfa: {  	v50 =	vor.u32 $0xB, v35;
	v41 =	vld.idx.msk [tilespmem:v52+s15+$0x0], $0xffff  }
0xfb: {  	v62 =	vmul.f32 v59, v23;
	v63 =	vmul.f32 v53, v43;
	v53 =	vld.idx.msk [tilespmem:v54+s17+$0x0], $0xffff;
	v36 =	vadd.f32 v37, v36  }
0xfc: {  	v48 =	vor.u32 $0xC, v35;
	v52 =	vor.u32 $0xC, v34;
	v39 =	vld.idx.msk [tilespmem:v56+s15+$0x0], $0xffff  }
0xfd: {  	v54 =	vmul.f32 v63, v24;
	v46 =	vld.idx.msk [tilespmem:v60+s15+$0x0], $0xffff;
	v55 =	vmul.f32 v57, v45;
	v36 =	vadd.f32 v62, v36  }
0xfe: {  	v56 =	vor.u32 $0xD, v34;
	v60 =	vmul.f32 v61, v40;
	v57 =	vld.idx.msk [tilespmem:v58+s17+$0x0], $0xffff  }
0xff: {  	v58 =	vor.u32 $0xD, v35;
	v59 =	vmul.f32 v55, v25;
	v36 =	vadd.f32 v54, v36  }
0x100: {  	v63 =	vor.u32 $0xE, v35;
	v61 =	vor.u32 $0xE, v34;
	v62 =	vld.idx.msk [tilespmem:v50+s17+$0x0], $0xffff  }
0x101: {  	v42 =	vld.idx.msk [tilespmem:v52+s15+$0x0], $0xffff;
	v52 =	vmul.f32 v60, v26;
	v53 =	vmul.f32 v53, v41;
	v36 =	vadd.f32 v59, v36  }
0x102: {  	v34 =	vor.u32 $0xF, v34;
	v35 =	vor.u32 $0xF, v35;
	v54 =	vld.idx.msk [tilespmem:v48+s17+$0x0], $0xffff  }
0x103: {  	v55 =	vld.idx.msk [tilespmem:v56+s15+$0x0], $0xffff;
	v56 =	vmul.f32 v53, v27;
	v57 =	vmul.f32 v57, v39;
	v36 =	vadd.f32 v52, v36  }
0x104: {  	v58 =	vld.idx.msk [tilespmem:v58+s17+$0x0], $0xffff  }
0x105: {  	v40 =	vld.idx.msk [tilespmem:v61+s15+$0x0], $0xffff;
	v59 =	vmul.f32 v57, v28;
	v60 =	vmul.f32 v62, v46;
	v36 =	vadd.f32 v56, v36  }
0x106: {  	v61 =	vld.idx.msk [tilespmem:v63+s17+$0x0], $0xffff  }
0x107: {  	v34 =	vld.idx.msk [tilespmem:v34+s15+$0x0], $0xffff;
	v62 =	vmul.f32 v60, v29;
	v63 =	vmul.f32 v54, v42;
	v36 =	vadd.f32 v59, v36  }
0x108: {  	v35 =	vld.idx.msk [tilespmem:v35+s17+$0x0], $0xffff  }
0x109: {  	v42 =	vmul.f32 v58, v55;
	v41 =	vmul.f32 v63, v30;
	v36 =	vadd.f32 v62, v36;
	_ =	sdelay $0x1  }
0x10a: {  	v45 =	vmul.f32 v61, v40;
	v43 =	vmul.f32 v42, v31;
	v36 =	vadd.f32 v41, v36;
	_ =	sdelay $0x1  }
0x10b: {  	v46 =	vmul.f32 v45, v32;
	v34 =	vmul.f32 v35, v34;
	v36 =	vadd.f32 v43, v36;
	_ =	sdelay $0x1  }
0x10c: {  	v34 =	vmul.f32 v34, v33;
	v47 =	vadd.f32 v46, v36;
	_ =	sdelay $0x1  }
0x10d: {  	v34 =	vadd.f32 v34, v47;
	_ =	sdelay $0x1  }
0x10e: {  	s2 =	sadd.s32 $0x10, s31;
	v34 =	vmax.f32 v34, $0.0e+00  }
0x10f: {  	[tilespmem:s2+$0x0] =	vst v34  }
0x110: {  	_ =	swait.ge [sflag:s23], $0x4000  }
0x111: {  	[sflag:s23] =	ssyncset.done $0x0  }
0x112: {  	[sflag:s23] =	ssyncadd.s32 $0xFFFFC000  }
0x113: {  	_ =	swait.ge [sflag:s23], $0x4000  }
0x114: {  	[sflag:s23] =	ssyncset.done $0x0  }
0x115: {  	s3 =	simm.s32 $0x80;
	[sflag:s23] =	ssyncadd.s32 $0xFFFFC000  }
0x116: {  	[tilespmem:s15], [sflag:$0x1] =	stream.indirect.gather [hbm4b:s1+s3], $0x80, s24, s3, $0xb8;
	[tilespmem:$0x10B00] =	vst v63  }
0x117: {  	_ = 	snop  }
0x118: {  	[tilespmem:s17], [sflag:$0x1] =	stream.indirect.gather [hbm4b:s1+s3], $0x80, s25, s3, $0xb8;
	[tilespmem:$0x10B00] =	vst v63  }
0x119: {  	s2 =	simm.s32 $0x280;
	v48 =	vld [tilespmem:s3+$0x0]  }
0x11a: {  	v49 =	vld [tilespmem:s2+$0x0];
	_ =	sdelay $0x1  }
0x11b: {  	s4 =	simm.s32 $0x0  }
0x11c: {  	v50 =	vmov s4  }
0x11d: {  	v36 =	vshll.u32 v50, $0x7;
	v34 =	vshll.u32 v48, $0x4  }
0x11e: {  	v36 =	vor.u32 v16, v36;
	v35 =	vshll.u32 v49, $0x4;
	v34 =	vand.u32 $0x70, v34  }
0x11f: {  	v35 =	vand.u32 $0x70, v35;
	v34 =	vor.u32 v36, v34  }
0x120: {  	v35 =	vor.u32 v36, v35  }
0x121: {  	v51 =	vor.u32 $0x1, v34  }
0x122: {  	v52 =	vor.u32 $0x1, v35  }
0x123: {  	v53 =	vor.u32 $0x2, v34  }
0x124: {  	v55 =	vor.u32 $0x2, v35;
	v54 =	vld.idx.msk [tilespmem:v34+s20+$0x0], $0xffff  }
0x125: {  	v57 =	vor.u32 $0x3, v34;
	v56 =	vld.idx.msk [tilespmem:v35+s22+$0x0], $0xffff  }
0x126: {  	v58 =	vor.u32 $0x3, v35;
	v36 =	vld.idx.msk [tilespmem:v51+s20+$0x0], $0xffff  }
0x127: {  	v59 =	vor.u32 $0x4, v34;
	v37 =	vld.idx.msk [tilespmem:v52+s22+$0x0], $0xffff  }
0x128: {  	v61 =	vor.u32 $0x5, v34;
	v38 =	vld.idx.msk [tilespmem:v53+s20+$0x0], $0xffff  }
0x129: {  	v60 =	vor.u32 $0x4, v35;
	v40 =	vld.idx.msk [tilespmem:v55+s22+$0x0], $0xffff  }
0x12a: {  	v62 =	vor.u32 $0x5, v35;
	v42 =	vld.idx.msk [tilespmem:v57+s20+$0x0], $0xffff  }
0x12b: {  	v63 =	vld.idx.msk [tilespmem:v58+s22+$0x0], $0xffff;
	v39 =	vmul.f32 v56, v54  }
0x12c: {  	v52 =	vor.u32 $0x6, v34;
	v44 =	vld.idx.msk [tilespmem:v59+s20+$0x0], $0xffff  }
0x12d: {  	v53 =	vor.u32 $0x6, v35;
	v46 =	vld.idx.msk [tilespmem:v61+s20+$0x0], $0xffff;
	v36 =	vmul.f32 v37, v36;
	v39 =	vmul.f32 v39, v22  }
0x12e: {  	v55 =	vor.u32 $0x7, v34;
	v54 =	vld.idx.msk [tilespmem:v60+s22+$0x0], $0xffff;
	v56 =	vor.u32 $0x7, v35  }
0x12f: {  	v47 =	vld.idx.msk [tilespmem:v62+s22+$0x0], $0xffff;
	v38 =	vmul.f32 v40, v38;
	v36 =	vmul.f32 v36, v18;
	v39 =	vadd.f32 v39, v17  }
0x130: {  	v57 =	vor.u32 $0x8, v34;
	v58 =	vor.u32 $0x8, v35  }
0x131: {  	v43 =	vld.idx.msk [tilespmem:v52+s20+$0x0], $0xffff;
	v59 =	vmul.f32 v63, v42;
	v38 =	vmul.f32 v38, v19;
	v36 =	vadd.f32 v36, v39  }
0x132: {  	v62 =	vor.u32 $0x9, v35;
	v60 =	vor.u32 $0x9, v34;
	v61 =	vld.idx.msk [tilespmem:v53+s22+$0x0], $0xffff  }
0x133: {  	v45 =	vld.idx.msk [tilespmem:v55+s20+$0x0], $0xffff;
	v63 =	vmul.f32 v59, v20;
	v37 =	vmul.f32 v54, v44;
	v36 =	vadd.f32 v38, v36  }
0x134: {  	v52 =	vor.u32 $0xA, v34;
	v55 =	vmul.f32 v47, v46;
	v53 =	vld.idx.msk [tilespmem:v56+s22+$0x0], $0xffff  }
0x135: {  	v40 =	vld.idx.msk [tilespmem:v57+s20+$0x0], $0xffff;
	v54 =	vor.u32 $0xA, v35;
	v37 =	vmul.f32 v37, v21;
	v36 =	vadd.f32 v63, v36  }
0x136: {  	v50 =	vor.u32 $0xB, v35;
	v57 =	vld.idx.msk [tilespmem:v58+s22+$0x0], $0xffff;
	v56 =	vor.u32 $0xB, v34  }
0x137: {  	v58 =	vmul.f32 v55, v23;
	v41 =	vld.idx.msk [tilespmem:v60+s20+$0x0], $0xffff;
	v59 =	vmul.f32 v61, v43;
	v36 =	vadd.f32 v37, v36  }
0x138: {  	v48 =	vor.u32 $0xC, v35;
	v60 =	vor.u32 $0xC, v34;
	v61 =	vld.idx.msk [tilespmem:v62+s22+$0x0], $0xffff  }
0x139: {  	v39 =	vld.idx.msk [tilespmem:v52+s20+$0x0], $0xffff;
	v62 =	vmul.f32 v59, v24;
	v63 =	vmul.f32 v53, v45;
	v36 =	vadd.f32 v58, v36  }
0x13a: {  	v52 =	vor.u32 $0xD, v34;
	v53 =	vld.idx.msk [tilespmem:v54+s22+$0x0], $0xffff;
	v54 =	vor.u32 $0xD, v35  }
0x13b: {  	v46 =	vld.idx.msk [tilespmem:v56+s20+$0x0], $0xffff;
	v56 =	vmul.f32 v57, v40;
	v55 =	vmul.f32 v63, v25;
	v36 =	vadd.f32 v62, v36  }
0x13c: {  	v59 =	vor.u32 $0xE, v35;
	v57 =	vor.u32 $0xE, v34;
	v58 =	vld.idx.msk [tilespmem:v50+s22+$0x0], $0xffff  }
0x13d: {  	v42 =	vld.idx.msk [tilespmem:v60+s20+$0x0], $0xffff;
	v61 =	vmul.f32 v61, v41;
	v60 =	vmul.f32 v56, v26;
	v36 =	vadd.f32 v55, v36  }
0x13e: {  	v34 =	vor.u32 $0xF, v34;
	v35 =	vor.u32 $0xF, v35;
	v62 =	vld.idx.msk [tilespmem:v48+s22+$0x0], $0xffff  }
0x13f: {  	v63 =	vld.idx.msk [tilespmem:v52+s20+$0x0], $0xffff;
	v51 =	vmul.f32 v53, v39;
	v48 =	vmul.f32 v61, v27;
	v36 =	vadd.f32 v60, v36  }
0x140: {  	v52 =	vld.idx.msk [tilespmem:v54+s22+$0x0], $0xffff  }
0x141: {  	v40 =	vld.idx.msk [tilespmem:v57+s20+$0x0], $0xffff;
	v53 =	vmul.f32 v51, v28;
	v54 =	vmul.f32 v58, v46;
	v36 =	vadd.f32 v48, v36  }
0x142: {  	v55 =	vld.idx.msk [tilespmem:v59+s22+$0x0], $0xffff  }
0x143: {  	v34 =	vld.idx.msk [tilespmem:v34+s20+$0x0], $0xffff;
	v56 =	vmul.f32 v54, v29;
	v57 =	vmul.f32 v62, v42;
	v36 =	vadd.f32 v53, v36  }
0x144: {  	v35 =	vld.idx.msk [tilespmem:v35+s22+$0x0], $0xffff  }
0x145: {  	v59 =	vmul.f32 v52, v63;
	v58 =	vmul.f32 v57, v30;
	v36 =	vadd.f32 v56, v36;
	_ =	sdelay $0x1  }
0x146: {  	v60 =	vmul.f32 v59, v31;
	v61 =	vmul.f32 v55, v40;
	v36 =	vadd.f32 v58, v36;
	_ =	sdelay $0x1  }
0x147: {  	v34 =	vmul.f32 v35, v34;
	v62 =	vmul.f32 v61, v32;
	v36 =	vadd.f32 v60, v36;
	_ =	sdelay $0x1  }
0x148: {  	v34 =	vmul.f32 v34, v33;
	v63 =	vadd.f32 v62, v36;
	_ =	sdelay $0x1  }
0x149: {  	v34 =	vadd.f32 v34, v63;
	_ =	sdelay $0x1  }
0x14a: {  	s31 =	simm.s32 $0x10980;
	v34 =	vmax.f32 v34, $0.0e+00  }
0x14b: {  	s0 =	simm.s32 $0x90;
	[tilespmem:s31+$0x0] =	vst v34  }
0x14c: {  	s4 =	simm.s32 $0x290;
	v34 =	vld [tilespmem:s0+$0x0]  }
0x14d: {  	s2 =	simm.s32 $0x10;
	s3 =	simm.s32 $0x20;
	v35 =	vld [tilespmem:s4+$0x0]  }
.LBB2_4:
0x14e: {  	p0 =	sne.s32 s3, $0x70;
	_ =	sdelay $0x1  }
0x14f: {  	v36 =	vmov s2;
	s2 =	smov.u32 s3  }
0x150: {  	v36 =	vshll.u32 v36, $0x7;
	v34 =	vshll.u32 v34, $0x4  }
0x151: {  	v36 =	vor.u32 v16, v36;
	v34 =	vand.u32 $0x70, v34;
	v35 =	vshll.u32 v35, $0x4  }
0x152: {  	v35 =	vand.u32 $0x70, v35;
	v34 =	vor.u32 v36, v34  }
0x153: {  	v35 =	vor.u32 v36, v35  }
0x154: {  	v36 =	vor.u32 $0x1, v34  }
0x155: {  	v37 =	vor.u32 $0x1, v35  }
0x156: {  	v38 =	vor.u32 $0x2, v34  }
0x157: {  	v40 =	vor.u32 $0x2, v35;
	v39 =	vld.idx.msk [tilespmem:v34+s20+$0x0], $0xffff  }
0x158: {  	v42 =	vor.u32 $0x3, v34;
	v41 =	vld.idx.msk [tilespmem:v35+s22+$0x0], $0xffff  }
0x159: {  	v43 =	vor.u32 $0x3, v35;
	v36 =	vld.idx.msk [tilespmem:v36+s20+$0x0], $0xffff  }
0x15a: {  	v44 =	vor.u32 $0x4, v34;
	v37 =	vld.idx.msk [tilespmem:v37+s22+$0x0], $0xffff  }
0x15b: {  	v45 =	vor.u32 $0x4, v35;
	v38 =	vld.idx.msk [tilespmem:v38+s20+$0x0], $0xffff  }
0x15c: {  	v46 =	vor.u32 $0x5, v34;
	v40 =	vld.idx.msk [tilespmem:v40+s22+$0x0], $0xffff  }
0x15d: {  	v47 =	vor.u32 $0x5, v35;
	v42 =	vld.idx.msk [tilespmem:v42+s20+$0x0], $0xffff  }
0x15e: {  	v39 =	vmul.f32 v41, v39;
	v41 =	vld.idx.msk [tilespmem:v43+s22+$0x0], $0xffff;
	v43 =	vor.u32 $0x6, v34  }
0x15f: {  	v48 =	vor.u32 $0x6, v35;
	v44 =	vld.idx.msk [tilespmem:v44+s20+$0x0], $0xffff  }
0x160: {  	v39 =	vmul.f32 v39, v22;
	v36 =	vmul.f32 v37, v36;
	v37 =	vld.idx.msk [tilespmem:v45+s22+$0x0], $0xffff;
	v45 =	vor.u32 $0x7, v34  }
0x161: {  	v50 =	vor.u32 $0x8, v34;
	v49 =	vor.u32 $0x7, v35;
	v46 =	vld.idx.msk [tilespmem:v46+s20+$0x0], $0xffff  }
0x162: {  	v39 =	vadd.f32 v39, v17;
	v36 =	vmul.f32 v36, v18;
	v38 =	vmul.f32 v40, v38;
	v40 =	vld.idx.msk [tilespmem:v47+s22+$0x0], $0xffff  }
0x163: {  	v51 =	vor.u32 $0x9, v34;
	v47 =	vor.u32 $0x8, v35;
	v43 =	vld.idx.msk [tilespmem:v43+s20+$0x0], $0xffff  }
0x164: {  	v36 =	vadd.f32 v36, v39;
	v38 =	vmul.f32 v38, v19;
	v39 =	vmul.f32 v41, v42;
	v41 =	vld.idx.msk [tilespmem:v48+s22+$0x0], $0xffff  }
0x165: {  	v48 =	vor.u32 $0xA, v34;
	v42 =	vld.idx.msk [tilespmem:v45+s20+$0x0], $0xffff;
	v45 =	vor.u32 $0x9, v35  }
0x166: {  	v36 =	vadd.f32 v38, v36;
	v38 =	vmul.f32 v39, v20;
	v37 =	vmul.f32 v37, v44;
	v39 =	vld.idx.msk [tilespmem:v49+s22+$0x0], $0xffff  }
0x167: {  	v49 =	vor.u32 $0xA, v35;
	v44 =	vld.idx.msk [tilespmem:v50+s20+$0x0], $0xffff;
	v50 =	vor.u32 $0xB, v34  }
0x168: {  	v36 =	vadd.f32 v38, v36;
	v37 =	vmul.f32 v37, v21;
	v38 =	vmul.f32 v40, v46;
	v40 =	vld.idx.msk [tilespmem:v47+s22+$0x0], $0xffff  }
0x169: {  	v47 =	vor.u32 $0xB, v35;
	v46 =	vld.idx.msk [tilespmem:v51+s20+$0x0], $0xffff;
	v51 =	vor.u32 $0xC, v34  }
0x16a: {  	v36 =	vadd.f32 v37, v36;
	v37 =	vmul.f32 v38, v23;
	v38 =	vmul.f32 v41, v43;
	v41 =	vld.idx.msk [tilespmem:v45+s22+$0x0], $0xffff  }
0x16b: {  	v45 =	vor.u32 $0xC, v35;
	v43 =	vld.idx.msk [tilespmem:v48+s20+$0x0], $0xffff;
	v48 =	vor.u32 $0xD, v34  }
0x16c: {  	v36 =	vadd.f32 v37, v36;
	v37 =	vmul.f32 v38, v24;
	v38 =	vmul.f32 v39, v42;
	v39 =	vld.idx.msk [tilespmem:v49+s22+$0x0], $0xffff  }
0x16d: {  	v49 =	vor.u32 $0xD, v35;
	v42 =	vld.idx.msk [tilespmem:v50+s20+$0x0], $0xffff;
	v50 =	vor.u32 $0xE, v34  }
0x16e: {  	v36 =	vadd.f32 v37, v36;
	v37 =	vmul.f32 v38, v25;
	v38 =	vmul.f32 v40, v44;
	v40 =	vld.idx.msk [tilespmem:v47+s22+$0x0], $0xffff  }
0x16f: {  	v34 =	vor.u32 $0xF, v34;
	v47 =	vor.u32 $0xE, v35;
	v44 =	vld.idx.msk [tilespmem:v51+s20+$0x0], $0xffff  }
0x170: {  	v36 =	vadd.f32 v37, v36;
	v37 =	vmul.f32 v38, v26;
	v38 =	vmul.f32 v41, v46;
	v41 =	vld.idx.msk [tilespmem:v45+s22+$0x0], $0xffff  }
0x171: {  	v35 =	vor.u32 $0xF, v35;
	v45 =	vld.idx.msk [tilespmem:v48+s20+$0x0], $0xffff  }
0x172: {  	v36 =	vadd.f32 v37, v36;
	v37 =	vmul.f32 v38, v27;
	v38 =	vmul.f32 v39, v43;
	v39 =	vld.idx.msk [tilespmem:v49+s22+$0x0], $0xffff  }
0x173: {  	v43 =	vld.idx.msk [tilespmem:v50+s20+$0x0], $0xffff  }
0x174: {  	v36 =	vadd.f32 v37, v36;
	v37 =	vmul.f32 v38, v28;
	v38 =	vmul.f32 v40, v42;
	v40 =	vld.idx.msk [tilespmem:v47+s22+$0x0], $0xffff  }
0x175: {  	v34 =	vld.idx.msk [tilespmem:v34+s20+$0x0], $0xffff  }
0x176: {  	v36 =	vadd.f32 v37, v36;
	v37 =	vmul.f32 v38, v29;
	v38 =	vmul.f32 v41, v44;
	v35 =	vld.idx.msk [tilespmem:v35+s22+$0x0], $0xffff;
	_ =	sdelay $0x1  }
0x177: {  	v36 =	vadd.f32 v37, v36;
	v37 =	vmul.f32 v38, v30;
	v38 =	vmul.f32 v39, v45;
	_ =	sdelay $0x1  }
0x178: {  	v36 =	vadd.f32 v37, v36;
	v37 =	vmul.f32 v38, v31;
	v38 =	vmul.f32 v40, v43;
	_ =	sdelay $0x1  }
0x179: {  	v36 =	vadd.f32 v37, v36;
	v37 =	vmul.f32 v38, v32;
	v34 =	vmul.f32 v35, v34;
	_ =	sdelay $0x1  }
0x17a: {  	v35 =	vadd.f32 v37, v36;
	v34 =	vmul.f32 v34, v33;
	_ =	sdelay $0x1  }
0x17b: {  	v34 =	vadd.f32 v34, v35  }
.Ltmp1:
0x17c: {  	(pc) =	sbr.rel @p0 .LBB2_4-.Ltmp1, $4  }
0x17d: {  	s31 =	sadd.s32 $0x10, s31;
	v34 =	vmax.f32 v34, $0.0e+00  }
0x17e: {  	s0 =	sadd.s32 $0x10, s0;
	[tilespmem:s31+$0x0] =	vst v34  }
0x17f: {  	s4 =	sadd.s32 $0x10, s4;
	v34 =	vld [tilespmem:s0+$0x0]  }
0x180: {  	s3 =	sadd.s32 $0x10, s3;
	v35 =	vld [tilespmem:s4+$0x0]  }
0x181: {  	_ =	sdelay $0x1  }
0x182: {  	v36 =	vmov s2  }
0x183: {  	v36 =	vshll.u32 v36, $0x7;
	v34 =	vshll.u32 v34, $0x4  }
0x184: {  	v36 =	vor.u32 v16, v36;
	v34 =	vand.u32 $0x70, v34;
	v35 =	vshll.u32 v35, $0x4  }
0x185: {  	v35 =	vand.u32 $0x70, v35;
	v34 =	vor.u32 v36, v34  }
0x186: {  	v35 =	vor.u32 v36, v35  }
0x187: {  	v57 =	vor.u32 $0x1, v34  }
0x188: {  	v38 =	vor.u32 $0x2, v34  }
0x189: {  	v37 =	vor.u32 $0x1, v35  }
0x18a: {  	v42 =	vor.u32 $0x3, v34;
	v39 =	vld.idx.msk [tilespmem:v34+s20+$0x0], $0xffff  }
0x18b: {  	v40 =	vor.u32 $0x2, v35;
	v41 =	vld.idx.msk [tilespmem:v35+s22+$0x0], $0xffff  }
0x18c: {  	v44 =	vor.u32 $0x4, v34;
	v36 =	vld.idx.msk [tilespmem:v57+s20+$0x0], $0xffff  }
0x18d: {  	v43 =	vor.u32 $0x3, v35;
	v38 =	vld.idx.msk [tilespmem:v38+s20+$0x0], $0xffff  }
0x18e: {  	v46 =	vor.u32 $0x5, v34;
	v37 =	vld.idx.msk [tilespmem:v37+s22+$0x0], $0xffff  }
0x18f: {  	v45 =	vor.u32 $0x4, v35;
	v42 =	vld.idx.msk [tilespmem:v42+s20+$0x0], $0xffff  }
0x190: {  	v47 =	vor.u32 $0x5, v35;
	v40 =	vld.idx.msk [tilespmem:v40+s22+$0x0], $0xffff  }
0x191: {  	v59 =	vor.u32 $0x6, v34;
	v44 =	vld.idx.msk [tilespmem:v44+s20+$0x0], $0xffff;
	v39 =	vmul.f32 v41, v39  }
0x192: {  	v48 =	vor.u32 $0x6, v35;
	v58 =	vld.idx.msk [tilespmem:v43+s22+$0x0], $0xffff  }
0x193: {  	v61 =	vor.u32 $0x7, v34;
	v46 =	vld.idx.msk [tilespmem:v46+s20+$0x0], $0xffff;
	v36 =	vmul.f32 v37, v36;
	v39 =	vmul.f32 v39, v22  }
0x194: {  	v49 =	vor.u32 $0x7, v35;
	v50 =	vor.u32 $0x8, v35;
	v60 =	vld.idx.msk [tilespmem:v45+s22+$0x0], $0xffff  }
0x195: {  	v47 =	vld.idx.msk [tilespmem:v47+s22+$0x0], $0xffff;
	v38 =	vmul.f32 v40, v38;
	v36 =	vmul.f32 v36, v18;
	v39 =	vadd.f32 v39, v17  }
0x196: {  	v62 =	vor.u32 $0x8, v34;
	v52 =	vor.u32 $0x9, v34;
	v43 =	vld.idx.msk [tilespmem:v59+s20+$0x0], $0xffff  }
0x197: {  	v53 =	vld.idx.msk [tilespmem:v48+s22+$0x0], $0xffff;
	v63 =	vmul.f32 v58, v42;
	v38 =	vmul.f32 v38, v19;
	v36 =	vadd.f32 v36, v39  }
0x198: {  	v56 =	vor.u32 $0xA, v34;
	v54 =	vor.u32 $0x9, v35;
	v45 =	vld.idx.msk [tilespmem:v61+s20+$0x0], $0xffff  }
0x199: {  	v57 =	vld.idx.msk [tilespmem:v49+s22+$0x0], $0xffff;
	v37 =	vmul.f32 v60, v44;
	v55 =	vmul.f32 v63, v20;
	v36 =	vadd.f32 v38, v36  }
0x19a: {  	v61 =	vld.idx.msk [tilespmem:v50+s22+$0x0], $0xffff;
	v58 =	vor.u32 $0xA, v35;
	v60 =	vor.u32 $0xB, v34  }
0x19b: {  	v40 =	vld.idx.msk [tilespmem:v62+s20+$0x0], $0xffff;
	v59 =	vmul.f32 v47, v46;
	v37 =	vmul.f32 v37, v21;
	v36 =	vadd.f32 v55, v36  }
0x19c: {  	v50 =	vor.u32 $0xB, v35;
	v41 =	vld.idx.msk [tilespmem:v52+s20+$0x0], $0xffff  }
0x19d: {  	v62 =	vmul.f32 v59, v23;
	v63 =	vmul.f32 v53, v43;
	v53 =	vld.idx.msk [tilespmem:v54+s22+$0x0], $0xffff;
	v36 =	vadd.f32 v37, v36  }
0x19e: {  	v48 =	vor.u32 $0xC, v35;
	v52 =	vor.u32 $0xC, v34;
	v39 =	vld.idx.msk [tilespmem:v56+s20+$0x0], $0xffff  }
0x19f: {  	v54 =	vmul.f32 v63, v24;
	v46 =	vld.idx.msk [tilespmem:v60+s20+$0x0], $0xffff;
	v55 =	vmul.f32 v57, v45;
	v36 =	vadd.f32 v62, v36  }
0x1a0: {  	v56 =	vor.u32 $0xD, v34;
	v60 =	vmul.f32 v61, v40;
	v57 =	vld.idx.msk [tilespmem:v58+s22+$0x0], $0xffff  }
0x1a1: {  	v58 =	vor.u32 $0xD, v35;
	v59 =	vmul.f32 v55, v25;
	v36 =	vadd.f32 v54, v36  }
0x1a2: {  	v63 =	vor.u32 $0xE, v35;
	v61 =	vor.u32 $0xE, v34;
	v62 =	vld.idx.msk [tilespmem:v50+s22+$0x0], $0xffff  }
0x1a3: {  	v42 =	vld.idx.msk [tilespmem:v52+s20+$0x0], $0xffff;
	v52 =	vmul.f32 v60, v26;
	v53 =	vmul.f32 v53, v41;
	v36 =	vadd.f32 v59, v36  }
0x1a4: {  	v34 =	vor.u32 $0xF, v34;
	v35 =	vor.u32 $0xF, v35;
	v54 =	vld.idx.msk [tilespmem:v48+s22+$0x0], $0xffff  }
0x1a5: {  	v55 =	vld.idx.msk [tilespmem:v56+s20+$0x0], $0xffff;
	v56 =	vmul.f32 v53, v27;
	v57 =	vmul.f32 v57, v39;
	v36 =	vadd.f32 v52, v36  }
0x1a6: {  	v58 =	vld.idx.msk [tilespmem:v58+s22+$0x0], $0xffff  }
0x1a7: {  	v40 =	vld.idx.msk [tilespmem:v61+s20+$0x0], $0xffff;
	v59 =	vmul.f32 v57, v28;
	v60 =	vmul.f32 v62, v46;
	v36 =	vadd.f32 v56, v36  }
0x1a8: {  	v61 =	vld.idx.msk [tilespmem:v63+s22+$0x0], $0xffff  }
0x1a9: {  	v34 =	vld.idx.msk [tilespmem:v34+s20+$0x0], $0xffff;
	v62 =	vmul.f32 v60, v29;
	v63 =	vmul.f32 v54, v42;
	v36 =	vadd.f32 v59, v36  }
0x1aa: {  	v35 =	vld.idx.msk [tilespmem:v35+s22+$0x0], $0xffff  }
0x1ab: {  	v42 =	vmul.f32 v58, v55;
	v41 =	vmul.f32 v63, v30;
	v36 =	vadd.f32 v62, v36;
	_ =	sdelay $0x1  }
0x1ac: {  	v45 =	vmul.f32 v61, v40;
	v43 =	vmul.f32 v42, v31;
	v36 =	vadd.f32 v41, v36;
	_ =	sdelay $0x1  }
0x1ad: {  	v46 =	vmul.f32 v45, v32;
	v34 =	vmul.f32 v35, v34;
	v36 =	vadd.f32 v43, v36;
	_ =	sdelay $0x1  }
0x1ae: {  	v34 =	vmul.f32 v34, v33;
	v47 =	vadd.f32 v46, v36;
	_ =	sdelay $0x1  }
0x1af: {  	v34 =	vadd.f32 v34, v47;
	_ =	sdelay $0x1  }
0x1b0: {  	s0 =	sadd.s32 $0x10, s31;
	v34 =	vmax.f32 v34, $0.0e+00  }
0x1b1: {  	[tilespmem:s0+$0x0] =	vst v34  }
0x1b2: {  	_ =	swait.ge [sflag:s18], $0x4000  }
0x1b3: {  	[sflag:s18] =	ssyncset.done $0x0  }
0x1b4: {  	[sflag:s18] =	ssyncadd.s32 $0xFFFFC000  }
0x1b5: {  	_ =	swait.ge [sflag:s18], $0x4000  }
0x1b6: {  	[sflag:s18] =	ssyncset.done $0x0  }
0x1b7: {  	[sflag:s18] =	ssyncadd.s32 $0xFFFFC000  }
0x1b8: {  	[tilespmem:s20], [sflag:$0x2] =	stream.indirect.gather [hbm4b:s1+s13], $0x80, s26, s13, $0xb8;
	[tilespmem:$0x10B00] =	vst v63  }
0x1b9: {  	s2 =	simm.s32 $0x100  }
0x1ba: {  	[tilespmem:s22], [sflag:$0x2] =	stream.indirect.gather [hbm4b:s1+s13], $0x80, s28, s13, $0xb8;
	[tilespmem:$0x10B00] =	vst v63  }
0x1bb: {  	s3 =	simm.s32 $0x300;
	v48 =	vld [tilespmem:s2+$0x0]  }
0x1bc: {  	v49 =	vld [tilespmem:s3+$0x0];
	_ =	sdelay $0x1  }
0x1bd: {  	s4 =	simm.s32 $0x0  }
0x1be: {  	v50 =	vmov s4  }
0x1bf: {  	v36 =	vshll.u32 v50, $0x7;
	v34 =	vshll.u32 v48, $0x4  }
0x1c0: {  	v36 =	vor.u32 v16, v36;
	v35 =	vshll.u32 v49, $0x4;
	v34 =	vand.u32 $0x70, v34  }
0x1c1: {  	v35 =	vand.u32 $0x70, v35;
	v34 =	vor.u32 v36, v34  }
0x1c2: {  	v35 =	vor.u32 v36, v35  }
0x1c3: {  	v51 =	vor.u32 $0x1, v34  }
0x1c4: {  	v52 =	vor.u32 $0x1, v35  }
0x1c5: {  	v53 =	vor.u32 $0x2, v34  }
0x1c6: {  	v55 =	vor.u32 $0x2, v35;
	v54 =	vld.idx.msk [tilespmem:v34+s15+$0x0], $0xffff  }
0x1c7: {  	v57 =	vor.u32 $0x3, v34;
	v56 =	vld.idx.msk [tilespmem:v35+s17+$0x0], $0xffff  }
0x1c8: {  	v58 =	vor.u32 $0x3, v35;
	v36 =	vld.idx.msk [tilespmem:v51+s15+$0x0], $0xffff  }
0x1c9: {  	v59 =	vor.u32 $0x4, v34;
	v37 =	vld.idx.msk [tilespmem:v52+s17+$0x0], $0xffff  }
0x1ca: {  	v61 =	vor.u32 $0x5, v34;
	v38 =	vld.idx.msk [tilespmem:v53+s15+$0x0], $0xffff  }
0x1cb: {  	v60 =	vor.u32 $0x4, v35;
	v40 =	vld.idx.msk [tilespmem:v55+s17+$0x0], $0xffff  }
0x1cc: {  	v62 =	vor.u32 $0x5, v35;
	v42 =	vld.idx.msk [tilespmem:v57+s15+$0x0], $0xffff  }
0x1cd: {  	v63 =	vld.idx.msk [tilespmem:v58+s17+$0x0], $0xffff;
	v39 =	vmul.f32 v56, v54  }
0x1ce: {  	v52 =	vor.u32 $0x6, v34;
	v44 =	vld.idx.msk [tilespmem:v59+s15+$0x0], $0xffff  }
0x1cf: {  	v53 =	vor.u32 $0x6, v35;
	v46 =	vld.idx.msk [tilespmem:v61+s15+$0x0], $0xffff;
	v36 =	vmul.f32 v37, v36;
	v39 =	vmul.f32 v39, v22  }
0x1d0: {  	v55 =	vor.u32 $0x7, v34;
	v54 =	vld.idx.msk [tilespmem:v60+s17+$0x0], $0xffff;
	v56 =	vor.u32 $0x7, v35  }
0x1d1: {  	v47 =	vld.idx.msk [tilespmem:v62+s17+$0x0], $0xffff;
	v38 =	vmul.f32 v40, v38;
	v36 =	vmul.f32 v36, v18;
	v39 =	vadd.f32 v39, v17  }
0x1d2: {  	v57 =	vor.u32 $0x8, v34;
	v58 =	vor.u32 $0x8, v35  }
0x1d3: {  	v43 =	vld.idx.msk [tilespmem:v52+s15+$0x0], $0xffff;
	v59 =	vmul.f32 v63, v42;
	v38 =	vmul.f32 v38, v19;
	v36 =	vadd.f32 v36, v39  }
0x1d4: {  	v62 =	vor.u32 $0x9, v35;
	v60 =	vor.u32 $0x9, v34;
	v61 =	vld.idx.msk [tilespmem:v53+s17+$0x0], $0xffff  }
0x1d5: {  	v45 =	vld.idx.msk [tilespmem:v55+s15+$0x0], $0xffff;
	v63 =	vmul.f32 v59, v20;
	v37 =	vmul.f32 v54, v44;
	v36 =	vadd.f32 v38, v36  }
0x1d6: {  	v52 =	vor.u32 $0xA, v34;
	v55 =	vmul.f32 v47, v46;
	v53 =	vld.idx.msk [tilespmem:v56+s17+$0x0], $0xffff  }
0x1d7: {  	v40 =	vld.idx.msk [tilespmem:v57+s15+$0x0], $0xffff;
	v54 =	vor.u32 $0xA, v35;
	v37 =	vmul.f32 v37, v21;
	v36 =	vadd.f32 v63, v36  }
0x1d8: {  	v50 =	vor.u32 $0xB, v35;
	v57 =	vld.idx.msk [tilespmem:v58+s17+$0x0], $0xffff;
	v56 =	vor.u32 $0xB, v34  }
0x1d9: {  	v58 =	vmul.f32 v55, v23;
	v41 =	vld.idx.msk [tilespmem:v60+s15+$0x0], $0xffff;
	v59 =	vmul.f32 v61, v43;
	v36 =	vadd.f32 v37, v36  }
0x1da: {  	v48 =	vor.u32 $0xC, v35;
	v60 =	vor.u32 $0xC, v34;
	v61 =	vld.idx.msk [tilespmem:v62+s17+$0x0], $0xffff  }
0x1db: {  	v39 =	vld.idx.msk [tilespmem:v52+s15+$0x0], $0xffff;
	v62 =	vmul.f32 v59, v24;
	v63 =	vmul.f32 v53, v45;
	v36 =	vadd.f32 v58, v36  }
0x1dc: {  	v52 =	vor.u32 $0xD, v34;
	v53 =	vld.idx.msk [tilespmem:v54+s17+$0x0], $0xffff;
	v54 =	vor.u32 $0xD, v35  }
0x1dd: {  	v46 =	vld.idx.msk [tilespmem:v56+s15+$0x0], $0xffff;
	v56 =	vmul.f32 v57, v40;
	v55 =	vmul.f32 v63, v25;
	v36 =	vadd.f32 v62, v36  }
0x1de: {  	v59 =	vor.u32 $0xE, v35;
	v57 =	vor.u32 $0xE, v34;
	v58 =	vld.idx.msk [tilespmem:v50+s17+$0x0], $0xffff  }
0x1df: {  	v42 =	vld.idx.msk [tilespmem:v60+s15+$0x0], $0xffff;
	v61 =	vmul.f32 v61, v41;
	v60 =	vmul.f32 v56, v26;
	v36 =	vadd.f32 v55, v36  }
0x1e0: {  	v34 =	vor.u32 $0xF, v34;
	v35 =	vor.u32 $0xF, v35;
	v62 =	vld.idx.msk [tilespmem:v48+s17+$0x0], $0xffff  }
0x1e1: {  	v63 =	vld.idx.msk [tilespmem:v52+s15+$0x0], $0xffff;
	v51 =	vmul.f32 v53, v39;
	v48 =	vmul.f32 v61, v27;
	v36 =	vadd.f32 v60, v36  }
0x1e2: {  	v52 =	vld.idx.msk [tilespmem:v54+s17+$0x0], $0xffff  }
0x1e3: {  	v40 =	vld.idx.msk [tilespmem:v57+s15+$0x0], $0xffff;
	v53 =	vmul.f32 v51, v28;
	v54 =	vmul.f32 v58, v46;
	v36 =	vadd.f32 v48, v36  }
0x1e4: {  	v55 =	vld.idx.msk [tilespmem:v59+s17+$0x0], $0xffff  }
0x1e5: {  	v34 =	vld.idx.msk [tilespmem:v34+s15+$0x0], $0xffff;
	v56 =	vmul.f32 v54, v29;
	v57 =	vmul.f32 v62, v42;
	v36 =	vadd.f32 v53, v36  }
0x1e6: {  	v35 =	vld.idx.msk [tilespmem:v35+s17+$0x0], $0xffff  }
0x1e7: {  	v59 =	vmul.f32 v52, v63;
	v58 =	vmul.f32 v57, v30;
	v36 =	vadd.f32 v56, v36;
	_ =	sdelay $0x1  }
0x1e8: {  	v60 =	vmul.f32 v59, v31;
	v61 =	vmul.f32 v55, v40;
	v36 =	vadd.f32 v58, v36;
	_ =	sdelay $0x1  }
0x1e9: {  	v34 =	vmul.f32 v35, v34;
	v62 =	vmul.f32 v61, v32;
	v36 =	vadd.f32 v60, v36;
	_ =	sdelay $0x1  }
0x1ea: {  	v34 =	vmul.f32 v34, v33;
	v63 =	vadd.f32 v62, v36;
	_ =	sdelay $0x1  }
0x1eb: {  	v34 =	vadd.f32 v34, v63;
	_ =	sdelay $0x1  }
0x1ec: {  	s31 =	simm.s32 $0x10A00;
	v34 =	vmax.f32 v34, $0.0e+00  }
0x1ed: {  	s0 =	simm.s32 $0x110;
	[tilespmem:s31+$0x0] =	vst v34  }
0x1ee: {  	s4 =	simm.s32 $0x310;
	v34 =	vld [tilespmem:s0+$0x0]  }
0x1ef: {  	s2 =	simm.s32 $0x10;
	s3 =	simm.s32 $0x20;
	v35 =	vld [tilespmem:s4+$0x0]  }
.LBB2_6:
0x1f0: {  	p0 =	sne.s32 s3, $0x70;
	_ =	sdelay $0x1  }
0x1f1: {  	v36 =	vmov s2;
	s2 =	smov.u32 s3  }
0x1f2: {  	v36 =	vshll.u32 v36, $0x7;
	v34 =	vshll.u32 v34, $0x4  }
0x1f3: {  	v36 =	vor.u32 v16, v36;
	v34 =	vand.u32 $0x70, v34;
	v35 =	vshll.u32 v35, $0x4  }
0x1f4: {  	v35 =	vand.u32 $0x70, v35;
	v34 =	vor.u32 v36, v34  }
0x1f5: {  	v35 =	vor.u32 v36, v35  }
0x1f6: {  	v36 =	vor.u32 $0x1, v34  }
0x1f7: {  	v37 =	vor.u32 $0x1, v35  }
0x1f8: {  	v38 =	vor.u32 $0x2, v34  }
0x1f9: {  	v40 =	vor.u32 $0x2, v35;
	v39 =	vld.idx.msk [tilespmem:v34+s15+$0x0], $0xffff  }
0x1fa: {  	v42 =	vor.u32 $0x3, v34;
	v41 =	vld.idx.msk [tilespmem:v35+s17+$0x0], $0xffff  }
0x1fb: {  	v43 =	vor.u32 $0x3, v35;
	v36 =	vld.idx.msk [tilespmem:v36+s15+$0x0], $0xffff  }
0x1fc: {  	v44 =	vor.u32 $0x4, v34;
	v37 =	vld.idx.msk [tilespmem:v37+s17+$0x0], $0xffff  }
0x1fd: {  	v45 =	vor.u32 $0x4, v35;
	v38 =	vld.idx.msk [tilespmem:v38+s15+$0x0], $0xffff  }
0x1fe: {  	v46 =	vor.u32 $0x5, v34;
	v40 =	vld.idx.msk [tilespmem:v40+s17+$0x0], $0xffff  }
0x1ff: {  	v47 =	vor.u32 $0x5, v35;
	v42 =	vld.idx.msk [tilespmem:v42+s15+$0x0], $0xffff  }
0x200: {  	v39 =	vmul.f32 v41, v39;
	v41 =	vld.idx.msk [tilespmem:v43+s17+$0x0], $0xffff;
	v43 =	vor.u32 $0x6, v34  }
0x201: {  	v48 =	vor.u32 $0x6, v35;
	v44 =	vld.idx.msk [tilespmem:v44+s15+$0x0], $0xffff  }
0x202: {  	v39 =	vmul.f32 v39, v22;
	v36 =	vmul.f32 v37, v36;
	v37 =	vld.idx.msk [tilespmem:v45+s17+$0x0], $0xffff;
	v45 =	vor.u32 $0x7, v34  }
0x203: {  	v50 =	vor.u32 $0x8, v34;
	v49 =	vor.u32 $0x7, v35;
	v46 =	vld.idx.msk [tilespmem:v46+s15+$0x0], $0xffff  }
0x204: {  	v39 =	vadd.f32 v39, v17;
	v36 =	vmul.f32 v36, v18;
	v38 =	vmul.f32 v40, v38;
	v40 =	vld.idx.msk [tilespmem:v47+s17+$0x0], $0xffff  }
0x205: {  	v51 =	vor.u32 $0x9, v34;
	v47 =	vor.u32 $0x8, v35;
	v43 =	vld.idx.msk [tilespmem:v43+s15+$0x0], $0xffff  }
0x206: {  	v36 =	vadd.f32 v36, v39;
	v38 =	vmul.f32 v38, v19;
	v39 =	vmul.f32 v41, v42;
	v41 =	vld.idx.msk [tilespmem:v48+s17+$0x0], $0xffff  }
0x207: {  	v48 =	vor.u32 $0xA, v34;
	v42 =	vld.idx.msk [tilespmem:v45+s15+$0x0], $0xffff;
	v45 =	vor.u32 $0x9, v35  }
0x208: {  	v36 =	vadd.f32 v38, v36;
	v38 =	vmul.f32 v39, v20;
	v37 =	vmul.f32 v37, v44;
	v39 =	vld.idx.msk [tilespmem:v49+s17+$0x0], $0xffff  }
0x209: {  	v49 =	vor.u32 $0xA, v35;
	v44 =	vld.idx.msk [tilespmem:v50+s15+$0x0], $0xffff;
	v50 =	vor.u32 $0xB, v34  }
0x20a: {  	v36 =	vadd.f32 v38, v36;
	v37 =	vmul.f32 v37, v21;
	v38 =	vmul.f32 v40, v46;
	v40 =	vld.idx.msk [tilespmem:v47+s17+$0x0], $0xffff  }
0x20b: {  	v47 =	vor.u32 $0xB, v35;
	v46 =	vld.idx.msk [tilespmem:v51+s15+$0x0], $0xffff;
	v51 =	vor.u32 $0xC, v34  }
0x20c: {  	v36 =	vadd.f32 v37, v36;
	v37 =	vmul.f32 v38, v23;
	v38 =	vmul.f32 v41, v43;
	v41 =	vld.idx.msk [tilespmem:v45+s17+$0x0], $0xffff  }
0x20d: {  	v45 =	vor.u32 $0xC, v35;
	v43 =	vld.idx.msk [tilespmem:v48+s15+$0x0], $0xffff;
	v48 =	vor.u32 $0xD, v34  }
0x20e: {  	v36 =	vadd.f32 v37, v36;
	v37 =	vmul.f32 v38, v24;
	v38 =	vmul.f32 v39, v42;
	v39 =	vld.idx.msk [tilespmem:v49+s17+$0x0], $0xffff  }
0x20f: {  	v49 =	vor.u32 $0xD, v35;
	v42 =	vld.idx.msk [tilespmem:v50+s15+$0x0], $0xffff;
	v50 =	vor.u32 $0xE, v34  }
0x210: {  	v36 =	vadd.f32 v37, v36;
	v37 =	vmul.f32 v38, v25;
	v38 =	vmul.f32 v40, v44;
	v40 =	vld.idx.msk [tilespmem:v47+s17+$0x0], $0xffff  }
0x211: {  	v34 =	vor.u32 $0xF, v34;
	v47 =	vor.u32 $0xE, v35;
	v44 =	vld.idx.msk [tilespmem:v51+s15+$0x0], $0xffff  }
0x212: {  	v36 =	vadd.f32 v37, v36;
	v37 =	vmul.f32 v38, v26;
	v38 =	vmul.f32 v41, v46;
	v41 =	vld.idx.msk [tilespmem:v45+s17+$0x0], $0xffff  }
0x213: {  	v35 =	vor.u32 $0xF, v35;
	v45 =	vld.idx.msk [tilespmem:v48+s15+$0x0], $0xffff  }
0x214: {  	v36 =	vadd.f32 v37, v36;
	v37 =	vmul.f32 v38, v27;
	v38 =	vmul.f32 v39, v43;
	v39 =	vld.idx.msk [tilespmem:v49+s17+$0x0], $0xffff  }
0x215: {  	v43 =	vld.idx.msk [tilespmem:v50+s15+$0x0], $0xffff  }
0x216: {  	v36 =	vadd.f32 v37, v36;
	v37 =	vmul.f32 v38, v28;
	v38 =	vmul.f32 v40, v42;
	v40 =	vld.idx.msk [tilespmem:v47+s17+$0x0], $0xffff  }
0x217: {  	v34 =	vld.idx.msk [tilespmem:v34+s15+$0x0], $0xffff  }
0x218: {  	v36 =	vadd.f32 v37, v36;
	v37 =	vmul.f32 v38, v29;
	v38 =	vmul.f32 v41, v44;
	v35 =	vld.idx.msk [tilespmem:v35+s17+$0x0], $0xffff;
	_ =	sdelay $0x1  }
0x219: {  	v36 =	vadd.f32 v37, v36;
	v37 =	vmul.f32 v38, v30;
	v38 =	vmul.f32 v39, v45;
	_ =	sdelay $0x1  }
0x21a: {  	v36 =	vadd.f32 v37, v36;
	v37 =	vmul.f32 v38, v31;
	v38 =	vmul.f32 v40, v43;
	_ =	sdelay $0x1  }
0x21b: {  	v36 =	vadd.f32 v37, v36;
	v37 =	vmul.f32 v38, v32;
	v34 =	vmul.f32 v35, v34;
	_ =	sdelay $0x1  }
0x21c: {  	v35 =	vadd.f32 v37, v36;
	v34 =	vmul.f32 v34, v33;
	_ =	sdelay $0x1  }
0x21d: {  	v34 =	vadd.f32 v34, v35  }
.Ltmp2:
0x21e: {  	(pc) =	sbr.rel @p0 .LBB2_6-.Ltmp2, $4  }
0x21f: {  	s31 =	sadd.s32 $0x10, s31;
	v34 =	vmax.f32 v34, $0.0e+00  }
0x220: {  	s0 =	sadd.s32 $0x10, s0;
	[tilespmem:s31+$0x0] =	vst v34  }
0x221: {  	s4 =	sadd.s32 $0x10, s4;
	v34 =	vld [tilespmem:s0+$0x0]  }
0x222: {  	s3 =	sadd.s32 $0x10, s3;
	v35 =	vld [tilespmem:s4+$0x0]  }
0x223: {  	_ =	sdelay $0x1  }
0x224: {  	v36 =	vmov s2  }
0x225: {  	v36 =	vshll.u32 v36, $0x7;
	v34 =	vshll.u32 v34, $0x4  }
0x226: {  	v36 =	vor.u32 v16, v36;
	v34 =	vand.u32 $0x70, v34;
	v35 =	vshll.u32 v35, $0x4  }
0x227: {  	v35 =	vand.u32 $0x70, v35;
	v34 =	vor.u32 v36, v34  }
0x228: {  	v35 =	vor.u32 v36, v35  }
0x229: {  	v57 =	vor.u32 $0x1, v34  }
0x22a: {  	v38 =	vor.u32 $0x2, v34  }
0x22b: {  	v37 =	vor.u32 $0x1, v35  }
0x22c: {  	v42 =	vor.u32 $0x3, v34;
	v39 =	vld.idx.msk [tilespmem:v34+s15+$0x0], $0xffff  }
0x22d: {  	v40 =	vor.u32 $0x2, v35;
	v41 =	vld.idx.msk [tilespmem:v35+s17+$0x0], $0xffff  }
0x22e: {  	v44 =	vor.u32 $0x4, v34;
	v36 =	vld.idx.msk [tilespmem:v57+s15+$0x0], $0xffff  }
0x22f: {  	v43 =	vor.u32 $0x3, v35;
	v38 =	vld.idx.msk [tilespmem:v38+s15+$0x0], $0xffff  }
0x230: {  	v46 =	vor.u32 $0x5, v34;
	v37 =	vld.idx.msk [tilespmem:v37+s17+$0x0], $0xffff  }
0x231: {  	v45 =	vor.u32 $0x4, v35;
	v42 =	vld.idx.msk [tilespmem:v42+s15+$0x0], $0xffff  }
0x232: {  	v47 =	vor.u32 $0x5, v35;
	v40 =	vld.idx.msk [tilespmem:v40+s17+$0x0], $0xffff  }
0x233: {  	v59 =	vor.u32 $0x6, v34;
	v44 =	vld.idx.msk [tilespmem:v44+s15+$0x0], $0xffff;
	v39 =	vmul.f32 v41, v39  }
0x234: {  	v48 =	vor.u32 $0x6, v35;
	v58 =	vld.idx.msk [tilespmem:v43+s17+$0x0], $0xffff  }
0x235: {  	v61 =	vor.u32 $0x7, v34;
	v46 =	vld.idx.msk [tilespmem:v46+s15+$0x0], $0xffff;
	v36 =	vmul.f32 v37, v36;
	v39 =	vmul.f32 v39, v22  }
0x236: {  	v49 =	vor.u32 $0x7, v35;
	v50 =	vor.u32 $0x8, v35;
	v60 =	vld.idx.msk [tilespmem:v45+s17+$0x0], $0xffff  }
0x237: {  	v47 =	vld.idx.msk [tilespmem:v47+s17+$0x0], $0xffff;
	v38 =	vmul.f32 v40, v38;
	v36 =	vmul.f32 v36, v18;
	v39 =	vadd.f32 v39, v17  }
0x238: {  	v62 =	vor.u32 $0x8, v34;
	v52 =	vor.u32 $0x9, v34;
	v43 =	vld.idx.msk [tilespmem:v59+s15+$0x0], $0xffff  }
0x239: {  	v53 =	vld.idx.msk [tilespmem:v48+s17+$0x0], $0xffff;
	v63 =	vmul.f32 v58, v42;
	v38 =	vmul.f32 v38, v19;
	v36 =	vadd.f32 v36, v39  }
0x23a: {  	v56 =	vor.u32 $0xA, v34;
	v54 =	vor.u32 $0x9, v35;
	v45 =	vld.idx.msk [tilespmem:v61+s15+$0x0], $0xffff  }
0x23b: {  	v57 =	vld.idx.msk [tilespmem:v49+s17+$0x0], $0xffff;
	v37 =	vmul.f32 v60, v44;
	v55 =	vmul.f32 v63, v20;
	v36 =	vadd.f32 v38, v36  }
0x23c: {  	v61 =	vld.idx.msk [tilespmem:v50+s17+$0x0], $0xffff;
	v58 =	vor.u32 $0xA, v35;
	v60 =	vor.u32 $0xB, v34  }
0x23d: {  	v40 =	vld.idx.msk [tilespmem:v62+s15+$0x0], $0xffff;
	v59 =	vmul.f32 v47, v46;
	v37 =	vmul.f32 v37, v21;
	v36 =	vadd.f32 v55, v36  }
0x23e: {  	v50 =	vor.u32 $0xB, v35;
	v41 =	vld.idx.msk [tilespmem:v52+s15+$0x0], $0xffff  }
0x23f: {  	v62 =	vmul.f32 v59, v23;
	v63 =	vmul.f32 v53, v43;
	v53 =	vld.idx.msk [tilespmem:v54+s17+$0x0], $0xffff;
	v36 =	vadd.f32 v37, v36  }
0x240: {  	v48 =	vor.u32 $0xC, v35;
	v52 =	vor.u32 $0xC, v34;
	v39 =	vld.idx.msk [tilespmem:v56+s15+$0x0], $0xffff  }
0x241: {  	v54 =	vmul.f32 v63, v24;
	v46 =	vld.idx.msk [tilespmem:v60+s15+$0x0], $0xffff;
	v55 =	vmul.f32 v57, v45;
	v36 =	vadd.f32 v62, v36  }
0x242: {  	v56 =	vor.u32 $0xD, v34;
	v60 =	vmul.f32 v61, v40;
	v57 =	vld.idx.msk [tilespmem:v58+s17+$0x0], $0xffff  }
0x243: {  	v58 =	vor.u32 $0xD, v35;
	v59 =	vmul.f32 v55, v25;
	v36 =	vadd.f32 v54, v36  }
0x244: {  	v63 =	vor.u32 $0xE, v35;
	v61 =	vor.u32 $0xE, v34;
	v62 =	vld.idx.msk [tilespmem:v50+s17+$0x0], $0xffff  }
0x245: {  	v42 =	vld.idx.msk [tilespmem:v52+s15+$0x0], $0xffff;
	v52 =	vmul.f32 v60, v26;
	v53 =	vmul.f32 v53, v41;
	v36 =	vadd.f32 v59, v36  }
0x246: {  	v34 =	vor.u32 $0xF, v34;
	v35 =	vor.u32 $0xF, v35;
	v54 =	vld.idx.msk [tilespmem:v48+s17+$0x0], $0xffff  }
0x247: {  	v55 =	vld.idx.msk [tilespmem:v56+s15+$0x0], $0xffff;
	v56 =	vmul.f32 v53, v27;
	v57 =	vmul.f32 v57, v39;
	v36 =	vadd.f32 v52, v36  }
0x248: {  	v58 =	vld.idx.msk [tilespmem:v58+s17+$0x0], $0xffff  }
0x249: {  	v40 =	vld.idx.msk [tilespmem:v61+s15+$0x0], $0xffff;
	v59 =	vmul.f32 v57, v28;
	v60 =	vmul.f32 v62, v46;
	v36 =	vadd.f32 v56, v36  }
0x24a: {  	v61 =	vld.idx.msk [tilespmem:v63+s17+$0x0], $0xffff  }
0x24b: {  	v34 =	vld.idx.msk [tilespmem:v34+s15+$0x0], $0xffff;
	v62 =	vmul.f32 v60, v29;
	v63 =	vmul.f32 v54, v42;
	v36 =	vadd.f32 v59, v36  }
0x24c: {  	v35 =	vld.idx.msk [tilespmem:v35+s17+$0x0], $0xffff  }
0x24d: {  	v42 =	vmul.f32 v58, v55;
	v41 =	vmul.f32 v63, v30;
	v36 =	vadd.f32 v62, v36;
	_ =	sdelay $0x1  }
0x24e: {  	v45 =	vmul.f32 v61, v40;
	v43 =	vmul.f32 v42, v31;
	v36 =	vadd.f32 v41, v36;
	_ =	sdelay $0x1  }
0x24f: {  	v46 =	vmul.f32 v45, v32;
	v34 =	vmul.f32 v35, v34;
	v36 =	vadd.f32 v43, v36;
	_ =	sdelay $0x1  }
0x250: {  	v34 =	vmul.f32 v34, v33;
	v47 =	vadd.f32 v46, v36;
	_ =	sdelay $0x1  }
0x251: {  	v34 =	vadd.f32 v34, v47;
	_ =	sdelay $0x1  }
0x252: {  	s0 =	sadd.s32 $0x10, s31;
	v34 =	vmax.f32 v34, $0.0e+00  }
0x253: {  	[tilespmem:s0+$0x0] =	vst v34  }
0x254: {  	_ =	swait.ge [sflag:s23], $0x4000  }
0x255: {  	[sflag:s23] =	ssyncset.done $0x0  }
0x256: {  	[sflag:s23] =	ssyncadd.s32 $0xFFFFC000  }
0x257: {  	_ =	swait.ge [sflag:s23], $0x4000  }
0x258: {  	[sflag:s23] =	ssyncset.done $0x0  }
0x259: {  	s2 =	simm.s32 $0x180;
	[sflag:s23] =	ssyncadd.s32 $0xFFFFC000  }
0x25a: {  	s3 =	simm.s32 $0x380;
	v48 =	vld [tilespmem:s2+$0x0]  }
0x25b: {  	v49 =	vld [tilespmem:s3+$0x0];
	_ =	sdelay $0x1  }
0x25c: {  	s4 =	simm.s32 $0x0  }
0x25d: {  	v50 =	vmov s4  }
0x25e: {  	v36 =	vshll.u32 v50, $0x7;
	v34 =	vshll.u32 v48, $0x4  }
0x25f: {  	v36 =	vor.u32 v16, v36;
	v35 =	vshll.u32 v49, $0x4;
	v34 =	vand.u32 $0x70, v34  }
0x260: {  	v35 =	vand.u32 $0x70, v35;
	v34 =	vor.u32 v36, v34  }
0x261: {  	v35 =	vor.u32 v36, v35  }
0x262: {  	v51 =	vor.u32 $0x1, v34  }
0x263: {  	v52 =	vor.u32 $0x1, v35  }
0x264: {  	v53 =	vor.u32 $0x2, v34  }
0x265: {  	v55 =	vor.u32 $0x2, v35;
	v54 =	vld.idx.msk [tilespmem:v34+s20+$0x0], $0xffff  }
0x266: {  	v57 =	vor.u32 $0x3, v34;
	v56 =	vld.idx.msk [tilespmem:v35+s22+$0x0], $0xffff  }
0x267: {  	v58 =	vor.u32 $0x3, v35;
	v36 =	vld.idx.msk [tilespmem:v51+s20+$0x0], $0xffff  }
0x268: {  	v59 =	vor.u32 $0x4, v34;
	v37 =	vld.idx.msk [tilespmem:v52+s22+$0x0], $0xffff  }
0x269: {  	v61 =	vor.u32 $0x5, v34;
	v38 =	vld.idx.msk [tilespmem:v53+s20+$0x0], $0xffff  }
0x26a: {  	v60 =	vor.u32 $0x4, v35;
	v40 =	vld.idx.msk [tilespmem:v55+s22+$0x0], $0xffff  }
0x26b: {  	v62 =	vor.u32 $0x5, v35;
	v42 =	vld.idx.msk [tilespmem:v57+s20+$0x0], $0xffff  }
0x26c: {  	v63 =	vld.idx.msk [tilespmem:v58+s22+$0x0], $0xffff;
	v39 =	vmul.f32 v56, v54  }
0x26d: {  	v52 =	vor.u32 $0x6, v34;
	v44 =	vld.idx.msk [tilespmem:v59+s20+$0x0], $0xffff  }
0x26e: {  	v53 =	vor.u32 $0x6, v35;
	v46 =	vld.idx.msk [tilespmem:v61+s20+$0x0], $0xffff;
	v36 =	vmul.f32 v37, v36;
	v39 =	vmul.f32 v39, v22  }
0x26f: {  	v55 =	vor.u32 $0x7, v34;
	v54 =	vld.idx.msk [tilespmem:v60+s22+$0x0], $0xffff;
	v56 =	vor.u32 $0x7, v35  }
0x270: {  	v47 =	vld.idx.msk [tilespmem:v62+s22+$0x0], $0xffff;
	v38 =	vmul.f32 v40, v38;
	v36 =	vmul.f32 v36, v18;
	v39 =	vadd.f32 v39, v17  }
0x271: {  	v57 =	vor.u32 $0x8, v34;
	v58 =	vor.u32 $0x8, v35  }
0x272: {  	v43 =	vld.idx.msk [tilespmem:v52+s20+$0x0], $0xffff;
	v59 =	vmul.f32 v63, v42;
	v38 =	vmul.f32 v38, v19;
	v36 =	vadd.f32 v36, v39  }
0x273: {  	v62 =	vor.u32 $0x9, v35;
	v60 =	vor.u32 $0x9, v34;
	v61 =	vld.idx.msk [tilespmem:v53+s22+$0x0], $0xffff  }
0x274: {  	v45 =	vld.idx.msk [tilespmem:v55+s20+$0x0], $0xffff;
	v63 =	vmul.f32 v59, v20;
	v37 =	vmul.f32 v54, v44;
	v36 =	vadd.f32 v38, v36  }
0x275: {  	v52 =	vor.u32 $0xA, v34;
	v55 =	vmul.f32 v47, v46;
	v53 =	vld.idx.msk [tilespmem:v56+s22+$0x0], $0xffff  }
0x276: {  	v40 =	vld.idx.msk [tilespmem:v57+s20+$0x0], $0xffff;
	v54 =	vor.u32 $0xA, v35;
	v37 =	vmul.f32 v37, v21;
	v36 =	vadd.f32 v63, v36  }
0x277: {  	v50 =	vor.u32 $0xB, v35;
	v57 =	vld.idx.msk [tilespmem:v58+s22+$0x0], $0xffff;
	v56 =	vor.u32 $0xB, v34  }
0x278: {  	v58 =	vmul.f32 v55, v23;
	v41 =	vld.idx.msk [tilespmem:v60+s20+$0x0], $0xffff;
	v59 =	vmul.f32 v61, v43;
	v36 =	vadd.f32 v37, v36  }
0x279: {  	v48 =	vor.u32 $0xC, v35;
	v60 =	vor.u32 $0xC, v34;
	v61 =	vld.idx.msk [tilespmem:v62+s22+$0x0], $0xffff  }
0x27a: {  	v39 =	vld.idx.msk [tilespmem:v52+s20+$0x0], $0xffff;
	v62 =	vmul.f32 v59, v24;
	v63 =	vmul.f32 v53, v45;
	v36 =	vadd.f32 v58, v36  }
0x27b: {  	v52 =	vor.u32 $0xD, v34;
	v53 =	vld.idx.msk [tilespmem:v54+s22+$0x0], $0xffff;
	v54 =	vor.u32 $0xD, v35  }
0x27c: {  	v46 =	vld.idx.msk [tilespmem:v56+s20+$0x0], $0xffff;
	v56 =	vmul.f32 v57, v40;
	v55 =	vmul.f32 v63, v25;
	v36 =	vadd.f32 v62, v36  }
0x27d: {  	v59 =	vor.u32 $0xE, v35;
	v57 =	vor.u32 $0xE, v34;
	v58 =	vld.idx.msk [tilespmem:v50+s22+$0x0], $0xffff  }
0x27e: {  	v42 =	vld.idx.msk [tilespmem:v60+s20+$0x0], $0xffff;
	v61 =	vmul.f32 v61, v41;
	v60 =	vmul.f32 v56, v26;
	v36 =	vadd.f32 v55, v36  }
0x27f: {  	v34 =	vor.u32 $0xF, v34;
	v35 =	vor.u32 $0xF, v35;
	v62 =	vld.idx.msk [tilespmem:v48+s22+$0x0], $0xffff  }
0x280: {  	v63 =	vld.idx.msk [tilespmem:v52+s20+$0x0], $0xffff;
	v51 =	vmul.f32 v53, v39;
	v48 =	vmul.f32 v61, v27;
	v36 =	vadd.f32 v60, v36  }
0x281: {  	v52 =	vld.idx.msk [tilespmem:v54+s22+$0x0], $0xffff  }
0x282: {  	v40 =	vld.idx.msk [tilespmem:v57+s20+$0x0], $0xffff;
	v53 =	vmul.f32 v51, v28;
	v54 =	vmul.f32 v58, v46;
	v36 =	vadd.f32 v48, v36  }
0x283: {  	v55 =	vld.idx.msk [tilespmem:v59+s22+$0x0], $0xffff  }
0x284: {  	v34 =	vld.idx.msk [tilespmem:v34+s20+$0x0], $0xffff;
	v56 =	vmul.f32 v54, v29;
	v57 =	vmul.f32 v62, v42;
	v36 =	vadd.f32 v53, v36  }
0x285: {  	v35 =	vld.idx.msk [tilespmem:v35+s22+$0x0], $0xffff  }
0x286: {  	v59 =	vmul.f32 v52, v63;
	v58 =	vmul.f32 v57, v30;
	v36 =	vadd.f32 v56, v36;
	_ =	sdelay $0x1  }
0x287: {  	v60 =	vmul.f32 v59, v31;
	v61 =	vmul.f32 v55, v40;
	v36 =	vadd.f32 v58, v36;
	_ =	sdelay $0x1  }
0x288: {  	v34 =	vmul.f32 v35, v34;
	v62 =	vmul.f32 v61, v32;
	v36 =	vadd.f32 v60, v36;
	_ =	sdelay $0x1  }
0x289: {  	v34 =	vmul.f32 v34, v33;
	v63 =	vadd.f32 v62, v36;
	_ =	sdelay $0x1  }
0x28a: {  	v34 =	vadd.f32 v34, v63;
	_ =	sdelay $0x1  }
0x28b: {  	s31 =	simm.s32 $0x10A80;
	v34 =	vmax.f32 v34, $0.0e+00  }
0x28c: {  	s0 =	simm.s32 $0x190;
	[tilespmem:s31+$0x0] =	vst v34  }
0x28d: {  	s4 =	simm.s32 $0x390;
	v34 =	vld [tilespmem:s0+$0x0]  }
0x28e: {  	s2 =	simm.s32 $0x10;
	s3 =	simm.s32 $0x20;
	v35 =	vld [tilespmem:s4+$0x0]  }
.LBB2_8:
0x28f: {  	p0 =	sne.s32 s3, $0x70;
	_ =	sdelay $0x1  }
0x290: {  	v36 =	vmov s2;
	s2 =	smov.u32 s3  }
0x291: {  	v36 =	vshll.u32 v36, $0x7;
	v34 =	vshll.u32 v34, $0x4  }
0x292: {  	v36 =	vor.u32 v16, v36;
	v34 =	vand.u32 $0x70, v34;
	v35 =	vshll.u32 v35, $0x4  }
0x293: {  	v35 =	vand.u32 $0x70, v35;
	v34 =	vor.u32 v36, v34  }
0x294: {  	v35 =	vor.u32 v36, v35  }
0x295: {  	v36 =	vor.u32 $0x1, v34  }
0x296: {  	v37 =	vor.u32 $0x1, v35  }
0x297: {  	v38 =	vor.u32 $0x2, v34  }
0x298: {  	v40 =	vor.u32 $0x2, v35;
	v39 =	vld.idx.msk [tilespmem:v34+s20+$0x0], $0xffff  }
0x299: {  	v42 =	vor.u32 $0x3, v34;
	v41 =	vld.idx.msk [tilespmem:v35+s22+$0x0], $0xffff  }
0x29a: {  	v43 =	vor.u32 $0x3, v35;
	v36 =	vld.idx.msk [tilespmem:v36+s20+$0x0], $0xffff  }
0x29b: {  	v44 =	vor.u32 $0x4, v34;
	v37 =	vld.idx.msk [tilespmem:v37+s22+$0x0], $0xffff  }
0x29c: {  	v45 =	vor.u32 $0x4, v35;
	v38 =	vld.idx.msk [tilespmem:v38+s20+$0x0], $0xffff  }
0x29d: {  	v46 =	vor.u32 $0x5, v34;
	v40 =	vld.idx.msk [tilespmem:v40+s22+$0x0], $0xffff  }
0x29e: {  	v47 =	vor.u32 $0x5, v35;
	v42 =	vld.idx.msk [tilespmem:v42+s20+$0x0], $0xffff  }
0x29f: {  	v39 =	vmul.f32 v41, v39;
	v41 =	vld.idx.msk [tilespmem:v43+s22+$0x0], $0xffff;
	v43 =	vor.u32 $0x6, v34  }
0x2a0: {  	v48 =	vor.u32 $0x6, v35;
	v44 =	vld.idx.msk [tilespmem:v44+s20+$0x0], $0xffff  }
0x2a1: {  	v39 =	vmul.f32 v39, v22;
	v36 =	vmul.f32 v37, v36;
	v37 =	vld.idx.msk [tilespmem:v45+s22+$0x0], $0xffff;
	v45 =	vor.u32 $0x7, v34  }
0x2a2: {  	v50 =	vor.u32 $0x8, v34;
	v49 =	vor.u32 $0x7, v35;
	v46 =	vld.idx.msk [tilespmem:v46+s20+$0x0], $0xffff  }
0x2a3: {  	v39 =	vadd.f32 v39, v17;
	v36 =	vmul.f32 v36, v18;
	v38 =	vmul.f32 v40, v38;
	v40 =	vld.idx.msk [tilespmem:v47+s22+$0x0], $0xffff  }
0x2a4: {  	v51 =	vor.u32 $0x9, v34;
	v47 =	vor.u32 $0x8, v35;
	v43 =	vld.idx.msk [tilespmem:v43+s20+$0x0], $0xffff  }
0x2a5: {  	v36 =	vadd.f32 v36, v39;
	v38 =	vmul.f32 v38, v19;
	v39 =	vmul.f32 v41, v42;
	v41 =	vld.idx.msk [tilespmem:v48+s22+$0x0], $0xffff  }
0x2a6: {  	v48 =	vor.u32 $0xA, v34;
	v42 =	vld.idx.msk [tilespmem:v45+s20+$0x0], $0xffff;
	v45 =	vor.u32 $0x9, v35  }
0x2a7: {  	v36 =	vadd.f32 v38, v36;
	v38 =	vmul.f32 v39, v20;
	v37 =	vmul.f32 v37, v44;
	v39 =	vld.idx.msk [tilespmem:v49+s22+$0x0], $0xffff  }
0x2a8: {  	v49 =	vor.u32 $0xA, v35;
	v44 =	vld.idx.msk [tilespmem:v50+s20+$0x0], $0xffff;
	v50 =	vor.u32 $0xB, v34  }
0x2a9: {  	v36 =	vadd.f32 v38, v36;
	v37 =	vmul.f32 v37, v21;
	v38 =	vmul.f32 v40, v46;
	v40 =	vld.idx.msk [tilespmem:v47+s22+$0x0], $0xffff  }
0x2aa: {  	v47 =	vor.u32 $0xB, v35;
	v46 =	vld.idx.msk [tilespmem:v51+s20+$0x0], $0xffff;
	v51 =	vor.u32 $0xC, v34  }
0x2ab: {  	v36 =	vadd.f32 v37, v36;
	v37 =	vmul.f32 v38, v23;
	v38 =	vmul.f32 v41, v43;
	v41 =	vld.idx.msk [tilespmem:v45+s22+$0x0], $0xffff  }
0x2ac: {  	v45 =	vor.u32 $0xC, v35;
	v43 =	vld.idx.msk [tilespmem:v48+s20+$0x0], $0xffff;
	v48 =	vor.u32 $0xD, v34  }
0x2ad: {  	v36 =	vadd.f32 v37, v36;
	v37 =	vmul.f32 v38, v24;
	v38 =	vmul.f32 v39, v42;
	v39 =	vld.idx.msk [tilespmem:v49+s22+$0x0], $0xffff  }
0x2ae: {  	v49 =	vor.u32 $0xD, v35;
	v42 =	vld.idx.msk [tilespmem:v50+s20+$0x0], $0xffff;
	v50 =	vor.u32 $0xE, v34  }
0x2af: {  	v36 =	vadd.f32 v37, v36;
	v37 =	vmul.f32 v38, v25;
	v38 =	vmul.f32 v40, v44;
	v40 =	vld.idx.msk [tilespmem:v47+s22+$0x0], $0xffff  }
0x2b0: {  	v34 =	vor.u32 $0xF, v34;
	v47 =	vor.u32 $0xE, v35;
	v44 =	vld.idx.msk [tilespmem:v51+s20+$0x0], $0xffff  }
0x2b1: {  	v36 =	vadd.f32 v37, v36;
	v37 =	vmul.f32 v38, v26;
	v38 =	vmul.f32 v41, v46;
	v41 =	vld.idx.msk [tilespmem:v45+s22+$0x0], $0xffff  }
0x2b2: {  	v35 =	vor.u32 $0xF, v35;
	v45 =	vld.idx.msk [tilespmem:v48+s20+$0x0], $0xffff  }
0x2b3: {  	v36 =	vadd.f32 v37, v36;
	v37 =	vmul.f32 v38, v27;
	v38 =	vmul.f32 v39, v43;
	v39 =	vld.idx.msk [tilespmem:v49+s22+$0x0], $0xffff  }
0x2b4: {  	v43 =	vld.idx.msk [tilespmem:v50+s20+$0x0], $0xffff  }
0x2b5: {  	v36 =	vadd.f32 v37, v36;
	v37 =	vmul.f32 v38, v28;
	v38 =	vmul.f32 v40, v42;
	v40 =	vld.idx.msk [tilespmem:v47+s22+$0x0], $0xffff  }
0x2b6: {  	v34 =	vld.idx.msk [tilespmem:v34+s20+$0x0], $0xffff  }
0x2b7: {  	v36 =	vadd.f32 v37, v36;
	v37 =	vmul.f32 v38, v29;
	v38 =	vmul.f32 v41, v44;
	v35 =	vld.idx.msk [tilespmem:v35+s22+$0x0], $0xffff;
	_ =	sdelay $0x1  }
0x2b8: {  	v36 =	vadd.f32 v37, v36;
	v37 =	vmul.f32 v38, v30;
	v38 =	vmul.f32 v39, v45;
	_ =	sdelay $0x1  }
0x2b9: {  	v36 =	vadd.f32 v37, v36;
	v37 =	vmul.f32 v38, v31;
	v38 =	vmul.f32 v40, v43;
	_ =	sdelay $0x1  }
0x2ba: {  	v36 =	vadd.f32 v37, v36;
	v37 =	vmul.f32 v38, v32;
	v34 =	vmul.f32 v35, v34;
	_ =	sdelay $0x1  }
0x2bb: {  	v35 =	vadd.f32 v37, v36;
	v34 =	vmul.f32 v34, v33;
	_ =	sdelay $0x1  }
0x2bc: {  	v34 =	vadd.f32 v34, v35  }
.Ltmp3:
0x2bd: {  	(pc) =	sbr.rel @p0 .LBB2_8-.Ltmp3, $4  }
0x2be: {  	s31 =	sadd.s32 $0x10, s31;
	v34 =	vmax.f32 v34, $0.0e+00  }
0x2bf: {  	s0 =	sadd.s32 $0x10, s0;
	[tilespmem:s31+$0x0] =	vst v34  }
0x2c0: {  	s4 =	sadd.s32 $0x10, s4;
	v34 =	vld [tilespmem:s0+$0x0]  }
0x2c1: {  	s3 =	sadd.s32 $0x10, s3;
	v35 =	vld [tilespmem:s4+$0x0]  }
0x2c2: {  	_ =	sdelay $0x1  }
0x2c3: {  	v36 =	vmov s2  }
0x2c4: {  	v36 =	vshll.u32 v36, $0x7;
	v34 =	vshll.u32 v34, $0x4  }
0x2c5: {  	v36 =	vor.u32 v16, v36;
	v34 =	vand.u32 $0x70, v34;
	v35 =	vshll.u32 v35, $0x4  }
0x2c6: {  	v35 =	vand.u32 $0x70, v35;
	v34 =	vor.u32 v36, v34  }
0x2c7: {  	v35 =	vor.u32 v36, v35  }
0x2c8: {  	v61 =	vor.u32 $0x1, v34  }
0x2c9: {  	v37 =	vor.u32 $0x1, v35  }
0x2ca: {  	v38 =	vor.u32 $0x2, v34  }
0x2cb: {  	v40 =	vor.u32 $0x2, v35;
	v39 =	vld.idx.msk [tilespmem:v34+s20+$0x0], $0xffff  }
0x2cc: {  	v42 =	vor.u32 $0x3, v34;
	v41 =	vld.idx.msk [tilespmem:v35+s22+$0x0], $0xffff  }
0x2cd: {  	v43 =	vor.u32 $0x3, v35;
	v36 =	vld.idx.msk [tilespmem:v61+s20+$0x0], $0xffff  }
0x2ce: {  	v44 =	vor.u32 $0x4, v34;
	v37 =	vld.idx.msk [tilespmem:v37+s22+$0x0], $0xffff  }
0x2cf: {  	v45 =	vor.u32 $0x4, v35;
	v38 =	vld.idx.msk [tilespmem:v38+s20+$0x0], $0xffff  }
0x2d0: {  	v46 =	vor.u32 $0x5, v34;
	v40 =	vld.idx.msk [tilespmem:v40+s22+$0x0], $0xffff  }
0x2d1: {  	v47 =	vor.u32 $0x5, v35;
	v42 =	vld.idx.msk [tilespmem:v42+s20+$0x0], $0xffff;
	v39 =	vmul.f32 v41, v39  }
0x2d2: {  	v63 =	vor.u32 $0x6, v34;
	v62 =	vld.idx.msk [tilespmem:v43+s22+$0x0], $0xffff  }
0x2d3: {  	v48 =	vor.u32 $0x6, v35;
	v44 =	vld.idx.msk [tilespmem:v44+s20+$0x0], $0xffff;
	v36 =	vmul.f32 v37, v36;
	v22 =	vmul.f32 v39, v22  }
0x2d4: {  	v52 =	vor.u32 $0x7, v34;
	v53 =	vor.u32 $0x7, v35;
	v51 =	vld.idx.msk [tilespmem:v45+s22+$0x0], $0xffff  }
0x2d5: {  	v46 =	vld.idx.msk [tilespmem:v46+s20+$0x0], $0xffff;
	v54 =	vmul.f32 v40, v38;
	v18 =	vmul.f32 v36, v18;
	v17 =	vadd.f32 v22, v17  }
0x2d6: {  	v55 =	vor.u32 $0x8, v34;
	v57 =	vor.u32 $0x8, v35;
	v56 =	vld.idx.msk [tilespmem:v47+s22+$0x0], $0xffff  }
0x2d7: {  	v43 =	vld.idx.msk [tilespmem:v63+s20+$0x0], $0xffff;
	v17 =	vadd.f32 v18, v17;
	v18 =	vmul.f32 v54, v19;
	v19 =	vmul.f32 v62, v42  }
0x2d8: {  	v58 =	vor.u32 $0x9, v34;
	v60 =	vor.u32 $0x9, v35;
	v59 =	vld.idx.msk [tilespmem:v48+s22+$0x0], $0xffff  }
0x2d9: {  	v39 =	vld.idx.msk [tilespmem:v52+s20+$0x0], $0xffff;
	v17 =	vadd.f32 v18, v17;
	v18 =	vmul.f32 v19, v20;
	v19 =	vmul.f32 v51, v44  }
0x2da: {  	v61 =	vor.u32 $0xA, v34;
	v63 =	vor.u32 $0xA, v35;
	v62 =	vld.idx.msk [tilespmem:v53+s22+$0x0], $0xffff  }
0x2db: {  	v47 =	vld.idx.msk [tilespmem:v57+s22+$0x0], $0xffff;
	v17 =	vadd.f32 v18, v17;
	v18 =	vmul.f32 v19, v21;
	v19 =	vmul.f32 v56, v46  }
0x2dc: {  	v48 =	vor.u32 $0xB, v35;
	v36 =	vld.idx.msk [tilespmem:v55+s20+$0x0], $0xffff;
	v46 =	vor.u32 $0xB, v34  }
0x2dd: {  	v50 =	vld.idx.msk [tilespmem:v60+s22+$0x0], $0xffff;
	v17 =	vadd.f32 v18, v17;
	v18 =	vmul.f32 v19, v23;
	v19 =	vmul.f32 v59, v43  }
0x2de: {  	v49 =	vor.u32 $0xC, v34;
	v22 =	vld.idx.msk [tilespmem:v58+s20+$0x0], $0xffff;
	v51 =	vor.u32 $0xC, v35  }
0x2df: {  	v53 =	vld.idx.msk [tilespmem:v63+s22+$0x0], $0xffff;
	v17 =	vadd.f32 v18, v17;
	v18 =	vmul.f32 v19, v24;
	v19 =	vmul.f32 v62, v39  }
0x2e0: {  	v52 =	vor.u32 $0xD, v34;
	v54 =	vor.u32 $0xD, v35;
	v20 =	vld.idx.msk [tilespmem:v61+s20+$0x0], $0xffff  }
0x2e1: {  	v56 =	vld.idx.msk [tilespmem:v48+s22+$0x0], $0xffff;
	v17 =	vadd.f32 v18, v17;
	v18 =	vmul.f32 v19, v25;
	v19 =	vmul.f32 v47, v36  }
0x2e2: {  	v57 =	vor.u32 $0xE, v35;
	v55 =	vor.u32 $0xE, v34;
	v21 =	vld.idx.msk [tilespmem:v46+s20+$0x0], $0xffff  }
0x2e3: {  	v23 =	vld.idx.msk [tilespmem:v49+s20+$0x0], $0xffff;
	v17 =	vadd.f32 v18, v17;
	v18 =	vmul.f32 v19, v26;
	v19 =	vmul.f32 v50, v22  }
0x2e4: {  	v60 =	vor.u32 $0xF, v35;
	v58 =	vor.u32 $0xF, v34;
	v59 =	vld.idx.msk [tilespmem:v51+s22+$0x0], $0xffff  }
0x2e5: {  	v61 =	vld.idx.msk [tilespmem:v54+s22+$0x0], $0xffff;
	v17 =	vadd.f32 v18, v17;
	v18 =	vmul.f32 v19, v27;
	v19 =	vmul.f32 v53, v20  }
0x2e6: {  	v24 =	vld.idx.msk [tilespmem:v52+s20+$0x0], $0xffff  }
0x2e7: {  	v62 =	vld.idx.msk [tilespmem:v57+s22+$0x0], $0xffff;
	v17 =	vadd.f32 v18, v17;
	v18 =	vmul.f32 v19, v28;
	v19 =	vmul.f32 v56, v21  }
0x2e8: {  	v25 =	vld.idx.msk [tilespmem:v55+s20+$0x0], $0xffff  }
0x2e9: {  	v63 =	vld.idx.msk [tilespmem:v60+s22+$0x0], $0xffff;
	v17 =	vadd.f32 v18, v17;
	v18 =	vmul.f32 v19, v29;
	v19 =	vmul.f32 v59, v23  }
0x2ea: {  	v22 =	vld.idx.msk [tilespmem:v58+s20+$0x0], $0xffff  }
0x2eb: {  	v17 =	vadd.f32 v18, v17;
	v18 =	vmul.f32 v19, v30;
	v19 =	vmul.f32 v61, v24;
	_ =	sdelay $0x1  }
0x2ec: {  	v17 =	vadd.f32 v18, v17;
	v18 =	vmul.f32 v19, v31;
	v19 =	vmul.f32 v62, v25;
	_ =	sdelay $0x1  }
0x2ed: {  	v17 =	vadd.f32 v18, v17;
	v18 =	vmul.f32 v19, v32;
	v19 =	vmul.f32 v63, v22;
	_ =	sdelay $0x1  }
0x2ee: {  	v17 =	vadd.f32 v18, v17;
	v18 =	vmul.f32 v19, v33;
	_ =	sdelay $0x1  }
0x2ef: {  	v17 =	vadd.f32 v18, v17  }
0x2f0: {  	s30 =	sadd.s32 $0x1, s30  }
0x2f1: {  	s0 =	sadd.s32 $0x10, s31;
	p0 =	sne.s32 s30, s9;
	v17 =	vmax.f32 v17, $0.0e+00  }
.Ltmp4:
0x2f2: {  	[tilespmem:s0+$0x0] =	vst v17;
	(pc) =	sbr.rel @p0 .LBB2_1-.Ltmp4, $4  }
0x2f3: {  	[hbm4b:s8+s5] =	stream.linear.scatter [tilespmem:s29], [sflag:$0x3], $0x200, $0x38;
	[tilespmem:$0x10B00] =	vst v63  }
0x2f4: {  	_ =	swait.ge [sflag:s10], $0x200  }
0x2f5: {  	[sflag:s10] =	ssyncset.done $0x0  }
0x2f6: {  	[sflag:s10] =	ssyncadd.s32 $0xFFFFFE00  }
0x2f7: {  	_ =	sfence.sel $0x180000  }
0x2f8: {  	[bflag:$0x0] =	sbarrier.arrive $0xFFFF  }
0x2f9: {  	_ =	strace $0x90000047  }
0x2fa: {  	s0 =	stileid.u32;
	[bflag:$0x2] =	sbarrier.arrive $0xFFFF  }
0x2fb: {  	p0 =	sne.s32 s0, $0x0;
	s0 =	rddreg [dreg:$0x6]  }
0x2fc: {  	s0 =	sadd.s32 @!p0 $0x100000, s0  }
0x2fd: {  	[sflag:s0] =	ssyncadd.tile.s32 @!p0 $0x1;
	_ =	shalt  }
.Lfunc_end2:
_tile_overlayer_lowered:
.L_overlay_start_2:
0x2fe: {  	(tag) =	ssettag $0x2  }
0x2ff: {  	s0 =	rddreg [dreg:$0x0];
	s2 =	stileid.u32  }
0x300: {  	s1 =	rddreg [dreg:$0x1];
	p0 =	sne.s32 s2, $0x0  }
0x301: {  	s3 =	rddreg [dreg:$0x2];
	[bflag:$0x3] =	sbarrier.arrive $0xFFFF;
	s2 =	simm.s32 @!p0 $0x1C03  }
0x302: {  	[timem:s3], [sflag:s2] =	dma.local @!p0 [hbm:s0], s1  }
0x303: {  	s0 =	simm.s32 @!p0 $0x3  }
0x304: {  	_ =	swait.ge @!p0 [sflag:s0], s1  }
0x305: {  	s1 =	ssub.s32 @!p0 $0x0, s1;
	[sflag:s0] =	ssyncset.done @!p0 $0x0  }
0x306: {  	[sflag:s0] =	ssyncadd.s32 @!p0 s1  }
0x307: {  	[bflag:$0x3] =	sbarrier.arrive $0xFFFF  }
0x308: {  	_ =	shalt  }

</sc_bundles>
